<compile_context>
chip_gen: v7x
topology: tpu7x:2x2x1
jax: 0.10.2.dev20260603
libtpu: 0.0.44.dev20260713+nightly
codegen_flags: <defaults>
</compile_context>

<pallas_src>
import functools

import jax
import jax.numpy as jnp
from jax import lax
from jax.experimental import pallas as pl
from jax.experimental.pallas import tpu as pltpu
from jax.experimental.pallas import tpu_sc as plsc

N = 10000
E = 320000
D = 128
NC, NS = 2, 16
NW = NC * NS
CH = 128
G = 4
FAST = 0
KCF = 144
KCS = 16
NGF = KCF // G
NGS = KCS // G
E_PAD = NS * (KCF + KCS) * CH
RPS = 640
N_PAD = NS * RPS


@functools.cache
def _make_agg(with_deg):
    outs = [jax.ShapeDtypeStruct((NC * N_PAD, D), jnp.float32)]
    scratch = [
        pltpu.VMEM((G, CH), jnp.int32),
        pltpu.VMEM((G, CH), jnp.int32),
        pltpu.VMEM((CH, D), jnp.float32),
        pltpu.VMEM((CH, D), jnp.float32),
        pltpu.VMEM_SHARED((N_PAD, D), jnp.float32),
    ] + [pltpu.SemaphoreType.DMA] * 6
    if with_deg:
        outs.append(jax.ShapeDtypeStruct((NW, N_PAD), jnp.float32))
        scratch.append(pltpu.VMEM((N_PAD,), jnp.float32))
    mesh = plsc.VectorSubcoreMesh(core_axis_name="c", subcore_axis_name="s",
                                  num_cores=NC, num_subcores=NS)

    def body(z_hbm, srcf_hbm, dstf_hbm, srcs_hbm, dsts_hbm, zrow_hbm,
             out_hbm, *rest):
        if with_deg:
            (deg_hbm, src_v, dst_v, rows0, rows1, acc,
             sem0, sem1, sem2, sem3, sem4, sem5, deg_t) = rest
        else:
            (src_v, dst_v, rows0, rows1, acc,
             sem0, sem1, sem2, sem3, sem4, sem5) = rest
        rows = (rows0, rows1)
        gsems = ((sem0, sem1), (sem2, sem3))
        ssems = (sem4, sem5)
        H = CH // 2
        cid = lax.axis_index("c")
        sid = lax.axis_index("s")
        widx = cid * NS + sid
        pltpu.sync_copy(zrow_hbm, acc.at[pl.ds(sid * RPS, RPS)])
        if with_deg:
            @pl.loop(0, N_PAD // 16)
            def _zero(i):
                deg_t[pl.ds(i * 16, 16)] = jnp.zeros((16,), jnp.float32)
        plsc.subcore_barrier()
        ones = jnp.ones((16,), jnp.float32)

        def run_pipeline(src_hbm, dst_hbm, ng):
            @pl.loop(0, ng)
            def _group(g):
                pltpu.sync_copy(src_hbm.at[sid, pl.ds(g * G, G)], src_v)
                pltpu.sync_copy(dst_hbm.at[sid, pl.ds(g * G, G)], dst_v)
                def gather(j, b):
                    return [
                        pltpu.async_copy(z_hbm.at[src_v.at[j, pl.ds(0, H)]],
                                         rows[b].at[pl.ds(0, H)],
                                         gsems[b][0]),
                        pltpu.async_copy(z_hbm.at[src_v.at[j, pl.ds(H, H)]],
                                         rows[b].at[pl.ds(H, H)],
                                         gsems[b][1]),
                    ]

                gd = [None, None]
                sd = [None, None]
                gd[0] = gather(0, 0)
                for j in range(G):
                    b = j % 2
                    nb = 1 - b
                    if j >= 1:
                        sd[nb].wait()
                    if j + 1 < G:
                        gd[nb] = gather(j + 1, nb)
                    for d in gd[b]:
                        d.wait()
                    sd[b] = pltpu.async_copy(rows[b], acc.at[dst_v.at[j]],
                                             ssems[b], add=True)
                    if with_deg:
                        for k in range(CH // 16):
                            idx = dst_v[j, pl.ds(k * 16, 16)]
                            plsc.addupdate_scatter(deg_t, [idx], ones)
                sd[(G - 1) % 2].wait()

        @pl.when(cid == FAST)
        def _fast():
            run_pipeline(srcf_hbm, dstf_hbm, NGF)

        @pl.when(cid != FAST)
        def _slow():
            run_pipeline(srcs_hbm, dsts_hbm, NGS)

        plsc.subcore_barrier()
        base = cid * N_PAD + sid * RPS
        pltpu.sync_copy(acc.at[pl.ds(sid * RPS, RPS)],
                        out_hbm.at[pl.ds(base, RPS)])
        if with_deg:
            pltpu.sync_copy(deg_t, deg_hbm.at[widx])

    params = (pltpu.CompilerParams(needs_layout_passes=False)
              if with_deg else None)
    return pl.kernel(body, out_type=tuple(outs) if with_deg else outs[0],
                     mesh=mesh, scratch_types=scratch,
                     compiler_params=params)


def _matmul_t(a, w):
    return lax.dot_general(a, w, (((1,), (1,)), ((), ())),
                           preferred_element_type=jnp.float32)


def _dense1_body(x_ref, wl_ref, wr_ref, b_ref, z_ref, r_ref):
    xv = x_ref[...]
    z_ref[...] = _matmul_t(xv, wl_ref[...])
    r_ref[...] = _matmul_t(xv, wr_ref[...]) + b_ref[...]


def _mid_body(p0_ref, p1_ref, dg_ref, r1_ref, wl_ref, wr_ref, b_ref,
              z_ref, r_ref):
    deg = jnp.sum(dg_ref[...], axis=1)[:, None]
    inv = 1.0 / jnp.maximum(deg, 1.0)
    h = jnp.maximum((p0_ref[...] + p1_ref[...]) * inv + r1_ref[...], 0.0)
    z_ref[...] = _matmul_t(h, wl_ref[...])
    r_ref[...] = _matmul_t(h, wr_ref[...]) + b_ref[...]


def _final_body(p0_ref, p1_ref, dg_ref, r2_ref, o_ref):
    deg = jnp.sum(dg_ref[...], axis=1)[:, None]
    inv = 1.0 / jnp.maximum(deg, 1.0)
    o_ref[...] = (p0_ref[...] + p1_ref[...]) * inv + r2_ref[...]


TB = 1000


def _row_spec(w):
    return pl.BlockSpec((TB, w), lambda i: (i, 0))


def _full_spec(shape):
    return pl.BlockSpec(shape, lambda i: (0,) * len(shape))


_dense1 = pl.pallas_call(
    _dense1_body, grid=(N // TB,),
    in_specs=[_row_spec(D), _full_spec((D, D)), _full_spec((D, D)),
              _full_spec((1, D))],
    out_specs=[_row_spec(D), _row_spec(D)],
    out_shape=[jax.ShapeDtypeStruct((N, D), jnp.float32)] * 2,
)

_deg_spec = pl.BlockSpec((TB, NW), lambda i: (i, 0))

_mid = pl.pallas_call(
    _mid_body, grid=(N // TB,),
    in_specs=[_row_spec(D), _row_spec(D), _deg_spec,
              _row_spec(D), _full_spec((D, D)), _full_spec((D, D)),
              _full_spec((1, D))],
    out_specs=[_row_spec(D), _row_spec(D)],
    out_shape=[jax.ShapeDtypeStruct((N, D), jnp.float32)] * 2,
)

_final = pl.pallas_call(
    _final_body, grid=(N // TB,),
    in_specs=[_row_spec(D), _row_spec(D), _deg_spec, _row_spec(D)],
    out_specs=_row_spec(D),
    out_shape=jax.ShapeDtypeStruct((N, D), jnp.float32),
)


def kernel(x, edge_index, W_l1, b_l1, W_r1, W_l2, b_l2, W_r2):
    ei = edge_index.astype(jnp.int32)
    pad = E_PAD - E
    src = jnp.concatenate([ei[0], jnp.zeros((pad,), jnp.int32)])
    dst = jnp.concatenate([ei[1], jnp.full((pad,), N, jnp.int32)])
    EF = NS * KCF * CH
    srcf = src[:EF].reshape(NS, KCF, CH)
    dstf = dst[:EF].reshape(NS, KCF, CH)
    srcs = src[EF:].reshape(NS, KCS, CH)
    dsts = dst[EF:].reshape(NS, KCS, CH)
    zrow = jnp.zeros((RPS, D), jnp.float32)

    z1, r1 = _dense1(x, W_l1, W_r1, b_l1.reshape(1, D))
    part1, degp = _make_agg(True)(z1, srcf, dstf, srcs, dsts, zrow)
    p0, p1 = part1[:N], part1[N_PAD:N_PAD + N]
    dg = degp[:, :N].T
    z2, r2 = _mid(p0, p1, dg, r1, W_l2, W_r2, b_l2.reshape(1, D))
    part2 = _make_agg(False)(z2, srcf, dstf, srcs, dsts, zrow)
    q0, q1 = part2[:N], part2[N_PAD:N_PAD + N]
    return _final(q0, q1, dg, r2)

# --- scband reference (transcript-rebuilt; emitter-appended) ---
"""Pipeline reference for scband-graph-sage-10694468567472 (READ-ONLY COPY).

The authoritative reference and input builder live on the scoring server;
editing this copy changes nothing except your own understanding.
"""

import jax, jax.numpy as jnp
import numpy as np

N_NODES = 10000
N_EDGES = 320000
D_IN = 128
D_HID = 128
D_OUT = 128


def setup_inputs(seed: int = 0) -> dict:
    key = jax.random.key(seed)
    ks = jax.random.split(key, 8)
    x = jax.random.normal(ks[0], (N_NODES, D_IN), dtype=jnp.float32)
    edge_index = jax.random.randint(ks[1], (2, N_EDGES), 0, N_NODES, dtype=jnp.int64 if jax.config.jax_enable_x64 else jnp.int32)
    s1 = 1.0 / np.sqrt(D_IN)
    s2 = 1.0 / np.sqrt(D_HID)
    W_l1 = jax.random.uniform(ks[2], (D_HID, D_IN), jnp.float32, -s1, s1)
    b_l1 = jax.random.uniform(ks[3], (D_HID,), jnp.float32, -s1, s1)
    W_r1 = jax.random.uniform(ks[4], (D_HID, D_IN), jnp.float32, -s1, s1)
    W_l2 = jax.random.uniform(ks[5], (D_OUT, D_HID), jnp.float32, -s2, s2)
    b_l2 = jax.random.uniform(ks[6], (D_OUT,), jnp.float32, -s2, s2)
    W_r2 = jax.random.uniform(ks[7], (D_OUT, D_HID), jnp.float32, -s2, s2)
    return {"x": x, "edge_index": edge_index, "W_l1": W_l1, "b_l1": b_l1, "W_r1": W_r1, "W_l2": W_l2, "b_l2": b_l2, "W_r2": W_r2}


def _sage_conv(x, edge_index, W_l, b_l, W_r):
    # SAGEConv with mean aggregation: out = lin_l(mean_{j in N(i)} x_j) + lin_r(x_i)
    src = edge_index[0]
    dst = edge_index[1]
    msgs = jnp.take(x, src, axis=0)                                   # gather [E, d]
    summed = jax.ops.segment_sum(msgs, dst, num_segments=N_NODES)     # scatter-add
    deg = jax.ops.segment_sum(jnp.ones((msgs.shape[0],), jnp.float32), dst, num_segments=N_NODES)
    mean = summed / jnp.clip(deg, 1.0, None)[:, None]
    return mean @ W_l.T + b_l + x @ W_r.T


def reference(x, edge_index, W_l1, b_l1, W_r1, W_l2, b_l2, W_r2):
    # eval mode: dropout is identity
    h = _sage_conv(x, edge_index, W_l1, b_l1, W_r1)
    h = jax.nn.relu(h)
    out = _sage_conv(h, edge_index, W_l2, b_l2, W_r2)
    return out

if __name__ == "__main__":
    import jax
    _d = setup_inputs()
    print(jax.jit(kernel)(*tuple(_d.values())))

</pallas_src>

<mosaic_0001>
#map = affine_map<(d0, d1) -> (0, 0)>
#map1 = affine_map<(d0, d1) -> (0, 0, 0)>
module attributes {stable_mosaic.version = 14 : i64} {
  func.func @body(%arg0: i32, %arg1: i32, %arg2: memref<10000x128xf32, #tpu.memory_space<hbm>>, %arg3: memref<16x144x128xi32, #tpu.memory_space<hbm>>, %arg4: memref<16x144x128xi32, #tpu.memory_space<hbm>>, %arg5: memref<16x16x128xi32, #tpu.memory_space<hbm>>, %arg6: memref<16x16x128xi32, #tpu.memory_space<hbm>>, %arg7: memref<640x128xf32, #tpu.memory_space<hbm>>, %arg8: memref<20480x128xf32, #tpu.memory_space<hbm>>, %arg9: memref<32x10240xf32, #tpu.memory_space<hbm>>, %arg10: memref<4x128xi32, #tpu.memory_space<vmem>>, %arg11: memref<4x128xi32, #tpu.memory_space<vmem>>, %arg12: memref<128x128xf32, #tpu.memory_space<vmem>>, %arg13: memref<128x128xf32, #tpu.memory_space<vmem>>, %arg14: memref<10240x128xf32, #tpu.memory_space<vmem_shared>>, %arg15: memref<!tpu.dma_semaphore, #tpu.memory_space<semaphore_mem>>, %arg16: memref<!tpu.dma_semaphore, #tpu.memory_space<semaphore_mem>>, %arg17: memref<!tpu.dma_semaphore, #tpu.memory_space<semaphore_mem>>, %arg18: memref<!tpu.dma_semaphore, #tpu.memory_space<semaphore_mem>>, %arg19: memref<!tpu.dma_semaphore, #tpu.memory_space<semaphore_mem>>, %arg20: memref<!tpu.dma_semaphore, #tpu.memory_space<semaphore_mem>>, %arg21: memref<10240xf32, #tpu.memory_space<vmem>>) attributes {dimension_semantics = [#tpu.dimension_semantics<core_parallel>, #tpu.dimension_semantics<subcore_parallel>], iteration_bounds = array<i64: 2, 16>, scalar_prefetch = 0 : i64, scratch_operands = 12 : i64, tpu.core_type = #tpu.core_type<sc_vector_subcore>, window_params = [{transform_indices = #map}, {transform_indices = #map1}, {transform_indices = #map1}, {transform_indices = #map1}, {transform_indices = #map1}, {transform_indices = #map}, {transform_indices = #map}, {transform_indices = #map}]} {
    %mul3A = arith.constant 16 : i32
    %mul3A_0 = arith.muli %arg0, %mul3A : i32
    %add3A = arith.addi %mul3A_0, %arg1 : i32
    %mul3A_1 = arith.constant 640 : i32
    %mul3A_2 = arith.muli %arg1, %mul3A_1 : i32
    "tpu.region"() ({
      %run_scoped3A = tpu.sem_alloc : memref<!tpu.dma_semaphore, #tpu.memory_space<semaphore_mem>>
      %dma_start3A = arith.constant 0 : i32
      %dma_start3A_22 = tpu.memref_slice %arg14[%mul3A_2, %dma_start3A] : memref<10240x128xf32, #tpu.memory_space<vmem_shared>> -> memref<640x128xf32, #tpu.memory_space<vmem_shared>>
      tpu.enqueue_dma source(%arg7 : memref<640x128xf32, #tpu.memory_space<hbm>>) target(%dma_start3A_22 : memref<640x128xf32, #tpu.memory_space<vmem_shared>>) target_semaphore(%run_scoped3A : memref<!tpu.dma_semaphore, #tpu.memory_space<semaphore_mem>>)
      %dma_wait3A = arith.constant 0 : i32
      %dma_wait3A_23 = tpu.memref_slice %arg14[%mul3A_2, %dma_wait3A] : memref<10240x128xf32, #tpu.memory_space<vmem_shared>> -> memref<640x128xf32, #tpu.memory_space<vmem_shared>>
      tpu.wait_dma2 semaphore(%run_scoped3A : memref<!tpu.dma_semaphore, #tpu.memory_space<semaphore_mem>>) src(%arg7 : memref<640x128xf32, #tpu.memory_space<hbm>>) dst(%dma_wait3A_23 : memref<640x128xf32, #tpu.memory_space<vmem_shared>>)
      tpu.yield
    }) : () -> ()
    %scan3A = arith.constant 0 : i32
    %scan3A_3 = arith.constant 640 : i32
    %scan3A_4 = arith.addi %scan3A, %scan3A_3 : i32
    %scan3A_5 = arith.constant 1 : i32
    scf.for %scan3A_22 = %scan3A to %scan3A_4 step %scan3A_5  : i32 {
      %mul3A_23 = arith.constant 1 : i32
      %mul3A_24 = arith.muli %scan3A_22, %mul3A_23 : i32
      %add3A_25 = arith.constant 0 : i32
      %add3A_26 = arith.addi %add3A_25, %mul3A_24 : i32
      %broadcast_in_dim3A_27 = arith.constant 0.000000e+00 : f32
      %broadcast_in_dim3A_28 = vector.broadcast %broadcast_in_dim3A_27 : f32 to vector<16xf32>
      %mul3A_29 = arith.constant 16 : i32
      %mul3A_30 = arith.muli %add3A_26, %mul3A_29 : i32
      %swap3A = arith.index_cast %mul3A_30 : i32 to index
      %swap3A_31 = tpu.vector_load %arg21[%swap3A] {strides = array<i32>} : memref<10240xf32, #tpu.memory_space<vmem>>, vector<16xf32>,
      tpu.vector_store %arg21[%swap3A], %broadcast_in_dim3A_28 {strides = array<i32>} : memref<10240xf32, #tpu.memory_space<vmem>>, vector<16xf32>,
    }
    %scan3A_6 = arith.constant 640 : i32
    %barrier3A = arith.constant 0 : index
    tpu.barrier barrier_id(%barrier3A)
    %broadcast_in_dim3A = arith.constant 1.000000e+00 : f32
    %broadcast_in_dim3A_7 = vector.broadcast %broadcast_in_dim3A : f32 to vector<16xf32>
    %eq3A = arith.constant 0 : i32
    %eq3A_8 = arith.cmpi eq, %arg0, %eq3A : i32
    %convert_element_type3A = arith.extui %eq3A_8 : i1 to i32
    %cond3A = arith.constant 0 : i32
    %cond3A_9 = arith.cmpi ne, %convert_element_type3A, %cond3A : i32
    scf.if %cond3A_9 {
      %scan3A_22 = arith.constant 0 : i32
      %scan3A_23 = arith.constant 36 : i32
      %scan3A_24 = arith.addi %scan3A_22, %scan3A_23 : i32
      %scan3A_25 = arith.constant 1 : i32
      scf.for %scan3A_27 = %scan3A_22 to %scan3A_24 step %scan3A_25  : i32 {
        %mul3A_28 = arith.constant 1 : i32
        %mul3A_29 = arith.muli %scan3A_27, %mul3A_28 : i32
        %add3A_30 = arith.constant 0 : i32
        %add3A_31 = arith.addi %add3A_30, %mul3A_29 : i32
        %mul3A_32 = arith.constant 4 : i32
        %mul3A_33 = arith.muli %add3A_31, %mul3A_32 : i32
        "tpu.region"() ({
          %run_scoped3A = tpu.sem_alloc : memref<!tpu.dma_semaphore, #tpu.memory_space<semaphore_mem>>
          %dma_start3A_377 = arith.constant 0 : i32
          %dma_start3A_378 = tpu.memref_slice %arg3[%arg1, %mul3A_33, %dma_start3A_377] : memref<16x144x128xi32, #tpu.memory_space<hbm>> -> memref<1x4x128xi32, #tpu.memory_space<hbm>>
          %dma_start3A_379 = tpu.memref_squeeze %dma_start3A_378 : memref<1x4x128xi32, #tpu.memory_space<hbm>> -> memref<4x128xi32, #tpu.memory_space<hbm>>
          %dma_start3A_380 = arith.constant 0 : i32
          %dma_start3A_381 = tpu.memref_slice %arg3[%arg1, %mul3A_33, %dma_start3A_380] : memref<16x144x128xi32, #tpu.memory_space<hbm>> -> memref<1x4x128xi32, #tpu.memory_space<hbm>>
          %dma_start3A_382 = tpu.memref_squeeze %dma_start3A_381 : memref<1x4x128xi32, #tpu.memory_space<hbm>> -> memref<4x128xi32, #tpu.memory_space<hbm>>
          tpu.enqueue_dma source(%dma_start3A_382 : memref<4x128xi32, #tpu.memory_space<hbm>>) target(%arg10 : memref<4x128xi32, #tpu.memory_space<vmem>>) target_semaphore(%run_scoped3A : memref<!tpu.dma_semaphore, #tpu.memory_space<semaphore_mem>>)
          %dma_wait3A_383 = arith.constant 0 : i32
          %dma_wait3A_384 = tpu.memref_slice %arg3[%arg1, %mul3A_33, %dma_wait3A_383] : memref<16x144x128xi32, #tpu.memory_space<hbm>> -> memref<1x4x128xi32, #tpu.memory_space<hbm>>
          %dma_wait3A_385 = tpu.memref_squeeze %dma_wait3A_384 : memref<1x4x128xi32, #tpu.memory_space<hbm>> -> memref<4x128xi32, #tpu.memory_space<hbm>>
          %dma_wait3A_386 = arith.constant 0 : i32
          %dma_wait3A_387 = tpu.memref_slice %arg3[%arg1, %mul3A_33, %dma_wait3A_386] : memref<16x144x128xi32, #tpu.memory_space<hbm>> -> memref<1x4x128xi32, #tpu.memory_space<hbm>>
          %dma_wait3A_388 = tpu.memref_squeeze %dma_wait3A_387 : memref<1x4x128xi32, #tpu.memory_space<hbm>> -> memref<4x128xi32, #tpu.memory_space<hbm>>
          tpu.wait_dma2 semaphore(%run_scoped3A : memref<!tpu.dma_semaphore, #tpu.memory_space<semaphore_mem>>) src(%dma_wait3A_388 : memref<4x128xi32, #tpu.memory_space<hbm>>) dst(%arg10 : memref<4x128xi32, #tpu.memory_space<vmem>>)
          tpu.yield
        }) : () -> ()
        %mul3A_34 = arith.constant 4 : i32
        %mul3A_35 = arith.muli %add3A_31, %mul3A_34 : i32
        "tpu.region"() ({
          %run_scoped3A = tpu.sem_alloc : memref<!tpu.dma_semaphore, #tpu.memory_space<semaphore_mem>>
          %dma_start3A_377 = arith.constant 0 : i32
          %dma_start3A_378 = tpu.memref_slice %arg4[%arg1, %mul3A_35, %dma_start3A_377] : memref<16x144x128xi32, #tpu.memory_space<hbm>> -> memref<1x4x128xi32, #tpu.memory_space<hbm>>
          %dma_start3A_379 = tpu.memref_squeeze %dma_start3A_378 : memref<1x4x128xi32, #tpu.memory_space<hbm>> -> memref<4x128xi32, #tpu.memory_space<hbm>>
          %dma_start3A_380 = arith.constant 0 : i32
          %dma_start3A_381 = tpu.memref_slice %arg4[%arg1, %mul3A_35, %dma_start3A_380] : memref<16x144x128xi32, #tpu.memory_space<hbm>> -> memref<1x4x128xi32, #tpu.memory_space<hbm>>
          %dma_start3A_382 = tpu.memref_squeeze %dma_start3A_381 : memref<1x4x128xi32, #tpu.memory_space<hbm>> -> memref<4x128xi32, #tpu.memory_space<hbm>>
          tpu.enqueue_dma source(%dma_start3A_382 : memref<4x128xi32, #tpu.memory_space<hbm>>) target(%arg11 : memref<4x128xi32, #tpu.memory_space<vmem>>) target_semaphore(%run_scoped3A : memref<!tpu.dma_semaphore, #tpu.memory_space<semaphore_mem>>)
          %dma_wait3A_383 = arith.constant 0 : i32
          %dma_wait3A_384 = tpu.memref_slice %arg4[%arg1, %mul3A_35, %dma_wait3A_383] : memref<16x144x128xi32, #tpu.memory_space<hbm>> -> memref<1x4x128xi32, #tpu.memory_space<hbm>>
          %dma_wait3A_385 = tpu.memref_squeeze %dma_wait3A_384 : memref<1x4x128xi32, #tpu.memory_space<hbm>> -> memref<4x128xi32, #tpu.memory_space<hbm>>
          %dma_wait3A_386 = arith.constant 0 : i32
          %dma_wait3A_387 = tpu.memref_slice %arg4[%arg1, %mul3A_35, %dma_wait3A_386] : memref<16x144x128xi32, #tpu.memory_space<hbm>> -> memref<1x4x128xi32, #tpu.memory_space<hbm>>
          %dma_wait3A_388 = tpu.memref_squeeze %dma_wait3A_387 : memref<1x4x128xi32, #tpu.memory_space<hbm>> -> memref<4x128xi32, #tpu.memory_space<hbm>>
          tpu.wait_dma2 semaphore(%run_scoped3A : memref<!tpu.dma_semaphore, #tpu.memory_space<semaphore_mem>>) src(%dma_wait3A_388 : memref<4x128xi32, #tpu.memory_space<hbm>>) dst(%arg11 : memref<4x128xi32, #tpu.memory_space<vmem>>)
          tpu.yield
        }) : () -> ()
        %dma_start3A = arith.constant 0 : i32
        %dma_start3A_36 = arith.constant 0 : i32
        %dma_start3A_37 = arith.constant 0 : i32
        %dma_start3A_38 = tpu.memref_slice %arg12[%dma_start3A_36, %dma_start3A_37] : memref<128x128xf32, #tpu.memory_space<vmem>> -> memref<64x128xf32, #tpu.memory_space<vmem>>
        %dma_start3A_39 = arith.constant 0 : i32
        %dma_start3A_40 = tpu.memref_slice %arg10[%dma_start3A, %dma_start3A_39] : memref<4x128xi32, #tpu.memory_space<vmem>> -> memref<1x64xi32, #tpu.memory_space<vmem>>
        %dma_start3A_41 = tpu.memref_squeeze %dma_start3A_40 : memref<1x64xi32, #tpu.memory_space<vmem>> -> memref<64xi32, #tpu.memory_space<vmem>>
        %dma_start3A_42 = arith.constant 0 : i32
        %dma_start3A_43 = arith.constant 0 : i32
        %dma_start3A_44 = tpu.memref_slice %arg2[%dma_start3A_42, %dma_start3A_43] : memref<10000x128xf32, #tpu.memory_space<hbm>> -> memref<10000x128xf32, #tpu.memory_space<hbm>>
        tpu.enqueue_indirect_dma source(%dma_start3A_44 : memref<10000x128xf32, #tpu.memory_space<hbm>>) target(%dma_start3A_38 : memref<64x128xf32, #tpu.memory_space<vmem>>) offsets(%dma_start3A_41 : memref<64xi32, #tpu.memory_space<vmem>>) semaphore(%arg15 : memref<!tpu.dma_semaphore, #tpu.memory_space<semaphore_mem>>)
        %dma_start3A_45 = arith.constant 0 : i32
        %dma_start3A_46 = arith.constant 64 : i32
        %dma_start3A_47 = arith.constant 0 : i32
        %dma_start3A_48 = tpu.memref_slice %arg12[%dma_start3A_46, %dma_start3A_47] : memref<128x128xf32, #tpu.memory_space<vmem>> -> memref<64x128xf32, #tpu.memory_space<vmem>>
        %dma_start3A_49 = arith.constant 64 : i32
        %dma_start3A_50 = tpu.memref_slice %arg10[%dma_start3A_45, %dma_start3A_49] : memref<4x128xi32, #tpu.memory_space<vmem>> -> memref<1x64xi32, #tpu.memory_space<vmem>>
        %dma_start3A_51 = tpu.memref_squeeze %dma_start3A_50 : memref<1x64xi32, #tpu.memory_space<vmem>> -> memref<64xi32, #tpu.memory_space<vmem>>
        %dma_start3A_52 = arith.constant 0 : i32
        %dma_start3A_53 = arith.constant 0 : i32
        %dma_start3A_54 = tpu.memref_slice %arg2[%dma_start3A_52, %dma_start3A_53] : memref<10000x128xf32, #tpu.memory_space<hbm>> -> memref<10000x128xf32, #tpu.memory_space<hbm>>
        tpu.enqueue_indirect_dma source(%dma_start3A_54 : memref<10000x128xf32, #tpu.memory_space<hbm>>) target(%dma_start3A_48 : memref<64x128xf32, #tpu.memory_space<vmem>>) offsets(%dma_start3A_51 : memref<64xi32, #tpu.memory_space<vmem>>) semaphore(%arg16 : memref<!tpu.dma_semaphore, #tpu.memory_space<semaphore_mem>>)
        %dma_start3A_55 = arith.constant 1 : i32
        %dma_start3A_56 = arith.constant 0 : i32
        %dma_start3A_57 = arith.constant 0 : i32
        %dma_start3A_58 = tpu.memref_slice %arg13[%dma_start3A_56, %dma_start3A_57] : memref<128x128xf32, #tpu.memory_space<vmem>> -> memref<64x128xf32, #tpu.memory_space<vmem>>
        %dma_start3A_59 = arith.constant 0 : i32
        %dma_start3A_60 = tpu.memref_slice %arg10[%dma_start3A_55, %dma_start3A_59] : memref<4x128xi32, #tpu.memory_space<vmem>> -> memref<1x64xi32, #tpu.memory_space<vmem>>
        %dma_start3A_61 = tpu.memref_squeeze %dma_start3A_60 : memref<1x64xi32, #tpu.memory_space<vmem>> -> memref<64xi32, #tpu.memory_space<vmem>>
        %dma_start3A_62 = arith.constant 0 : i32
        %dma_start3A_63 = arith.constant 0 : i32
        %dma_start3A_64 = tpu.memref_slice %arg2[%dma_start3A_62, %dma_start3A_63] : memref<10000x128xf32, #tpu.memory_space<hbm>> -> memref<10000x128xf32, #tpu.memory_space<hbm>>
        tpu.enqueue_indirect_dma source(%dma_start3A_64 : memref<10000x128xf32, #tpu.memory_space<hbm>>) target(%dma_start3A_58 : memref<64x128xf32, #tpu.memory_space<vmem>>) offsets(%dma_start3A_61 : memref<64xi32, #tpu.memory_space<vmem>>) semaphore(%arg17 : memref<!tpu.dma_semaphore, #tpu.memory_space<semaphore_mem>>)
        %dma_start3A_65 = arith.constant 1 : i32
        %dma_start3A_66 = arith.constant 64 : i32
        %dma_start3A_67 = arith.constant 0 : i32
        %dma_start3A_68 = tpu.memref_slice %arg13[%dma_start3A_66, %dma_start3A_67] : memref<128x128xf32, #tpu.memory_space<vmem>> -> memref<64x128xf32, #tpu.memory_space<vmem>>
        %dma_start3A_69 = arith.constant 64 : i32
        %dma_start3A_70 = tpu.memref_slice %arg10[%dma_start3A_65, %dma_start3A_69] : memref<4x128xi32, #tpu.memory_space<vmem>> -> memref<1x64xi32, #tpu.memory_space<vmem>>
        %dma_start3A_71 = tpu.memref_squeeze %dma_start3A_70 : memref<1x64xi32, #tpu.memory_space<vmem>> -> memref<64xi32, #tpu.memory_space<vmem>>
        %dma_start3A_72 = arith.constant 0 : i32
        %dma_start3A_73 = arith.constant 0 : i32
        %dma_start3A_74 = tpu.memref_slice %arg2[%dma_start3A_72, %dma_start3A_73] : memref<10000x128xf32, #tpu.memory_space<hbm>> -> memref<10000x128xf32, #tpu.memory_space<hbm>>
        tpu.enqueue_indirect_dma source(%dma_start3A_74 : memref<10000x128xf32, #tpu.memory_space<hbm>>) target(%dma_start3A_68 : memref<64x128xf32, #tpu.memory_space<vmem>>) offsets(%dma_start3A_71 : memref<64xi32, #tpu.memory_space<vmem>>) semaphore(%arg18 : memref<!tpu.dma_semaphore, #tpu.memory_space<semaphore_mem>>)
        %dma_wait3A = arith.constant 0 : i32
        %dma_wait3A_75 = arith.constant 0 : i32
        %dma_wait3A_76 = arith.constant 0 : i32
        %dma_wait3A_77 = tpu.memref_slice %arg12[%dma_wait3A_75, %dma_wait3A_76] : memref<128x128xf32, #tpu.memory_space<vmem>> -> memref<64x128xf32, #tpu.memory_space<vmem>>
        %dma_wait3A_78 = arith.constant 0 : i32
        %dma_wait3A_79 = tpu.memref_slice %arg10[%dma_wait3A, %dma_wait3A_78] : memref<4x128xi32, #tpu.memory_space<vmem>> -> memref<1x64xi32, #tpu.memory_space<vmem>>
        %dma_wait3A_80 = tpu.memref_squeeze %dma_wait3A_79 : memref<1x64xi32, #tpu.memory_space<vmem>> -> memref<64xi32, #tpu.memory_space<vmem>>
        %dma_wait3A_81 = arith.constant 0 : i32
        %dma_wait3A_82 = arith.constant 0 : i32
        %dma_wait3A_83 = tpu.memref_slice %arg2[%dma_wait3A_81, %dma_wait3A_82] : memref<10000x128xf32, #tpu.memory_space<hbm>> -> memref<10000x128xf32, #tpu.memory_space<hbm>>
        tpu.wait_indirect_dma semaphore(%arg15 : memref<!tpu.dma_semaphore, #tpu.memory_space<semaphore_mem>>) src(%dma_wait3A_83 : memref<10000x128xf32, #tpu.memory_space<hbm>>) dst(%dma_wait3A_77 : memref<64x128xf32, #tpu.memory_space<vmem>>)
        %dma_wait3A_84 = arith.constant 0 : i32
        %dma_wait3A_85 = arith.constant 64 : i32
        %dma_wait3A_86 = arith.constant 0 : i32
        %dma_wait3A_87 = tpu.memref_slice %arg12[%dma_wait3A_85, %dma_wait3A_86] : memref<128x128xf32, #tpu.memory_space<vmem>> -> memref<64x128xf32, #tpu.memory_space<vmem>>
        %dma_wait3A_88 = arith.constant 64 : i32
        %dma_wait3A_89 = tpu.memref_slice %arg10[%dma_wait3A_84, %dma_wait3A_88] : memref<4x128xi32, #tpu.memory_space<vmem>> -> memref<1x64xi32, #tpu.memory_space<vmem>>
        %dma_wait3A_90 = tpu.memref_squeeze %dma_wait3A_89 : memref<1x64xi32, #tpu.memory_space<vmem>> -> memref<64xi32, #tpu.memory_space<vmem>>
        %dma_wait3A_91 = arith.constant 0 : i32
        %dma_wait3A_92 = arith.constant 0 : i32
        %dma_wait3A_93 = tpu.memref_slice %arg2[%dma_wait3A_91, %dma_wait3A_92] : memref<10000x128xf32, #tpu.memory_space<hbm>> -> memref<10000x128xf32, #tpu.memory_space<hbm>>
        tpu.wait_indirect_dma semaphore(%arg16 : memref<!tpu.dma_semaphore, #tpu.memory_space<semaphore_mem>>) src(%dma_wait3A_93 : memref<10000x128xf32, #tpu.memory_space<hbm>>) dst(%dma_wait3A_87 : memref<64x128xf32, #tpu.memory_space<vmem>>)
        %dma_start3A_94 = arith.constant 0 : i32
        %dma_start3A_95 = arith.constant 0 : i32
        %dma_start3A_96 = tpu.memref_slice %arg11[%dma_start3A_94, %dma_start3A_95] : memref<4x128xi32, #tpu.memory_space<vmem>> -> memref<1x128xi32, #tpu.memory_space<vmem>>
        %dma_start3A_97 = tpu.memref_squeeze %dma_start3A_96 : memref<1x128xi32, #tpu.memory_space<vmem>> -> memref<128xi32, #tpu.memory_space<vmem>>
        %dma_start3A_98 = arith.constant 0 : i32
        %dma_start3A_99 = arith.constant 0 : i32
        %dma_start3A_100 = tpu.memref_slice %arg14[%dma_start3A_98, %dma_start3A_99] : memref<10240x128xf32, #tpu.memory_space<vmem_shared>> -> memref<10240x128xf32, #tpu.memory_space<vmem_shared>>
        tpu.enqueue_indirect_dma source(%arg12 : memref<128x128xf32, #tpu.memory_space<vmem>>) target(%dma_start3A_100 : memref<10240x128xf32, #tpu.memory_space<vmem_shared>>) offsets(%dma_start3A_97 : memref<128xi32, #tpu.memory_space<vmem>>) semaphore(%arg19 : memref<!tpu.dma_semaphore, #tpu.memory_space<semaphore_mem>>) {add = true}
        %get3A = arith.constant 0 : i32
        %get3A_101 = arith.index_cast %get3A : i32 to index
        %get3A_102 = arith.constant 0 : index
        %get3A_103 = tpu.vector_load %arg11[%get3A_101, %get3A_102] {strides = array<i32>} : memref<4x128xi32, #tpu.memory_space<vmem>>, vector<16xi32>,
        tpu.vector_store_idx %arg21[%get3A_103], %broadcast_in_dim3A_7 {add = true} : memref<10240xf32, #tpu.memory_space<vmem>>[vector<16xi32>], vector<16xf32>,
        %get3A_104 = arith.constant 0 : i32
        %get3A_105 = arith.index_cast %get3A_104 : i32 to index
        %get3A_106 = arith.constant 16 : index
        %get3A_107 = tpu.vector_load %arg11[%get3A_105, %get3A_106] {strides = array<i32>} : memref<4x128xi32, #tpu.memory_space<vmem>>, vector<16xi32>,
        tpu.vector_store_idx %arg21[%get3A_107], %broadcast_in_dim3A_7 {add = true} : memref<10240xf32, #tpu.memory_space<vmem>>[vector<16xi32>], vector<16xf32>,
        %get3A_108 = arith.constant 0 : i32
        %get3A_109 = arith.index_cast %get3A_108 : i32 to index
        %get3A_110 = arith.constant 32 : index
        %get3A_111 = tpu.vector_load %arg11[%get3A_109, %get3A_110] {strides = array<i32>} : memref<4x128xi32, #tpu.memory_space<vmem>>, vector<16xi32>,
        tpu.vector_store_idx %arg21[%get3A_111], %broadcast_in_dim3A_7 {add = true} : memref<10240xf32, #tpu.memory_space<vmem>>[vector<16xi32>], vector<16xf32>,
        %get3A_112 = arith.constant 0 : i32
        %get3A_113 = arith.index_cast %get3A_112 : i32 to index
        %get3A_114 = arith.constant 48 : index
        %get3A_115 = tpu.vector_load %arg11[%get3A_113, %get3A_114] {strides = array<i32>} : memref<4x128xi32, #tpu.memory_space<vmem>>, vector<16xi32>,
        tpu.vector_store_idx %arg21[%get3A_115], %broadcast_in_dim3A_7 {add = true} : memref<10240xf32, #tpu.memory_space<vmem>>[vector<16xi32>], vector<16xf32>,
        %get3A_116 = arith.constant 0 : i32
        %get3A_117 = arith.index_cast %get3A_116 : i32 to index
        %get3A_118 = arith.constant 64 : index
        %get3A_119 = tpu.vector_load %arg11[%get3A_117, %get3A_118] {strides = array<i32>} : memref<4x128xi32, #tpu.memory_space<vmem>>, vector<16xi32>,
        tpu.vector_store_idx %arg21[%get3A_119], %broadcast_in_dim3A_7 {add = true} : memref<10240xf32, #tpu.memory_space<vmem>>[vector<16xi32>], vector<16xf32>,
        %get3A_120 = arith.constant 0 : i32
        %get3A_121 = arith.index_cast %get3A_120 : i32 to index
        %get3A_122 = arith.constant 80 : index
        %get3A_123 = tpu.vector_load %arg11[%get3A_121, %get3A_122] {strides = array<i32>} : memref<4x128xi32, #tpu.memory_space<vmem>>, vector<16xi32>,
        tpu.vector_store_idx %arg21[%get3A_123], %broadcast_in_dim3A_7 {add = true} : memref<10240xf32, #tpu.memory_space<vmem>>[vector<16xi32>], vector<16xf32>,
        %get3A_124 = arith.constant 0 : i32
        %get3A_125 = arith.index_cast %get3A_124 : i32 to index
        %get3A_126 = arith.constant 96 : index
        %get3A_127 = tpu.vector_load %arg11[%get3A_125, %get3A_126] {strides = array<i32>} : memref<4x128xi32, #tpu.memory_space<vmem>>, vector<16xi32>,
        tpu.vector_store_idx %arg21[%get3A_127], %broadcast_in_dim3A_7 {add = true} : memref<10240xf32, #tpu.memory_space<vmem>>[vector<16xi32>], vector<16xf32>,
        %get3A_128 = arith.constant 0 : i32
        %get3A_129 = arith.index_cast %get3A_128 : i32 to index
        %get3A_130 = arith.constant 112 : index
        %get3A_131 = tpu.vector_load %arg11[%get3A_129, %get3A_130] {strides = array<i32>} : memref<4x128xi32, #tpu.memory_space<vmem>>, vector<16xi32>,
        tpu.vector_store_idx %arg21[%get3A_131], %broadcast_in_dim3A_7 {add = true} : memref<10240xf32, #tpu.memory_space<vmem>>[vector<16xi32>], vector<16xf32>,
        %dma_wait3A_132 = arith.constant 0 : i32
        %dma_wait3A_133 = arith.constant 0 : i32
        %dma_wait3A_134 = tpu.memref_slice %arg11[%dma_wait3A_132, %dma_wait3A_133] : memref<4x128xi32, #tpu.memory_space<vmem>> -> memref<1x128xi32, #tpu.memory_space<vmem>>
        %dma_wait3A_135 = tpu.memref_squeeze %dma_wait3A_134 : memref<1x128xi32, #tpu.memory_space<vmem>> -> memref<128xi32, #tpu.memory_space<vmem>>
        %dma_wait3A_136 = arith.constant 0 : i32
        %dma_wait3A_137 = arith.constant 0 : i32
        %dma_wait3A_138 = tpu.memref_slice %arg14[%dma_wait3A_136, %dma_wait3A_137] : memref<10240x128xf32, #tpu.memory_space<vmem_shared>> -> memref<10240x128xf32, #tpu.memory_space<vmem_shared>>
        tpu.wait_indirect_dma semaphore(%arg19 : memref<!tpu.dma_semaphore, #tpu.memory_space<semaphore_mem>>) src(%arg12 : memref<128x128xf32, #tpu.memory_space<vmem>>) dst(%dma_wait3A_138 : memref<10240x128xf32, #tpu.memory_space<vmem_shared>>)
        %dma_start3A_139 = arith.constant 2 : i32
        %dma_start3A_140 = arith.constant 0 : i32
        %dma_start3A_141 = arith.constant 0 : i32
        %dma_start3A_142 = tpu.memref_slice %arg12[%dma_start3A_140, %dma_start3A_141] : memref<128x128xf32, #tpu.memory_space<vmem>> -> memref<64x128xf32, #tpu.memory_space<vmem>>
        %dma_start3A_143 = arith.constant 0 : i32
        %dma_start3A_144 = tpu.memref_slice %arg10[%dma_start3A_139, %dma_start3A_143] : memref<4x128xi32, #tpu.memory_space<vmem>> -> memref<1x64xi32, #tpu.memory_space<vmem>>
        %dma_start3A_145 = tpu.memref_squeeze %dma_start3A_144 : memref<1x64xi32, #tpu.memory_space<vmem>> -> memref<64xi32, #tpu.memory_space<vmem>>
        %dma_start3A_146 = arith.constant 0 : i32
        %dma_start3A_147 = arith.constant 0 : i32
        %dma_start3A_148 = tpu.memref_slice %arg2[%dma_start3A_146, %dma_start3A_147] : memref<10000x128xf32, #tpu.memory_space<hbm>> -> memref<10000x128xf32, #tpu.memory_space<hbm>>
        tpu.enqueue_indirect_dma source(%dma_start3A_148 : memref<10000x128xf32, #tpu.memory_space<hbm>>) target(%dma_start3A_142 : memref<64x128xf32, #tpu.memory_space<vmem>>) offsets(%dma_start3A_145 : memref<64xi32, #tpu.memory_space<vmem>>) semaphore(%arg15 : memref<!tpu.dma_semaphore, #tpu.memory_space<semaphore_mem>>)
        %dma_start3A_149 = arith.constant 2 : i32
        %dma_start3A_150 = arith.constant 64 : i32
        %dma_start3A_151 = arith.constant 0 : i32
        %dma_start3A_152 = tpu.memref_slice %arg12[%dma_start3A_150, %dma_start3A_151] : memref<128x128xf32, #tpu.memory_space<vmem>> -> memref<64x128xf32, #tpu.memory_space<vmem>>
        %dma_start3A_153 = arith.constant 64 : i32
        %dma_start3A_154 = tpu.memref_slice %arg10[%dma_start3A_149, %dma_start3A_153] : memref<4x128xi32, #tpu.memory_space<vmem>> -> memref<1x64xi32, #tpu.memory_space<vmem>>
        %dma_start3A_155 = tpu.memref_squeeze %dma_start3A_154 : memref<1x64xi32, #tpu.memory_space<vmem>> -> memref<64xi32, #tpu.memory_space<vmem>>
        %dma_start3A_156 = arith.constant 0 : i32
        %dma_start3A_157 = arith.constant 0 : i32
        %dma_start3A_158 = tpu.memref_slice %arg2[%dma_start3A_156, %dma_start3A_157] : memref<10000x128xf32, #tpu.memory_space<hbm>> -> memref<10000x128xf32, #tpu.memory_space<hbm>>
        tpu.enqueue_indirect_dma source(%dma_start3A_158 : memref<10000x128xf32, #tpu.memory_space<hbm>>) target(%dma_start3A_152 : memref<64x128xf32, #tpu.memory_space<vmem>>) offsets(%dma_start3A_155 : memref<64xi32, #tpu.memory_space<vmem>>) semaphore(%arg16 : memref<!tpu.dma_semaphore, #tpu.memory_space<semaphore_mem>>)
        %dma_wait3A_159 = arith.constant 1 : i32
        %dma_wait3A_160 = arith.constant 0 : i32
        %dma_wait3A_161 = arith.constant 0 : i32
        %dma_wait3A_162 = tpu.memref_slice %arg13[%dma_wait3A_160, %dma_wait3A_161] : memref<128x128xf32, #tpu.memory_space<vmem>> -> memref<64x128xf32, #tpu.memory_space<vmem>>
        %dma_wait3A_163 = arith.constant 0 : i32
        %dma_wait3A_164 = tpu.memref_slice %arg10[%dma_wait3A_159, %dma_wait3A_163] : memref<4x128xi32, #tpu.memory_space<vmem>> -> memref<1x64xi32, #tpu.memory_space<vmem>>
        %dma_wait3A_165 = tpu.memref_squeeze %dma_wait3A_164 : memref<1x64xi32, #tpu.memory_space<vmem>> -> memref<64xi32, #tpu.memory_space<vmem>>
        %dma_wait3A_166 = arith.constant 0 : i32
        %dma_wait3A_167 = arith.constant 0 : i32
        %dma_wait3A_168 = tpu.memref_slice %arg2[%dma_wait3A_166, %dma_wait3A_167] : memref<10000x128xf32, #tpu.memory_space<hbm>> -> memref<10000x128xf32, #tpu.memory_space<hbm>>
        tpu.wait_indirect_dma semaphore(%arg17 : memref<!tpu.dma_semaphore, #tpu.memory_space<semaphore_mem>>) src(%dma_wait3A_168 : memref<10000x128xf32, #tpu.memory_space<hbm>>) dst(%dma_wait3A_162 : memref<64x128xf32, #tpu.memory_space<vmem>>)
        %dma_wait3A_169 = arith.constant 1 : i32
        %dma_wait3A_170 = arith.constant 64 : i32
        %dma_wait3A_171 = arith.constant 0 : i32
        %dma_wait3A_172 = tpu.memref_slice %arg13[%dma_wait3A_170, %dma_wait3A_171] : memref<128x128xf32, #tpu.memory_space<vmem>> -> memref<64x128xf32, #tpu.memory_space<vmem>>
        %dma_wait3A_173 = arith.constant 64 : i32
        %dma_wait3A_174 = tpu.memref_slice %arg10[%dma_wait3A_169, %dma_wait3A_173] : memref<4x128xi32, #tpu.memory_space<vmem>> -> memref<1x64xi32, #tpu.memory_space<vmem>>
        %dma_wait3A_175 = tpu.memref_squeeze %dma_wait3A_174 : memref<1x64xi32, #tpu.memory_space<vmem>> -> memref<64xi32, #tpu.memory_space<vmem>>
        %dma_wait3A_176 = arith.constant 0 : i32
        %dma_wait3A_177 = arith.constant 0 : i32
        %dma_wait3A_178 = tpu.memref_slice %arg2[%dma_wait3A_176, %dma_wait3A_177] : memref<10000x128xf32, #tpu.memory_space<hbm>> -> memref<10000x128xf32, #tpu.memory_space<hbm>>
        tpu.wait_indirect_dma semaphore(%arg18 : memref<!tpu.dma_semaphore, #tpu.memory_space<semaphore_mem>>) src(%dma_wait3A_178 : memref<10000x128xf32, #tpu.memory_space<hbm>>) dst(%dma_wait3A_172 : memref<64x128xf32, #tpu.memory_space<vmem>>)
        %dma_start3A_179 = arith.constant 1 : i32
        %dma_start3A_180 = arith.constant 0 : i32
        %dma_start3A_181 = tpu.memref_slice %arg11[%dma_start3A_179, %dma_start3A_180] : memref<4x128xi32, #tpu.memory_space<vmem>> -> memref<1x128xi32, #tpu.memory_space<vmem>>
        %dma_start3A_182 = tpu.memref_squeeze %dma_start3A_181 : memref<1x128xi32, #tpu.memory_space<vmem>> -> memref<128xi32, #tpu.memory_space<vmem>>
        %dma_start3A_183 = arith.constant 0 : i32
        %dma_start3A_184 = arith.constant 0 : i32
        %dma_start3A_185 = tpu.memref_slice %arg14[%dma_start3A_183, %dma_start3A_184] : memref<10240x128xf32, #tpu.memory_space<vmem_shared>> -> memref<10240x128xf32, #tpu.memory_space<vmem_shared>>
        tpu.enqueue_indirect_dma source(%arg13 : memref<128x128xf32, #tpu.memory_space<vmem>>) target(%dma_start3A_185 : memref<10240x128xf32, #tpu.memory_space<vmem_shared>>) offsets(%dma_start3A_182 : memref<128xi32, #tpu.memory_space<vmem>>) semaphore(%arg20 : memref<!tpu.dma_semaphore, #tpu.memory_space<semaphore_mem>>) {add = true}
        %get3A_186 = arith.constant 1 : i32
        %get3A_187 = arith.index_cast %get3A_186 : i32 to index
        %get3A_188 = arith.constant 0 : index
        %get3A_189 = tpu.vector_load %arg11[%get3A_187, %get3A_188] {strides = array<i32>} : memref<4x128xi32, #tpu.memory_space<vmem>>, vector<16xi32>,
        tpu.vector_store_idx %arg21[%get3A_189], %broadcast_in_dim3A_7 {add = true} : memref<10240xf32, #tpu.memory_space<vmem>>[vector<16xi32>], vector<16xf32>,
        %get3A_190 = arith.constant 1 : i32
        %get3A_191 = arith.index_cast %get3A_190 : i32 to index
        %get3A_192 = arith.constant 16 : index
        %get3A_193 = tpu.vector_load %arg11[%get3A_191, %get3A_192] {strides = array<i32>} : memref<4x128xi32, #tpu.memory_space<vmem>>, vector<16xi32>,
        tpu.vector_store_idx %arg21[%get3A_193], %broadcast_in_dim3A_7 {add = true} : memref<10240xf32, #tpu.memory_space<vmem>>[vector<16xi32>], vector<16xf32>,
        %get3A_194 = arith.constant 1 : i32
        %get3A_195 = arith.index_cast %get3A_194 : i32 to index
        %get3A_196 = arith.constant 32 : index
        %get3A_197 = tpu.vector_load %arg11[%get3A_195, %get3A_196] {strides = array<i32>} : memref<4x128xi32, #tpu.memory_space<vmem>>, vector<16xi32>,
        tpu.vector_store_idx %arg21[%get3A_197], %broadcast_in_dim3A_7 {add = true} : memref<10240xf32, #tpu.memory_space<vmem>>[vector<16xi32>], vector<16xf32>,
        %get3A_198 = arith.constant 1 : i32
        %get3A_199 = arith.index_cast %get3A_198 : i32 to index
        %get3A_200 = arith.constant 48 : index
        %get3A_201 = tpu.vector_load %arg11[%get3A_199, %get3A_200] {strides = array<i32>} : memref<4x128xi32, #tpu.memory_space<vmem>>, vector<16xi32>,
        tpu.vector_store_idx %arg21[%get3A_201], %broadcast_in_dim3A_7 {add = true} : memref<10240xf32, #tpu.memory_space<vmem>>[vector<16xi32>], vector<16xf32>,
        %get3A_202 = arith.constant 1 : i32
        %get3A_203 = arith.index_cast %get3A_202 : i32 to index
        %get3A_204 = arith.constant 64 : index
        %get3A_205 = tpu.vector_load %arg11[%get3A_203, %get3A_204] {strides = array<i32>} : memref<4x128xi32, #tpu.memory_space<vmem>>, vector<16xi32>,
        tpu.vector_store_idx %arg21[%get3A_205], %broadcast_in_dim3A_7 {add = true} : memref<10240xf32, #tpu.memory_space<vmem>>[vector<16xi32>], vector<16xf32>,
        %get3A_206 = arith.constant 1 : i32
        %get3A_207 = arith.index_cast %get3A_206 : i32 to index
        %get3A_208 = arith.constant 80 : index
        %get3A_209 = tpu.vector_load %arg11[%get3A_207, %get3A_208] {strides = array<i32>} : memref<4x128xi32, #tpu.memory_space<vmem>>, vector<16xi32>,
        tpu.vector_store_idx %arg21[%get3A_209], %broadcast_in_dim3A_7 {add = true} : memref<10240xf32, #tpu.memory_space<vmem>>[vector<16xi32>], vector<16xf32>,
        %get3A_210 = arith.constant 1 : i32
        %get3A_211 = arith.index_cast %get3A_210 : i32 to index
        %get3A_212 = arith.constant 96 : index
        %get3A_213 = tpu.vector_load %arg11[%get3A_211, %get3A_212] {strides = array<i32>} : memref<4x128xi32, #tpu.memory_space<vmem>>, vector<16xi32>,
        tpu.vector_store_idx %arg21[%get3A_213], %broadcast_in_dim3A_7 {add = true} : memref<10240xf32, #tpu.memory_space<vmem>>[vector<16xi32>], vector<16xf32>,
        %get3A_214 = arith.constant 1 : i32
        %get3A_215 = arith.index_cast %get3A_214 : i32 to index
        %get3A_216 = arith.constant 112 : index
        %get3A_217 = tpu.vector_load %arg11[%get3A_215, %get3A_216] {strides = array<i32>} : memref<4x128xi32, #tpu.memory_space<vmem>>, vector<16xi32>,
        tpu.vector_store_idx %arg21[%get3A_217], %broadcast_in_dim3A_7 {add = true} : memref<10240xf32, #tpu.memory_space<vmem>>[vector<16xi32>], vector<16xf32>,
        %dma_wait3A_218 = arith.constant 1 : i32
        %dma_wait3A_219 = arith.constant 0 : i32
        %dma_wait3A_220 = tpu.memref_slice %arg11[%dma_wait3A_218, %dma_wait3A_219] : memref<4x128xi32, #tpu.memory_space<vmem>> -> memref<1x128xi32, #tpu.memory_space<vmem>>
        %dma_wait3A_221 = tpu.memref_squeeze %dma_wait3A_220 : memref<1x128xi32, #tpu.memory_space<vmem>> -> memref<128xi32, #tpu.memory_space<vmem>>
        %dma_wait3A_222 = arith.constant 0 : i32
        %dma_wait3A_223 = arith.constant 0 : i32
        %dma_wait3A_224 = tpu.memref_slice %arg14[%dma_wait3A_222, %dma_wait3A_223] : memref<10240x128xf32, #tpu.memory_space<vmem_shared>> -> memref<10240x128xf32, #tpu.memory_space<vmem_shared>>
        tpu.wait_indirect_dma semaphore(%arg20 : memref<!tpu.dma_semaphore, #tpu.memory_space<semaphore_mem>>) src(%arg13 : memref<128x128xf32, #tpu.memory_space<vmem>>) dst(%dma_wait3A_224 : memref<10240x128xf32, #tpu.memory_space<vmem_shared>>)
        %dma_start3A_225 = arith.constant 3 : i32
        %dma_start3A_226 = arith.constant 0 : i32
        %dma_start3A_227 = arith.constant 0 : i32
        %dma_start3A_228 = tpu.memref_slice %arg13[%dma_start3A_226, %dma_start3A_227] : memref<128x128xf32, #tpu.memory_space<vmem>> -> memref<64x128xf32, #tpu.memory_space<vmem>>
        %dma_start3A_229 = arith.constant 0 : i32
        %dma_start3A_230 = tpu.memref_slice %arg10[%dma_start3A_225, %dma_start3A_229] : memref<4x128xi32, #tpu.memory_space<vmem>> -> memref<1x64xi32, #tpu.memory_space<vmem>>
        %dma_start3A_231 = tpu.memref_squeeze %dma_start3A_230 : memref<1x64xi32, #tpu.memory_space<vmem>> -> memref<64xi32, #tpu.memory_space<vmem>>
        %dma_start3A_232 = arith.constant 0 : i32
        %dma_start3A_233 = arith.constant 0 : i32
        %dma_start3A_234 = tpu.memref_slice %arg2[%dma_start3A_232, %dma_start3A_233] : memref<10000x128xf32, #tpu.memory_space<hbm>> -> memref<10000x128xf32, #tpu.memory_space<hbm>>
        tpu.enqueue_indirect_dma source(%dma_start3A_234 : memref<10000x128xf32, #tpu.memory_space<hbm>>) target(%dma_start3A_228 : memref<64x128xf32, #tpu.memory_space<vmem>>) offsets(%dma_start3A_231 : memref<64xi32, #tpu.memory_space<vmem>>) semaphore(%arg17 : memref<!tpu.dma_semaphore, #tpu.memory_space<semaphore_mem>>)
        %dma_start3A_235 = arith.constant 3 : i32
        %dma_start3A_236 = arith.constant 64 : i32
        %dma_start3A_237 = arith.constant 0 : i32
        %dma_start3A_238 = tpu.memref_slice %arg13[%dma_start3A_236, %dma_start3A_237] : memref<128x128xf32, #tpu.memory_space<vmem>> -> memref<64x128xf32, #tpu.memory_space<vmem>>
        %dma_start3A_239 = arith.constant 64 : i32
        %dma_start3A_240 = tpu.memref_slice %arg10[%dma_start3A_235, %dma_start3A_239] : memref<4x128xi32, #tpu.memory_space<vmem>> -> memref<1x64xi32, #tpu.memory_space<vmem>>
        %dma_start3A_241 = tpu.memref_squeeze %dma_start3A_240 : memref<1x64xi32, #tpu.memory_space<vmem>> -> memref<64xi32, #tpu.memory_space<vmem>>
        %dma_start3A_242 = arith.constant 0 : i32
        %dma_start3A_243 = arith.constant 0 : i32
        %dma_start3A_244 = tpu.memref_slice %arg2[%dma_start3A_242, %dma_start3A_243] : memref<10000x128xf32, #tpu.memory_space<hbm>> -> memref<10000x128xf32, #tpu.memory_space<hbm>>
        tpu.enqueue_indirect_dma source(%dma_start3A_244 : memref<10000x128xf32, #tpu.memory_space<hbm>>) target(%dma_start3A_238 : memref<64x128xf32, #tpu.memory_space<vmem>>) offsets(%dma_start3A_241 : memref<64xi32, #tpu.memory_space<vmem>>) semaphore(%arg18 : memref<!tpu.dma_semaphore, #tpu.memory_space<semaphore_mem>>)
        %dma_wait3A_245 = arith.constant 2 : i32
        %dma_wait3A_246 = arith.constant 0 : i32
        %dma_wait3A_247 = arith.constant 0 : i32
        %dma_wait3A_248 = tpu.memref_slice %arg12[%dma_wait3A_246, %dma_wait3A_247] : memref<128x128xf32, #tpu.memory_space<vmem>> -> memref<64x128xf32, #tpu.memory_space<vmem>>
        %dma_wait3A_249 = arith.constant 0 : i32
        %dma_wait3A_250 = tpu.memref_slice %arg10[%dma_wait3A_245, %dma_wait3A_249] : memref<4x128xi32, #tpu.memory_space<vmem>> -> memref<1x64xi32, #tpu.memory_space<vmem>>
        %dma_wait3A_251 = tpu.memref_squeeze %dma_wait3A_250 : memref<1x64xi32, #tpu.memory_space<vmem>> -> memref<64xi32, #tpu.memory_space<vmem>>
        %dma_wait3A_252 = arith.constant 0 : i32
        %dma_wait3A_253 = arith.constant 0 : i32
        %dma_wait3A_254 = tpu.memref_slice %arg2[%dma_wait3A_252, %dma_wait3A_253] : memref<10000x128xf32, #tpu.memory_space<hbm>> -> memref<10000x128xf32, #tpu.memory_space<hbm>>
        tpu.wait_indirect_dma semaphore(%arg15 : memref<!tpu.dma_semaphore, #tpu.memory_space<semaphore_mem>>) src(%dma_wait3A_254 : memref<10000x128xf32, #tpu.memory_space<hbm>>) dst(%dma_wait3A_248 : memref<64x128xf32, #tpu.memory_space<vmem>>)
        %dma_wait3A_255 = arith.constant 2 : i32
        %dma_wait3A_256 = arith.constant 64 : i32
        %dma_wait3A_257 = arith.constant 0 : i32
        %dma_wait3A_258 = tpu.memref_slice %arg12[%dma_wait3A_256, %dma_wait3A_257] : memref<128x128xf32, #tpu.memory_space<vmem>> -> memref<64x128xf32, #tpu.memory_space<vmem>>
        %dma_wait3A_259 = arith.constant 64 : i32
        %dma_wait3A_260 = tpu.memref_slice %arg10[%dma_wait3A_255, %dma_wait3A_259] : memref<4x128xi32, #tpu.memory_space<vmem>> -> memref<1x64xi32, #tpu.memory_space<vmem>>
        %dma_wait3A_261 = tpu.memref_squeeze %dma_wait3A_260 : memref<1x64xi32, #tpu.memory_space<vmem>> -> memref<64xi32, #tpu.memory_space<vmem>>
        %dma_wait3A_262 = arith.constant 0 : i32
        %dma_wait3A_263 = arith.constant 0 : i32
        %dma_wait3A_264 = tpu.memref_slice %arg2[%dma_wait3A_262, %dma_wait3A_263] : memref<10000x128xf32, #tpu.memory_space<hbm>> -> memref<10000x128xf32, #tpu.memory_space<hbm>>
        tpu.wait_indirect_dma semaphore(%arg16 : memref<!tpu.dma_semaphore, #tpu.memory_space<semaphore_mem>>) src(%dma_wait3A_264 : memref<10000x128xf32, #tpu.memory_space<hbm>>) dst(%dma_wait3A_258 : memref<64x128xf32, #tpu.memory_space<vmem>>)
        %dma_start3A_265 = arith.constant 2 : i32
        %dma_start3A_266 = arith.constant 0 : i32
        %dma_start3A_267 = tpu.memref_slice %arg11[%dma_start3A_265, %dma_start3A_266] : memref<4x128xi32, #tpu.memory_space<vmem>> -> memref<1x128xi32, #tpu.memory_space<vmem>>
        %dma_start3A_268 = tpu.memref_squeeze %dma_start3A_267 : memref<1x128xi32, #tpu.memory_space<vmem>> -> memref<128xi32, #tpu.memory_space<vmem>>
        %dma_start3A_269 = arith.constant 0 : i32
        %dma_start3A_270 = arith.constant 0 : i32
        %dma_start3A_271 = tpu.memref_slice %arg14[%dma_start3A_269, %dma_start3A_270] : memref<10240x128xf32, #tpu.memory_space<vmem_shared>> -> memref<10240x128xf32, #tpu.memory_space<vmem_shared>>
        tpu.enqueue_indirect_dma source(%arg12 : memref<128x128xf32, #tpu.memory_space<vmem>>) target(%dma_start3A_271 : memref<10240x128xf32, #tpu.memory_space<vmem_shared>>) offsets(%dma_start3A_268 : memref<128xi32, #tpu.memory_space<vmem>>) semaphore(%arg19 : memref<!tpu.dma_semaphore, #tpu.memory_space<semaphore_mem>>) {add = true}
        %get3A_272 = arith.constant 2 : i32
        %get3A_273 = arith.index_cast %get3A_272 : i32 to index
        %get3A_274 = arith.constant 0 : index
        %get3A_275 = tpu.vector_load %arg11[%get3A_273, %get3A_274] {strides = array<i32>} : memref<4x128xi32, #tpu.memory_space<vmem>>, vector<16xi32>,
        tpu.vector_store_idx %arg21[%get3A_275], %broadcast_in_dim3A_7 {add = true} : memref<10240xf32, #tpu.memory_space<vmem>>[vector<16xi32>], vector<16xf32>,
        %get3A_276 = arith.constant 2 : i32
        %get3A_277 = arith.index_cast %get3A_276 : i32 to index
        %get3A_278 = arith.constant 16 : index
        %get3A_279 = tpu.vector_load %arg11[%get3A_277, %get3A_278] {strides = array<i32>} : memref<4x128xi32, #tpu.memory_space<vmem>>, vector<16xi32>,
        tpu.vector_store_idx %arg21[%get3A_279], %broadcast_in_dim3A_7 {add = true} : memref<10240xf32, #tpu.memory_space<vmem>>[vector<16xi32>], vector<16xf32>,
        %get3A_280 = arith.constant 2 : i32
        %get3A_281 = arith.index_cast %get3A_280 : i32 to index
        %get3A_282 = arith.constant 32 : index
        %get3A_283 = tpu.vector_load %arg11[%get3A_281, %get3A_282] {strides = array<i32>} : memref<4x128xi32, #tpu.memory_space<vmem>>, vector<16xi32>,
        tpu.vector_store_idx %arg21[%get3A_283], %broadcast_in_dim3A_7 {add = true} : memref<10240xf32, #tpu.memory_space<vmem>>[vector<16xi32>], vector<16xf32>,
        %get3A_284 = arith.constant 2 : i32
        %get3A_285 = arith.index_cast %get3A_284 : i32 to index
        %get3A_286 = arith.constant 48 : index
        %get3A_287 = tpu.vector_load %arg11[%get3A_285, %get3A_286] {strides = array<i32>} : memref<4x128xi32, #tpu.memory_space<vmem>>, vector<16xi32>,
        tpu.vector_store_idx %arg21[%get3A_287], %broadcast_in_dim3A_7 {add = true} : memref<10240xf32, #tpu.memory_space<vmem>>[vector<16xi32>], vector<16xf32>,
        %get3A_288 = arith.constant 2 : i32
        %get3A_289 = arith.index_cast %get3A_288 : i32 to index
        %get3A_290 = arith.constant 64 : index
        %get3A_291 = tpu.vector_load %arg11[%get3A_289, %get3A_290] {strides = array<i32>} : memref<4x128xi32, #tpu.memory_space<vmem>>, vector<16xi32>,
        tpu.vector_store_idx %arg21[%get3A_291], %broadcast_in_dim3A_7 {add = true} : memref<10240xf32, #tpu.memory_space<vmem>>[vector<16xi32>], vector<16xf32>,
        %get3A_292 = arith.constant 2 : i32
        %get3A_293 = arith.index_cast %get3A_292 : i32 to index
        %get3A_294 = arith.constant 80 : index
        %get3A_295 = tpu.vector_load %arg11[%get3A_293, %get3A_294] {strides = array<i32>} : memref<4x128xi32, #tpu.memory_space<vmem>>, vector<16xi32>,
        tpu.vector_store_idx %arg21[%get3A_295], %broadcast_in_dim3A_7 {add = true} : memref<10240xf32, #tpu.memory_space<vmem>>[vector<16xi32>], vector<16xf32>,
        %get3A_296 = arith.constant 2 : i32
        %get3A_297 = arith.index_cast %get3A_296 : i32 to index
        %get3A_298 = arith.constant 96 : index
        %get3A_299 = tpu.vector_load %arg11[%get3A_297, %get3A_298] {strides = array<i32>} : memref<4x128xi32, #tpu.memory_space<vmem>>, vector<16xi32>,
        tpu.vector_store_idx %arg21[%get3A_299], %broadcast_in_dim3A_7 {add = true} : memref<10240xf32, #tpu.memory_space<vmem>>[vector<16xi32>], vector<16xf32>,
        %get3A_300 = arith.constant 2 : i32
        %get3A_301 = arith.index_cast %get3A_300 : i32 to index
        %get3A_302 = arith.constant 112 : index
        %get3A_303 = tpu.vector_load %arg11[%get3A_301, %get3A_302] {strides = array<i32>} : memref<4x128xi32, #tpu.memory_space<vmem>>, vector<16xi32>,
        tpu.vector_store_idx %arg21[%get3A_303], %broadcast_in_dim3A_7 {add = true} : memref<10240xf32, #tpu.memory_space<vmem>>[vector<16xi32>], vector<16xf32>,
        %dma_wait3A_304 = arith.constant 2 : i32
        %dma_wait3A_305 = arith.constant 0 : i32
        %dma_wait3A_306 = tpu.memref_slice %arg11[%dma_wait3A_304, %dma_wait3A_305] : memref<4x128xi32, #tpu.memory_space<vmem>> -> memref<1x128xi32, #tpu.memory_space<vmem>>
        %dma_wait3A_307 = tpu.memref_squeeze %dma_wait3A_306 : memref<1x128xi32, #tpu.memory_space<vmem>> -> memref<128xi32, #tpu.memory_space<vmem>>
        %dma_wait3A_308 = arith.constant 0 : i32
        %dma_wait3A_309 = arith.constant 0 : i32
        %dma_wait3A_310 = tpu.memref_slice %arg14[%dma_wait3A_308, %dma_wait3A_309] : memref<10240x128xf32, #tpu.memory_space<vmem_shared>> -> memref<10240x128xf32, #tpu.memory_space<vmem_shared>>
        tpu.wait_indirect_dma semaphore(%arg19 : memref<!tpu.dma_semaphore, #tpu.memory_space<semaphore_mem>>) src(%arg12 : memref<128x128xf32, #tpu.memory_space<vmem>>) dst(%dma_wait3A_310 : memref<10240x128xf32, #tpu.memory_space<vmem_shared>>)
        %dma_wait3A_311 = arith.constant 3 : i32
        %dma_wait3A_312 = arith.constant 0 : i32
        %dma_wait3A_313 = arith.constant 0 : i32
        %dma_wait3A_314 = tpu.memref_slice %arg13[%dma_wait3A_312, %dma_wait3A_313] : memref<128x128xf32, #tpu.memory_space<vmem>> -> memref<64x128xf32, #tpu.memory_space<vmem>>
        %dma_wait3A_315 = arith.constant 0 : i32
        %dma_wait3A_316 = tpu.memref_slice %arg10[%dma_wait3A_311, %dma_wait3A_315] : memref<4x128xi32, #tpu.memory_space<vmem>> -> memref<1x64xi32, #tpu.memory_space<vmem>>
        %dma_wait3A_317 = tpu.memref_squeeze %dma_wait3A_316 : memref<1x64xi32, #tpu.memory_space<vmem>> -> memref<64xi32, #tpu.memory_space<vmem>>
        %dma_wait3A_318 = arith.constant 0 : i32
        %dma_wait3A_319 = arith.constant 0 : i32
        %dma_wait3A_320 = tpu.memref_slice %arg2[%dma_wait3A_318, %dma_wait3A_319] : memref<10000x128xf32, #tpu.memory_space<hbm>> -> memref<10000x128xf32, #tpu.memory_space<hbm>>
        tpu.wait_indirect_dma semaphore(%arg17 : memref<!tpu.dma_semaphore, #tpu.memory_space<semaphore_mem>>) src(%dma_wait3A_320 : memref<10000x128xf32, #tpu.memory_space<hbm>>) dst(%dma_wait3A_314 : memref<64x128xf32, #tpu.memory_space<vmem>>)
        %dma_wait3A_321 = arith.constant 3 : i32
        %dma_wait3A_322 = arith.constant 64 : i32
        %dma_wait3A_323 = arith.constant 0 : i32
        %dma_wait3A_324 = tpu.memref_slice %arg13[%dma_wait3A_322, %dma_wait3A_323] : memref<128x128xf32, #tpu.memory_space<vmem>> -> memref<64x128xf32, #tpu.memory_space<vmem>>
        %dma_wait3A_325 = arith.constant 64 : i32
        %dma_wait3A_326 = tpu.memref_slice %arg10[%dma_wait3A_321, %dma_wait3A_325] : memref<4x128xi32, #tpu.memory_space<vmem>> -> memref<1x64xi32, #tpu.memory_space<vmem>>
        %dma_wait3A_327 = tpu.memref_squeeze %dma_wait3A_326 : memref<1x64xi32, #tpu.memory_space<vmem>> -> memref<64xi32, #tpu.memory_space<vmem>>
        %dma_wait3A_328 = arith.constant 0 : i32
        %dma_wait3A_329 = arith.constant 0 : i32
        %dma_wait3A_330 = tpu.memref_slice %arg2[%dma_wait3A_328, %dma_wait3A_329] : memref<10000x128xf32, #tpu.memory_space<hbm>> -> memref<10000x128xf32, #tpu.memory_space<hbm>>
        tpu.wait_indirect_dma semaphore(%arg18 : memref<!tpu.dma_semaphore, #tpu.memory_space<semaphore_mem>>) src(%dma_wait3A_330 : memref<10000x128xf32, #tpu.memory_space<hbm>>) dst(%dma_wait3A_324 : memref<64x128xf32, #tpu.memory_space<vmem>>)
        %dma_start3A_331 = arith.constant 3 : i32
        %dma_start3A_332 = arith.constant 0 : i32
        %dma_start3A_333 = tpu.memref_slice %arg11[%dma_start3A_331, %dma_start3A_332] : memref<4x128xi32, #tpu.memory_space<vmem>> -> memref<1x128xi32, #tpu.memory_space<vmem>>
        %dma_start3A_334 = tpu.memref_squeeze %dma_start3A_333 : memref<1x128xi32, #tpu.memory_space<vmem>> -> memref<128xi32, #tpu.memory_space<vmem>>
        %dma_start3A_335 = arith.constant 0 : i32
        %dma_start3A_336 = arith.constant 0 : i32
        %dma_start3A_337 = tpu.memref_slice %arg14[%dma_start3A_335, %dma_start3A_336] : memref<10240x128xf32, #tpu.memory_space<vmem_shared>> -> memref<10240x128xf32, #tpu.memory_space<vmem_shared>>
        tpu.enqueue_indirect_dma source(%arg13 : memref<128x128xf32, #tpu.memory_space<vmem>>) target(%dma_start3A_337 : memref<10240x128xf32, #tpu.memory_space<vmem_shared>>) offsets(%dma_start3A_334 : memref<128xi32, #tpu.memory_space<vmem>>) semaphore(%arg20 : memref<!tpu.dma_semaphore, #tpu.memory_space<semaphore_mem>>) {add = true}
        %get3A_338 = arith.constant 3 : i32
        %get3A_339 = arith.index_cast %get3A_338 : i32 to index
        %get3A_340 = arith.constant 0 : index
        %get3A_341 = tpu.vector_load %arg11[%get3A_339, %get3A_340] {strides = array<i32>} : memref<4x128xi32, #tpu.memory_space<vmem>>, vector<16xi32>,
        tpu.vector_store_idx %arg21[%get3A_341], %broadcast_in_dim3A_7 {add = true} : memref<10240xf32, #tpu.memory_space<vmem>>[vector<16xi32>], vector<16xf32>,
        %get3A_342 = arith.constant 3 : i32
        %get3A_343 = arith.index_cast %get3A_342 : i32 to index
        %get3A_344 = arith.constant 16 : index
        %get3A_345 = tpu.vector_load %arg11[%get3A_343, %get3A_344] {strides = array<i32>} : memref<4x128xi32, #tpu.memory_space<vmem>>, vector<16xi32>,
        tpu.vector_store_idx %arg21[%get3A_345], %broadcast_in_dim3A_7 {add = true} : memref<10240xf32, #tpu.memory_space<vmem>>[vector<16xi32>], vector<16xf32>,
        %get3A_346 = arith.constant 3 : i32
        %get3A_347 = arith.index_cast %get3A_346 : i32 to index
        %get3A_348 = arith.constant 32 : index
        %get3A_349 = tpu.vector_load %arg11[%get3A_347, %get3A_348] {strides = array<i32>} : memref<4x128xi32, #tpu.memory_space<vmem>>, vector<16xi32>,
        tpu.vector_store_idx %arg21[%get3A_349], %broadcast_in_dim3A_7 {add = true} : memref<10240xf32, #tpu.memory_space<vmem>>[vector<16xi32>], vector<16xf32>,
        %get3A_350 = arith.constant 3 : i32
        %get3A_351 = arith.index_cast %get3A_350 : i32 to index
        %get3A_352 = arith.constant 48 : index
        %get3A_353 = tpu.vector_load %arg11[%get3A_351, %get3A_352] {strides = array<i32>} : memref<4x128xi32, #tpu.memory_space<vmem>>, vector<16xi32>,
        tpu.vector_store_idx %arg21[%get3A_353], %broadcast_in_dim3A_7 {add = true} : memref<10240xf32, #tpu.memory_space<vmem>>[vector<16xi32>], vector<16xf32>,
        %get3A_354 = arith.constant 3 : i32
        %get3A_355 = arith.index_cast %get3A_354 : i32 to index
        %get3A_356 = arith.constant 64 : index
        %get3A_357 = tpu.vector_load %arg11[%get3A_355, %get3A_356] {strides = array<i32>} : memref<4x128xi32, #tpu.memory_space<vmem>>, vector<16xi32>,
        tpu.vector_store_idx %arg21[%get3A_357], %broadcast_in_dim3A_7 {add = true} : memref<10240xf32, #tpu.memory_space<vmem>>[vector<16xi32>], vector<16xf32>,
        %get3A_358 = arith.constant 3 : i32
        %get3A_359 = arith.index_cast %get3A_358 : i32 to index
        %get3A_360 = arith.constant 80 : index
        %get3A_361 = tpu.vector_load %arg11[%get3A_359, %get3A_360] {strides = array<i32>} : memref<4x128xi32, #tpu.memory_space<vmem>>, vector<16xi32>,
        tpu.vector_store_idx %arg21[%get3A_361], %broadcast_in_dim3A_7 {add = true} : memref<10240xf32, #tpu.memory_space<vmem>>[vector<16xi32>], vector<16xf32>,
        %get3A_362 = arith.constant 3 : i32
        %get3A_363 = arith.index_cast %get3A_362 : i32 to index
        %get3A_364 = arith.constant 96 : index
        %get3A_365 = tpu.vector_load %arg11[%get3A_363, %get3A_364] {strides = array<i32>} : memref<4x128xi32, #tpu.memory_space<vmem>>, vector<16xi32>,
        tpu.vector_store_idx %arg21[%get3A_365], %broadcast_in_dim3A_7 {add = true} : memref<10240xf32, #tpu.memory_space<vmem>>[vector<16xi32>], vector<16xf32>,
        %get3A_366 = arith.constant 3 : i32
        %get3A_367 = arith.index_cast %get3A_366 : i32 to index
        %get3A_368 = arith.constant 112 : index
        %get3A_369 = tpu.vector_load %arg11[%get3A_367, %get3A_368] {strides = array<i32>} : memref<4x128xi32, #tpu.memory_space<vmem>>, vector<16xi32>,
        tpu.vector_store_idx %arg21[%get3A_369], %broadcast_in_dim3A_7 {add = true} : memref<10240xf32, #tpu.memory_space<vmem>>[vector<16xi32>], vector<16xf32>,
        %dma_wait3A_370 = arith.constant 3 : i32
        %dma_wait3A_371 = arith.constant 0 : i32
        %dma_wait3A_372 = tpu.memref_slice %arg11[%dma_wait3A_370, %dma_wait3A_371] : memref<4x128xi32, #tpu.memory_space<vmem>> -> memref<1x128xi32, #tpu.memory_space<vmem>>
        %dma_wait3A_373 = tpu.memref_squeeze %dma_wait3A_372 : memref<1x128xi32, #tpu.memory_space<vmem>> -> memref<128xi32, #tpu.memory_space<vmem>>
        %dma_wait3A_374 = arith.constant 0 : i32
        %dma_wait3A_375 = arith.constant 0 : i32
        %dma_wait3A_376 = tpu.memref_slice %arg14[%dma_wait3A_374, %dma_wait3A_375] : memref<10240x128xf32, #tpu.memory_space<vmem_shared>> -> memref<10240x128xf32, #tpu.memory_space<vmem_shared>>
        tpu.wait_indirect_dma semaphore(%arg20 : memref<!tpu.dma_semaphore, #tpu.memory_space<semaphore_mem>>) src(%arg13 : memref<128x128xf32, #tpu.memory_space<vmem>>) dst(%dma_wait3A_376 : memref<10240x128xf32, #tpu.memory_space<vmem_shared>>)
      }
      %scan3A_26 = arith.constant 36 : i32
    } else {
    }
    %ne3A = arith.constant 0 : i32
    %ne3A_10 = arith.cmpi ne, %arg0, %ne3A : i32
    %convert_element_type3A_11 = arith.extui %ne3A_10 : i1 to i32
    %cond3A_12 = arith.constant 0 : i32
    %cond3A_13 = arith.cmpi ne, %convert_element_type3A_11, %cond3A_12 : i32
    scf.if %cond3A_13 {
      %scan3A_22 = arith.constant 0 : i32
      %scan3A_23 = arith.constant 4 : i32
      %scan3A_24 = arith.addi %scan3A_22, %scan3A_23 : i32
      %scan3A_25 = arith.constant 1 : i32
      scf.for %scan3A_27 = %scan3A_22 to %scan3A_24 step %scan3A_25  : i32 {
        %mul3A_28 = arith.constant 1 : i32
        %mul3A_29 = arith.muli %scan3A_27, %mul3A_28 : i32
        %add3A_30 = arith.constant 0 : i32
        %add3A_31 = arith.addi %add3A_30, %mul3A_29 : i32
        %mul3A_32 = arith.constant 4 : i32
        %mul3A_33 = arith.muli %add3A_31, %mul3A_32 : i32
        "tpu.region"() ({
          %run_scoped3A = tpu.sem_alloc : memref<!tpu.dma_semaphore, #tpu.memory_space<semaphore_mem>>
          %dma_start3A_377 = arith.constant 0 : i32
          %dma_start3A_378 = tpu.memref_slice %arg5[%arg1, %mul3A_33, %dma_start3A_377] : memref<16x16x128xi32, #tpu.memory_space<hbm>> -> memref<1x4x128xi32, #tpu.memory_space<hbm>>
          %dma_start3A_379 = tpu.memref_squeeze %dma_start3A_378 : memref<1x4x128xi32, #tpu.memory_space<hbm>> -> memref<4x128xi32, #tpu.memory_space<hbm>>
          %dma_start3A_380 = arith.constant 0 : i32
          %dma_start3A_381 = tpu.memref_slice %arg5[%arg1, %mul3A_33, %dma_start3A_380] : memref<16x16x128xi32, #tpu.memory_space<hbm>> -> memref<1x4x128xi32, #tpu.memory_space<hbm>>
          %dma_start3A_382 = tpu.memref_squeeze %dma_start3A_381 : memref<1x4x128xi32, #tpu.memory_space<hbm>> -> memref<4x128xi32, #tpu.memory_space<hbm>>
          tpu.enqueue_dma source(%dma_start3A_382 : memref<4x128xi32, #tpu.memory_space<hbm>>) target(%arg10 : memref<4x128xi32, #tpu.memory_space<vmem>>) target_semaphore(%run_scoped3A : memref<!tpu.dma_semaphore, #tpu.memory_space<semaphore_mem>>)
          %dma_wait3A_383 = arith.constant 0 : i32
          %dma_wait3A_384 = tpu.memref_slice %arg5[%arg1, %mul3A_33, %dma_wait3A_383] : memref<16x16x128xi32, #tpu.memory_space<hbm>> -> memref<1x4x128xi32, #tpu.memory_space<hbm>>
          %dma_wait3A_385 = tpu.memref_squeeze %dma_wait3A_384 : memref<1x4x128xi32, #tpu.memory_space<hbm>> -> memref<4x128xi32, #tpu.memory_space<hbm>>
          %dma_wait3A_386 = arith.constant 0 : i32
          %dma_wait3A_387 = tpu.memref_slice %arg5[%arg1, %mul3A_33, %dma_wait3A_386] : memref<16x16x128xi32, #tpu.memory_space<hbm>> -> memref<1x4x128xi32, #tpu.memory_space<hbm>>
          %dma_wait3A_388 = tpu.memref_squeeze %dma_wait3A_387 : memref<1x4x128xi32, #tpu.memory_space<hbm>> -> memref<4x128xi32, #tpu.memory_space<hbm>>
          tpu.wait_dma2 semaphore(%run_scoped3A : memref<!tpu.dma_semaphore, #tpu.memory_space<semaphore_mem>>) src(%dma_wait3A_388 : memref<4x128xi32, #tpu.memory_space<hbm>>) dst(%arg10 : memref<4x128xi32, #tpu.memory_space<vmem>>)
          tpu.yield
        }) : () -> ()
        %mul3A_34 = arith.constant 4 : i32
        %mul3A_35 = arith.muli %add3A_31, %mul3A_34 : i32
        "tpu.region"() ({
          %run_scoped3A = tpu.sem_alloc : memref<!tpu.dma_semaphore, #tpu.memory_space<semaphore_mem>>
          %dma_start3A_377 = arith.constant 0 : i32
          %dma_start3A_378 = tpu.memref_slice %arg6[%arg1, %mul3A_35, %dma_start3A_377] : memref<16x16x128xi32, #tpu.memory_space<hbm>> -> memref<1x4x128xi32, #tpu.memory_space<hbm>>
          %dma_start3A_379 = tpu.memref_squeeze %dma_start3A_378 : memref<1x4x128xi32, #tpu.memory_space<hbm>> -> memref<4x128xi32, #tpu.memory_space<hbm>>
          %dma_start3A_380 = arith.constant 0 : i32
          %dma_start3A_381 = tpu.memref_slice %arg6[%arg1, %mul3A_35, %dma_start3A_380] : memref<16x16x128xi32, #tpu.memory_space<hbm>> -> memref<1x4x128xi32, #tpu.memory_space<hbm>>
          %dma_start3A_382 = tpu.memref_squeeze %dma_start3A_381 : memref<1x4x128xi32, #tpu.memory_space<hbm>> -> memref<4x128xi32, #tpu.memory_space<hbm>>
          tpu.enqueue_dma source(%dma_start3A_382 : memref<4x128xi32, #tpu.memory_space<hbm>>) target(%arg11 : memref<4x128xi32, #tpu.memory_space<vmem>>) target_semaphore(%run_scoped3A : memref<!tpu.dma_semaphore, #tpu.memory_space<semaphore_mem>>)
          %dma_wait3A_383 = arith.constant 0 : i32
          %dma_wait3A_384 = tpu.memref_slice %arg6[%arg1, %mul3A_35, %dma_wait3A_383] : memref<16x16x128xi32, #tpu.memory_space<hbm>> -> memref<1x4x128xi32, #tpu.memory_space<hbm>>
          %dma_wait3A_385 = tpu.memref_squeeze %dma_wait3A_384 : memref<1x4x128xi32, #tpu.memory_space<hbm>> -> memref<4x128xi32, #tpu.memory_space<hbm>>
          %dma_wait3A_386 = arith.constant 0 : i32
          %dma_wait3A_387 = tpu.memref_slice %arg6[%arg1, %mul3A_35, %dma_wait3A_386] : memref<16x16x128xi32, #tpu.memory_space<hbm>> -> memref<1x4x128xi32, #tpu.memory_space<hbm>>
          %dma_wait3A_388 = tpu.memref_squeeze %dma_wait3A_387 : memref<1x4x128xi32, #tpu.memory_space<hbm>> -> memref<4x128xi32, #tpu.memory_space<hbm>>
          tpu.wait_dma2 semaphore(%run_scoped3A : memref<!tpu.dma_semaphore, #tpu.memory_space<semaphore_mem>>) src(%dma_wait3A_388 : memref<4x128xi32, #tpu.memory_space<hbm>>) dst(%arg11 : memref<4x128xi32, #tpu.memory_space<vmem>>)
          tpu.yield
        }) : () -> ()
        %dma_start3A = arith.constant 0 : i32
        %dma_start3A_36 = arith.constant 0 : i32
        %dma_start3A_37 = arith.constant 0 : i32
        %dma_start3A_38 = tpu.memref_slice %arg12[%dma_start3A_36, %dma_start3A_37] : memref<128x128xf32, #tpu.memory_space<vmem>> -> memref<64x128xf32, #tpu.memory_space<vmem>>
        %dma_start3A_39 = arith.constant 0 : i32
        %dma_start3A_40 = tpu.memref_slice %arg10[%dma_start3A, %dma_start3A_39] : memref<4x128xi32, #tpu.memory_space<vmem>> -> memref<1x64xi32, #tpu.memory_space<vmem>>
        %dma_start3A_41 = tpu.memref_squeeze %dma_start3A_40 : memref<1x64xi32, #tpu.memory_space<vmem>> -> memref<64xi32, #tpu.memory_space<vmem>>
        %dma_start3A_42 = arith.constant 0 : i32
        %dma_start3A_43 = arith.constant 0 : i32
        %dma_start3A_44 = tpu.memref_slice %arg2[%dma_start3A_42, %dma_start3A_43] : memref<10000x128xf32, #tpu.memory_space<hbm>> -> memref<10000x128xf32, #tpu.memory_space<hbm>>
        tpu.enqueue_indirect_dma source(%dma_start3A_44 : memref<10000x128xf32, #tpu.memory_space<hbm>>) target(%dma_start3A_38 : memref<64x128xf32, #tpu.memory_space<vmem>>) offsets(%dma_start3A_41 : memref<64xi32, #tpu.memory_space<vmem>>) semaphore(%arg15 : memref<!tpu.dma_semaphore, #tpu.memory_space<semaphore_mem>>)
        %dma_start3A_45 = arith.constant 0 : i32
        %dma_start3A_46 = arith.constant 64 : i32
        %dma_start3A_47 = arith.constant 0 : i32
        %dma_start3A_48 = tpu.memref_slice %arg12[%dma_start3A_46, %dma_start3A_47] : memref<128x128xf32, #tpu.memory_space<vmem>> -> memref<64x128xf32, #tpu.memory_space<vmem>>
        %dma_start3A_49 = arith.constant 64 : i32
        %dma_start3A_50 = tpu.memref_slice %arg10[%dma_start3A_45, %dma_start3A_49] : memref<4x128xi32, #tpu.memory_space<vmem>> -> memref<1x64xi32, #tpu.memory_space<vmem>>
        %dma_start3A_51 = tpu.memref_squeeze %dma_start3A_50 : memref<1x64xi32, #tpu.memory_space<vmem>> -> memref<64xi32, #tpu.memory_space<vmem>>
        %dma_start3A_52 = arith.constant 0 : i32
        %dma_start3A_53 = arith.constant 0 : i32
        %dma_start3A_54 = tpu.memref_slice %arg2[%dma_start3A_52, %dma_start3A_53] : memref<10000x128xf32, #tpu.memory_space<hbm>> -> memref<10000x128xf32, #tpu.memory_space<hbm>>
        tpu.enqueue_indirect_dma source(%dma_start3A_54 : memref<10000x128xf32, #tpu.memory_space<hbm>>) target(%dma_start3A_48 : memref<64x128xf32, #tpu.memory_space<vmem>>) offsets(%dma_start3A_51 : memref<64xi32, #tpu.memory_space<vmem>>) semaphore(%arg16 : memref<!tpu.dma_semaphore, #tpu.memory_space<semaphore_mem>>)
        %dma_start3A_55 = arith.constant 1 : i32
        %dma_start3A_56 = arith.constant 0 : i32
        %dma_start3A_57 = arith.constant 0 : i32
        %dma_start3A_58 = tpu.memref_slice %arg13[%dma_start3A_56, %dma_start3A_57] : memref<128x128xf32, #tpu.memory_space<vmem>> -> memref<64x128xf32, #tpu.memory_space<vmem>>
        %dma_start3A_59 = arith.constant 0 : i32
        %dma_start3A_60 = tpu.memref_slice %arg10[%dma_start3A_55, %dma_start3A_59] : memref<4x128xi32, #tpu.memory_space<vmem>> -> memref<1x64xi32, #tpu.memory_space<vmem>>
        %dma_start3A_61 = tpu.memref_squeeze %dma_start3A_60 : memref<1x64xi32, #tpu.memory_space<vmem>> -> memref<64xi32, #tpu.memory_space<vmem>>
        %dma_start3A_62 = arith.constant 0 : i32
        %dma_start3A_63 = arith.constant 0 : i32
        %dma_start3A_64 = tpu.memref_slice %arg2[%dma_start3A_62, %dma_start3A_63] : memref<10000x128xf32, #tpu.memory_space<hbm>> -> memref<10000x128xf32, #tpu.memory_space<hbm>>
        tpu.enqueue_indirect_dma source(%dma_start3A_64 : memref<10000x128xf32, #tpu.memory_space<hbm>>) target(%dma_start3A_58 : memref<64x128xf32, #tpu.memory_space<vmem>>) offsets(%dma_start3A_61 : memref<64xi32, #tpu.memory_space<vmem>>) semaphore(%arg17 : memref<!tpu.dma_semaphore, #tpu.memory_space<semaphore_mem>>)
        %dma_start3A_65 = arith.constant 1 : i32
        %dma_start3A_66 = arith.constant 64 : i32
        %dma_start3A_67 = arith.constant 0 : i32
        %dma_start3A_68 = tpu.memref_slice %arg13[%dma_start3A_66, %dma_start3A_67] : memref<128x128xf32, #tpu.memory_space<vmem>> -> memref<64x128xf32, #tpu.memory_space<vmem>>
        %dma_start3A_69 = arith.constant 64 : i32
        %dma_start3A_70 = tpu.memref_slice %arg10[%dma_start3A_65, %dma_start3A_69] : memref<4x128xi32, #tpu.memory_space<vmem>> -> memref<1x64xi32, #tpu.memory_space<vmem>>
        %dma_start3A_71 = tpu.memref_squeeze %dma_start3A_70 : memref<1x64xi32, #tpu.memory_space<vmem>> -> memref<64xi32, #tpu.memory_space<vmem>>
        %dma_start3A_72 = arith.constant 0 : i32
        %dma_start3A_73 = arith.constant 0 : i32
        %dma_start3A_74 = tpu.memref_slice %arg2[%dma_start3A_72, %dma_start3A_73] : memref<10000x128xf32, #tpu.memory_space<hbm>> -> memref<10000x128xf32, #tpu.memory_space<hbm>>
        tpu.enqueue_indirect_dma source(%dma_start3A_74 : memref<10000x128xf32, #tpu.memory_space<hbm>>) target(%dma_start3A_68 : memref<64x128xf32, #tpu.memory_space<vmem>>) offsets(%dma_start3A_71 : memref<64xi32, #tpu.memory_space<vmem>>) semaphore(%arg18 : memref<!tpu.dma_semaphore, #tpu.memory_space<semaphore_mem>>)
        %dma_wait3A = arith.constant 0 : i32
        %dma_wait3A_75 = arith.constant 0 : i32
        %dma_wait3A_76 = arith.constant 0 : i32
        %dma_wait3A_77 = tpu.memref_slice %arg12[%dma_wait3A_75, %dma_wait3A_76] : memref<128x128xf32, #tpu.memory_space<vmem>> -> memref<64x128xf32, #tpu.memory_space<vmem>>
        %dma_wait3A_78 = arith.constant 0 : i32
        %dma_wait3A_79 = tpu.memref_slice %arg10[%dma_wait3A, %dma_wait3A_78] : memref<4x128xi32, #tpu.memory_space<vmem>> -> memref<1x64xi32, #tpu.memory_space<vmem>>
        %dma_wait3A_80 = tpu.memref_squeeze %dma_wait3A_79 : memref<1x64xi32, #tpu.memory_space<vmem>> -> memref<64xi32, #tpu.memory_space<vmem>>
        %dma_wait3A_81 = arith.constant 0 : i32
        %dma_wait3A_82 = arith.constant 0 : i32
        %dma_wait3A_83 = tpu.memref_slice %arg2[%dma_wait3A_81, %dma_wait3A_82] : memref<10000x128xf32, #tpu.memory_space<hbm>> -> memref<10000x128xf32, #tpu.memory_space<hbm>>
        tpu.wait_indirect_dma semaphore(%arg15 : memref<!tpu.dma_semaphore, #tpu.memory_space<semaphore_mem>>) src(%dma_wait3A_83 : memref<10000x128xf32, #tpu.memory_space<hbm>>) dst(%dma_wait3A_77 : memref<64x128xf32, #tpu.memory_space<vmem>>)
        %dma_wait3A_84 = arith.constant 0 : i32
        %dma_wait3A_85 = arith.constant 64 : i32
        %dma_wait3A_86 = arith.constant 0 : i32
        %dma_wait3A_87 = tpu.memref_slice %arg12[%dma_wait3A_85, %dma_wait3A_86] : memref<128x128xf32, #tpu.memory_space<vmem>> -> memref<64x128xf32, #tpu.memory_space<vmem>>
        %dma_wait3A_88 = arith.constant 64 : i32
        %dma_wait3A_89 = tpu.memref_slice %arg10[%dma_wait3A_84, %dma_wait3A_88] : memref<4x128xi32, #tpu.memory_space<vmem>> -> memref<1x64xi32, #tpu.memory_space<vmem>>
        %dma_wait3A_90 = tpu.memref_squeeze %dma_wait3A_89 : memref<1x64xi32, #tpu.memory_space<vmem>> -> memref<64xi32, #tpu.memory_space<vmem>>
        %dma_wait3A_91 = arith.constant 0 : i32
        %dma_wait3A_92 = arith.constant 0 : i32
        %dma_wait3A_93 = tpu.memref_slice %arg2[%dma_wait3A_91, %dma_wait3A_92] : memref<10000x128xf32, #tpu.memory_space<hbm>> -> memref<10000x128xf32, #tpu.memory_space<hbm>>
        tpu.wait_indirect_dma semaphore(%arg16 : memref<!tpu.dma_semaphore, #tpu.memory_space<semaphore_mem>>) src(%dma_wait3A_93 : memref<10000x128xf32, #tpu.memory_space<hbm>>) dst(%dma_wait3A_87 : memref<64x128xf32, #tpu.memory_space<vmem>>)
        %dma_start3A_94 = arith.constant 0 : i32
        %dma_start3A_95 = arith.constant 0 : i32
        %dma_start3A_96 = tpu.memref_slice %arg11[%dma_start3A_94, %dma_start3A_95] : memref<4x128xi32, #tpu.memory_space<vmem>> -> memref<1x128xi32, #tpu.memory_space<vmem>>
        %dma_start3A_97 = tpu.memref_squeeze %dma_start3A_96 : memref<1x128xi32, #tpu.memory_space<vmem>> -> memref<128xi32, #tpu.memory_space<vmem>>
        %dma_start3A_98 = arith.constant 0 : i32
        %dma_start3A_99 = arith.constant 0 : i32
        %dma_start3A_100 = tpu.memref_slice %arg14[%dma_start3A_98, %dma_start3A_99] : memref<10240x128xf32, #tpu.memory_space<vmem_shared>> -> memref<10240x128xf32, #tpu.memory_space<vmem_shared>>
        tpu.enqueue_indirect_dma source(%arg12 : memref<128x128xf32, #tpu.memory_space<vmem>>) target(%dma_start3A_100 : memref<10240x128xf32, #tpu.memory_space<vmem_shared>>) offsets(%dma_start3A_97 : memref<128xi32, #tpu.memory_space<vmem>>) semaphore(%arg19 : memref<!tpu.dma_semaphore, #tpu.memory_space<semaphore_mem>>) {add = true}
        %get3A = arith.constant 0 : i32
        %get3A_101 = arith.index_cast %get3A : i32 to index
        %get3A_102 = arith.constant 0 : index
        %get3A_103 = tpu.vector_load %arg11[%get3A_101, %get3A_102] {strides = array<i32>} : memref<4x128xi32, #tpu.memory_space<vmem>>, vector<16xi32>,
        tpu.vector_store_idx %arg21[%get3A_103], %broadcast_in_dim3A_7 {add = true} : memref<10240xf32, #tpu.memory_space<vmem>>[vector<16xi32>], vector<16xf32>,
        %get3A_104 = arith.constant 0 : i32
        %get3A_105 = arith.index_cast %get3A_104 : i32 to index
        %get3A_106 = arith.constant 16 : index
        %get3A_107 = tpu.vector_load %arg11[%get3A_105, %get3A_106] {strides = array<i32>} : memref<4x128xi32, #tpu.memory_space<vmem>>, vector<16xi32>,
        tpu.vector_store_idx %arg21[%get3A_107], %broadcast_in_dim3A_7 {add = true} : memref<10240xf32, #tpu.memory_space<vmem>>[vector<16xi32>], vector<16xf32>,
        %get3A_108 = arith.constant 0 : i32
        %get3A_109 = arith.index_cast %get3A_108 : i32 to index
        %get3A_110 = arith.constant 32 : index
        %get3A_111 = tpu.vector_load %arg11[%get3A_109, %get3A_110] {strides = array<i32>} : memref<4x128xi32, #tpu.memory_space<vmem>>, vector<16xi32>,
        tpu.vector_store_idx %arg21[%get3A_111], %broadcast_in_dim3A_7 {add = true} : memref<10240xf32, #tpu.memory_space<vmem>>[vector<16xi32>], vector<16xf32>,
        %get3A_112 = arith.constant 0 : i32
        %get3A_113 = arith.index_cast %get3A_112 : i32 to index
        %get3A_114 = arith.constant 48 : index
        %get3A_115 = tpu.vector_load %arg11[%get3A_113, %get3A_114] {strides = array<i32>} : memref<4x128xi32, #tpu.memory_space<vmem>>, vector<16xi32>,
        tpu.vector_store_idx %arg21[%get3A_115], %broadcast_in_dim3A_7 {add = true} : memref<10240xf32, #tpu.memory_space<vmem>>[vector<16xi32>], vector<16xf32>,
        %get3A_116 = arith.constant 0 : i32
        %get3A_117 = arith.index_cast %get3A_116 : i32 to index
        %get3A_118 = arith.constant 64 : index
        %get3A_119 = tpu.vector_load %arg11[%get3A_117, %get3A_118] {strides = array<i32>} : memref<4x128xi32, #tpu.memory_space<vmem>>, vector<16xi32>,
        tpu.vector_store_idx %arg21[%get3A_119], %broadcast_in_dim3A_7 {add = true} : memref<10240xf32, #tpu.memory_space<vmem>>[vector<16xi32>], vector<16xf32>,
        %get3A_120 = arith.constant 0 : i32
        %get3A_121 = arith.index_cast %get3A_120 : i32 to index
        %get3A_122 = arith.constant 80 : index
        %get3A_123 = tpu.vector_load %arg11[%get3A_121, %get3A_122] {strides = array<i32>} : memref<4x128xi32, #tpu.memory_space<vmem>>, vector<16xi32>,
        tpu.vector_store_idx %arg21[%get3A_123], %broadcast_in_dim3A_7 {add = true} : memref<10240xf32, #tpu.memory_space<vmem>>[vector<16xi32>], vector<16xf32>,
        %get3A_124 = arith.constant 0 : i32
        %get3A_125 = arith.index_cast %get3A_124 : i32 to index
        %get3A_126 = arith.constant 96 : index
        %get3A_127 = tpu.vector_load %arg11[%get3A_125, %get3A_126] {strides = array<i32>} : memref<4x128xi32, #tpu.memory_space<vmem>>, vector<16xi32>,
        tpu.vector_store_idx %arg21[%get3A_127], %broadcast_in_dim3A_7 {add = true} : memref<10240xf32, #tpu.memory_space<vmem>>[vector<16xi32>], vector<16xf32>,
        %get3A_128 = arith.constant 0 : i32
        %get3A_129 = arith.index_cast %get3A_128 : i32 to index
        %get3A_130 = arith.constant 112 : index
        %get3A_131 = tpu.vector_load %arg11[%get3A_129, %get3A_130] {strides = array<i32>} : memref<4x128xi32, #tpu.memory_space<vmem>>, vector<16xi32>,
        tpu.vector_store_idx %arg21[%get3A_131], %broadcast_in_dim3A_7 {add = true} : memref<10240xf32, #tpu.memory_space<vmem>>[vector<16xi32>], vector<16xf32>,
        %dma_wait3A_132 = arith.constant 0 : i32
        %dma_wait3A_133 = arith.constant 0 : i32
        %dma_wait3A_134 = tpu.memref_slice %arg11[%dma_wait3A_132, %dma_wait3A_133] : memref<4x128xi32, #tpu.memory_space<vmem>> -> memref<1x128xi32, #tpu.memory_space<vmem>>
        %dma_wait3A_135 = tpu.memref_squeeze %dma_wait3A_134 : memref<1x128xi32, #tpu.memory_space<vmem>> -> memref<128xi32, #tpu.memory_space<vmem>>
        %dma_wait3A_136 = arith.constant 0 : i32
        %dma_wait3A_137 = arith.constant 0 : i32
        %dma_wait3A_138 = tpu.memref_slice %arg14[%dma_wait3A_136, %dma_wait3A_137] : memref<10240x128xf32, #tpu.memory_space<vmem_shared>> -> memref<10240x128xf32, #tpu.memory_space<vmem_shared>>
        tpu.wait_indirect_dma semaphore(%arg19 : memref<!tpu.dma_semaphore, #tpu.memory_space<semaphore_mem>>) src(%arg12 : memref<128x128xf32, #tpu.memory_space<vmem>>) dst(%dma_wait3A_138 : memref<10240x128xf32, #tpu.memory_space<vmem_shared>>)
        %dma_start3A_139 = arith.constant 2 : i32
        %dma_start3A_140 = arith.constant 0 : i32
        %dma_start3A_141 = arith.constant 0 : i32
        %dma_start3A_142 = tpu.memref_slice %arg12[%dma_start3A_140, %dma_start3A_141] : memref<128x128xf32, #tpu.memory_space<vmem>> -> memref<64x128xf32, #tpu.memory_space<vmem>>
        %dma_start3A_143 = arith.constant 0 : i32
        %dma_start3A_144 = tpu.memref_slice %arg10[%dma_start3A_139, %dma_start3A_143] : memref<4x128xi32, #tpu.memory_space<vmem>> -> memref<1x64xi32, #tpu.memory_space<vmem>>
        %dma_start3A_145 = tpu.memref_squeeze %dma_start3A_144 : memref<1x64xi32, #tpu.memory_space<vmem>> -> memref<64xi32, #tpu.memory_space<vmem>>
        %dma_start3A_146 = arith.constant 0 : i32
        %dma_start3A_147 = arith.constant 0 : i32
        %dma_start3A_148 = tpu.memref_slice %arg2[%dma_start3A_146, %dma_start3A_147] : memref<10000x128xf32, #tpu.memory_space<hbm>> -> memref<10000x128xf32, #tpu.memory_space<hbm>>
        tpu.enqueue_indirect_dma source(%dma_start3A_148 : memref<10000x128xf32, #tpu.memory_space<hbm>>) target(%dma_start3A_142 : memref<64x128xf32, #tpu.memory_space<vmem>>) offsets(%dma_start3A_145 : memref<64xi32, #tpu.memory_space<vmem>>) semaphore(%arg15 : memref<!tpu.dma_semaphore, #tpu.memory_space<semaphore_mem>>)
        %dma_start3A_149 = arith.constant 2 : i32
        %dma_start3A_150 = arith.constant 64 : i32
        %dma_start3A_151 = arith.constant 0 : i32
        %dma_start3A_152 = tpu.memref_slice %arg12[%dma_start3A_150, %dma_start3A_151] : memref<128x128xf32, #tpu.memory_space<vmem>> -> memref<64x128xf32, #tpu.memory_space<vmem>>
        %dma_start3A_153 = arith.constant 64 : i32
        %dma_start3A_154 = tpu.memref_slice %arg10[%dma_start3A_149, %dma_start3A_153] : memref<4x128xi32, #tpu.memory_space<vmem>> -> memref<1x64xi32, #tpu.memory_space<vmem>>
        %dma_start3A_155 = tpu.memref_squeeze %dma_start3A_154 : memref<1x64xi32, #tpu.memory_space<vmem>> -> memref<64xi32, #tpu.memory_space<vmem>>
        %dma_start3A_156 = arith.constant 0 : i32
        %dma_start3A_157 = arith.constant 0 : i32
        %dma_start3A_158 = tpu.memref_slice %arg2[%dma_start3A_156, %dma_start3A_157] : memref<10000x128xf32, #tpu.memory_space<hbm>> -> memref<10000x128xf32, #tpu.memory_space<hbm>>
        tpu.enqueue_indirect_dma source(%dma_start3A_158 : memref<10000x128xf32, #tpu.memory_space<hbm>>) target(%dma_start3A_152 : memref<64x128xf32, #tpu.memory_space<vmem>>) offsets(%dma_start3A_155 : memref<64xi32, #tpu.memory_space<vmem>>) semaphore(%arg16 : memref<!tpu.dma_semaphore, #tpu.memory_space<semaphore_mem>>)
        %dma_wait3A_159 = arith.constant 1 : i32
        %dma_wait3A_160 = arith.constant 0 : i32
        %dma_wait3A_161 = arith.constant 0 : i32
        %dma_wait3A_162 = tpu.memref_slice %arg13[%dma_wait3A_160, %dma_wait3A_161] : memref<128x128xf32, #tpu.memory_space<vmem>> -> memref<64x128xf32, #tpu.memory_space<vmem>>
        %dma_wait3A_163 = arith.constant 0 : i32
        %dma_wait3A_164 = tpu.memref_slice %arg10[%dma_wait3A_159, %dma_wait3A_163] : memref<4x128xi32, #tpu.memory_space<vmem>> -> memref<1x64xi32, #tpu.memory_space<vmem>>
        %dma_wait3A_165 = tpu.memref_squeeze %dma_wait3A_164 : memref<1x64xi32, #tpu.memory_space<vmem>> -> memref<64xi32, #tpu.memory_space<vmem>>
        %dma_wait3A_166 = arith.constant 0 : i32
        %dma_wait3A_167 = arith.constant 0 : i32
        %dma_wait3A_168 = tpu.memref_slice %arg2[%dma_wait3A_166, %dma_wait3A_167] : memref<10000x128xf32, #tpu.memory_space<hbm>> -> memref<10000x128xf32, #tpu.memory_space<hbm>>
        tpu.wait_indirect_dma semaphore(%arg17 : memref<!tpu.dma_semaphore, #tpu.memory_space<semaphore_mem>>) src(%dma_wait3A_168 : memref<10000x128xf32, #tpu.memory_space<hbm>>) dst(%dma_wait3A_162 : memref<64x128xf32, #tpu.memory_space<vmem>>)
        %dma_wait3A_169 = arith.constant 1 : i32
        %dma_wait3A_170 = arith.constant 64 : i32
        %dma_wait3A_171 = arith.constant 0 : i32
        %dma_wait3A_172 = tpu.memref_slice %arg13[%dma_wait3A_170, %dma_wait3A_171] : memref<128x128xf32, #tpu.memory_space<vmem>> -> memref<64x128xf32, #tpu.memory_space<vmem>>
        %dma_wait3A_173 = arith.constant 64 : i32
        %dma_wait3A_174 = tpu.memref_slice %arg10[%dma_wait3A_169, %dma_wait3A_173] : memref<4x128xi32, #tpu.memory_space<vmem>> -> memref<1x64xi32, #tpu.memory_space<vmem>>
        %dma_wait3A_175 = tpu.memref_squeeze %dma_wait3A_174 : memref<1x64xi32, #tpu.memory_space<vmem>> -> memref<64xi32, #tpu.memory_space<vmem>>
        %dma_wait3A_176 = arith.constant 0 : i32
        %dma_wait3A_177 = arith.constant 0 : i32
        %dma_wait3A_178 = tpu.memref_slice %arg2[%dma_wait3A_176, %dma_wait3A_177] : memref<10000x128xf32, #tpu.memory_space<hbm>> -> memref<10000x128xf32, #tpu.memory_space<hbm>>
        tpu.wait_indirect_dma semaphore(%arg18 : memref<!tpu.dma_semaphore, #tpu.memory_space<semaphore_mem>>) src(%dma_wait3A_178 : memref<10000x128xf32, #tpu.memory_space<hbm>>) dst(%dma_wait3A_172 : memref<64x128xf32, #tpu.memory_space<vmem>>)
        %dma_start3A_179 = arith.constant 1 : i32
        %dma_start3A_180 = arith.constant 0 : i32
        %dma_start3A_181 = tpu.memref_slice %arg11[%dma_start3A_179, %dma_start3A_180] : memref<4x128xi32, #tpu.memory_space<vmem>> -> memref<1x128xi32, #tpu.memory_space<vmem>>
        %dma_start3A_182 = tpu.memref_squeeze %dma_start3A_181 : memref<1x128xi32, #tpu.memory_space<vmem>> -> memref<128xi32, #tpu.memory_space<vmem>>
        %dma_start3A_183 = arith.constant 0 : i32
        %dma_start3A_184 = arith.constant 0 : i32
        %dma_start3A_185 = tpu.memref_slice %arg14[%dma_start3A_183, %dma_start3A_184] : memref<10240x128xf32, #tpu.memory_space<vmem_shared>> -> memref<10240x128xf32, #tpu.memory_space<vmem_shared>>
        tpu.enqueue_indirect_dma source(%arg13 : memref<128x128xf32, #tpu.memory_space<vmem>>) target(%dma_start3A_185 : memref<10240x128xf32, #tpu.memory_space<vmem_shared>>) offsets(%dma_start3A_182 : memref<128xi32, #tpu.memory_space<vmem>>) semaphore(%arg20 : memref<!tpu.dma_semaphore, #tpu.memory_space<semaphore_mem>>) {add = true}
        %get3A_186 = arith.constant 1 : i32
        %get3A_187 = arith.index_cast %get3A_186 : i32 to index
        %get3A_188 = arith.constant 0 : index
        %get3A_189 = tpu.vector_load %arg11[%get3A_187, %get3A_188] {strides = array<i32>} : memref<4x128xi32, #tpu.memory_space<vmem>>, vector<16xi32>,
        tpu.vector_store_idx %arg21[%get3A_189], %broadcast_in_dim3A_7 {add = true} : memref<10240xf32, #tpu.memory_space<vmem>>[vector<16xi32>], vector<16xf32>,
        %get3A_190 = arith.constant 1 : i32
        %get3A_191 = arith.index_cast %get3A_190 : i32 to index
        %get3A_192 = arith.constant 16 : index
        %get3A_193 = tpu.vector_load %arg11[%get3A_191, %get3A_192] {strides = array<i32>} : memref<4x128xi32, #tpu.memory_space<vmem>>, vector<16xi32>,
        tpu.vector_store_idx %arg21[%get3A_193], %broadcast_in_dim3A_7 {add = true} : memref<10240xf32, #tpu.memory_space<vmem>>[vector<16xi32>], vector<16xf32>,
        %get3A_194 = arith.constant 1 : i32
        %get3A_195 = arith.index_cast %get3A_194 : i32 to index
        %get3A_196 = arith.constant 32 : index
        %get3A_197 = tpu.vector_load %arg11[%get3A_195, %get3A_196] {strides = array<i32>} : memref<4x128xi32, #tpu.memory_space<vmem>>, vector<16xi32>,
        tpu.vector_store_idx %arg21[%get3A_197], %broadcast_in_dim3A_7 {add = true} : memref<10240xf32, #tpu.memory_space<vmem>>[vector<16xi32>], vector<16xf32>,
        %get3A_198 = arith.constant 1 : i32
        %get3A_199 = arith.index_cast %get3A_198 : i32 to index
        %get3A_200 = arith.constant 48 : index
        %get3A_201 = tpu.vector_load %arg11[%get3A_199, %get3A_200] {strides = array<i32>} : memref<4x128xi32, #tpu.memory_space<vmem>>, vector<16xi32>,
        tpu.vector_store_idx %arg21[%get3A_201], %broadcast_in_dim3A_7 {add = true} : memref<10240xf32, #tpu.memory_space<vmem>>[vector<16xi32>], vector<16xf32>,
        %get3A_202 = arith.constant 1 : i32
        %get3A_203 = arith.index_cast %get3A_202 : i32 to index
        %get3A_204 = arith.constant 64 : index
        %get3A_205 = tpu.vector_load %arg11[%get3A_203, %get3A_204] {strides = array<i32>} : memref<4x128xi32, #tpu.memory_space<vmem>>, vector<16xi32>,
        tpu.vector_store_idx %arg21[%get3A_205], %broadcast_in_dim3A_7 {add = true} : memref<10240xf32, #tpu.memory_space<vmem>>[vector<16xi32>], vector<16xf32>,
        %get3A_206 = arith.constant 1 : i32
        %get3A_207 = arith.index_cast %get3A_206 : i32 to index
        %get3A_208 = arith.constant 80 : index
        %get3A_209 = tpu.vector_load %arg11[%get3A_207, %get3A_208] {strides = array<i32>} : memref<4x128xi32, #tpu.memory_space<vmem>>, vector<16xi32>,
        tpu.vector_store_idx %arg21[%get3A_209], %broadcast_in_dim3A_7 {add = true} : memref<10240xf32, #tpu.memory_space<vmem>>[vector<16xi32>], vector<16xf32>,
        %get3A_210 = arith.constant 1 : i32
        %get3A_211 = arith.index_cast %get3A_210 : i32 to index
        %get3A_212 = arith.constant 96 : index
        %get3A_213 = tpu.vector_load %arg11[%get3A_211, %get3A_212] {strides = array<i32>} : memref<4x128xi32, #tpu.memory_space<vmem>>, vector<16xi32>,
        tpu.vector_store_idx %arg21[%get3A_213], %broadcast_in_dim3A_7 {add = true} : memref<10240xf32, #tpu.memory_space<vmem>>[vector<16xi32>], vector<16xf32>,
        %get3A_214 = arith.constant 1 : i32
        %get3A_215 = arith.index_cast %get3A_214 : i32 to index
        %get3A_216 = arith.constant 112 : index
        %get3A_217 = tpu.vector_load %arg11[%get3A_215, %get3A_216] {strides = array<i32>} : memref<4x128xi32, #tpu.memory_space<vmem>>, vector<16xi32>,
        tpu.vector_store_idx %arg21[%get3A_217], %broadcast_in_dim3A_7 {add = true} : memref<10240xf32, #tpu.memory_space<vmem>>[vector<16xi32>], vector<16xf32>,
        %dma_wait3A_218 = arith.constant 1 : i32
        %dma_wait3A_219 = arith.constant 0 : i32
        %dma_wait3A_220 = tpu.memref_slice %arg11[%dma_wait3A_218, %dma_wait3A_219] : memref<4x128xi32, #tpu.memory_space<vmem>> -> memref<1x128xi32, #tpu.memory_space<vmem>>
        %dma_wait3A_221 = tpu.memref_squeeze %dma_wait3A_220 : memref<1x128xi32, #tpu.memory_space<vmem>> -> memref<128xi32, #tpu.memory_space<vmem>>
        %dma_wait3A_222 = arith.constant 0 : i32
        %dma_wait3A_223 = arith.constant 0 : i32
        %dma_wait3A_224 = tpu.memref_slice %arg14[%dma_wait3A_222, %dma_wait3A_223] : memref<10240x128xf32, #tpu.memory_space<vmem_shared>> -> memref<10240x128xf32, #tpu.memory_space<vmem_shared>>
        tpu.wait_indirect_dma semaphore(%arg20 : memref<!tpu.dma_semaphore, #tpu.memory_space<semaphore_mem>>) src(%arg13 : memref<128x128xf32, #tpu.memory_space<vmem>>) dst(%dma_wait3A_224 : memref<10240x128xf32, #tpu.memory_space<vmem_shared>>)
        %dma_start3A_225 = arith.constant 3 : i32
        %dma_start3A_226 = arith.constant 0 : i32
        %dma_start3A_227 = arith.constant 0 : i32
        %dma_start3A_228 = tpu.memref_slice %arg13[%dma_start3A_226, %dma_start3A_227] : memref<128x128xf32, #tpu.memory_space<vmem>> -> memref<64x128xf32, #tpu.memory_space<vmem>>
        %dma_start3A_229 = arith.constant 0 : i32
        %dma_start3A_230 = tpu.memref_slice %arg10[%dma_start3A_225, %dma_start3A_229] : memref<4x128xi32, #tpu.memory_space<vmem>> -> memref<1x64xi32, #tpu.memory_space<vmem>>
        %dma_start3A_231 = tpu.memref_squeeze %dma_start3A_230 : memref<1x64xi32, #tpu.memory_space<vmem>> -> memref<64xi32, #tpu.memory_space<vmem>>
        %dma_start3A_232 = arith.constant 0 : i32
        %dma_start3A_233 = arith.constant 0 : i32
        %dma_start3A_234 = tpu.memref_slice %arg2[%dma_start3A_232, %dma_start3A_233] : memref<10000x128xf32, #tpu.memory_space<hbm>> -> memref<10000x128xf32, #tpu.memory_space<hbm>>
        tpu.enqueue_indirect_dma source(%dma_start3A_234 : memref<10000x128xf32, #tpu.memory_space<hbm>>) target(%dma_start3A_228 : memref<64x128xf32, #tpu.memory_space<vmem>>) offsets(%dma_start3A_231 : memref<64xi32, #tpu.memory_space<vmem>>) semaphore(%arg17 : memref<!tpu.dma_semaphore, #tpu.memory_space<semaphore_mem>>)
        %dma_start3A_235 = arith.constant 3 : i32
        %dma_start3A_236 = arith.constant 64 : i32
        %dma_start3A_237 = arith.constant 0 : i32
        %dma_start3A_238 = tpu.memref_slice %arg13[%dma_start3A_236, %dma_start3A_237] : memref<128x128xf32, #tpu.memory_space<vmem>> -> memref<64x128xf32, #tpu.memory_space<vmem>>
        %dma_start3A_239 = arith.constant 64 : i32
        %dma_start3A_240 = tpu.memref_slice %arg10[%dma_start3A_235, %dma_start3A_239] : memref<4x128xi32, #tpu.memory_space<vmem>> -> memref<1x64xi32, #tpu.memory_space<vmem>>
        %dma_start3A_241 = tpu.memref_squeeze %dma_start3A_240 : memref<1x64xi32, #tpu.memory_space<vmem>> -> memref<64xi32, #tpu.memory_space<vmem>>
        %dma_start3A_242 = arith.constant 0 : i32
        %dma_start3A_243 = arith.constant 0 : i32
        %dma_start3A_244 = tpu.memref_slice %arg2[%dma_start3A_242, %dma_start3A_243] : memref<10000x128xf32, #tpu.memory_space<hbm>> -> memref<10000x128xf32, #tpu.memory_space<hbm>>
        tpu.enqueue_indirect_dma source(%dma_start3A_244 : memref<10000x128xf32, #tpu.memory_space<hbm>>) target(%dma_start3A_238 : memref<64x128xf32, #tpu.memory_space<vmem>>) offsets(%dma_start3A_241 : memref<64xi32, #tpu.memory_space<vmem>>) semaphore(%arg18 : memref<!tpu.dma_semaphore, #tpu.memory_space<semaphore_mem>>)
        %dma_wait3A_245 = arith.constant 2 : i32
        %dma_wait3A_246 = arith.constant 0 : i32
        %dma_wait3A_247 = arith.constant 0 : i32
        %dma_wait3A_248 = tpu.memref_slice %arg12[%dma_wait3A_246, %dma_wait3A_247] : memref<128x128xf32, #tpu.memory_space<vmem>> -> memref<64x128xf32, #tpu.memory_space<vmem>>
        %dma_wait3A_249 = arith.constant 0 : i32
        %dma_wait3A_250 = tpu.memref_slice %arg10[%dma_wait3A_245, %dma_wait3A_249] : memref<4x128xi32, #tpu.memory_space<vmem>> -> memref<1x64xi32, #tpu.memory_space<vmem>>
        %dma_wait3A_251 = tpu.memref_squeeze %dma_wait3A_250 : memref<1x64xi32, #tpu.memory_space<vmem>> -> memref<64xi32, #tpu.memory_space<vmem>>
        %dma_wait3A_252 = arith.constant 0 : i32
        %dma_wait3A_253 = arith.constant 0 : i32
        %dma_wait3A_254 = tpu.memref_slice %arg2[%dma_wait3A_252, %dma_wait3A_253] : memref<10000x128xf32, #tpu.memory_space<hbm>> -> memref<10000x128xf32, #tpu.memory_space<hbm>>
        tpu.wait_indirect_dma semaphore(%arg15 : memref<!tpu.dma_semaphore, #tpu.memory_space<semaphore_mem>>) src(%dma_wait3A_254 : memref<10000x128xf32, #tpu.memory_space<hbm>>) dst(%dma_wait3A_248 : memref<64x128xf32, #tpu.memory_space<vmem>>)
        %dma_wait3A_255 = arith.constant 2 : i32
        %dma_wait3A_256 = arith.constant 64 : i32
        %dma_wait3A_257 = arith.constant 0 : i32
        %dma_wait3A_258 = tpu.memref_slice %arg12[%dma_wait3A_256, %dma_wait3A_257] : memref<128x128xf32, #tpu.memory_space<vmem>> -> memref<64x128xf32, #tpu.memory_space<vmem>>
        %dma_wait3A_259 = arith.constant 64 : i32
        %dma_wait3A_260 = tpu.memref_slice %arg10[%dma_wait3A_255, %dma_wait3A_259] : memref<4x128xi32, #tpu.memory_space<vmem>> -> memref<1x64xi32, #tpu.memory_space<vmem>>
        %dma_wait3A_261 = tpu.memref_squeeze %dma_wait3A_260 : memref<1x64xi32, #tpu.memory_space<vmem>> -> memref<64xi32, #tpu.memory_space<vmem>>
        %dma_wait3A_262 = arith.constant 0 : i32
        %dma_wait3A_263 = arith.constant 0 : i32
        %dma_wait3A_264 = tpu.memref_slice %arg2[%dma_wait3A_262, %dma_wait3A_263] : memref<10000x128xf32, #tpu.memory_space<hbm>> -> memref<10000x128xf32, #tpu.memory_space<hbm>>
        tpu.wait_indirect_dma semaphore(%arg16 : memref<!tpu.dma_semaphore, #tpu.memory_space<semaphore_mem>>) src(%dma_wait3A_264 : memref<10000x128xf32, #tpu.memory_space<hbm>>) dst(%dma_wait3A_258 : memref<64x128xf32, #tpu.memory_space<vmem>>)
        %dma_start3A_265 = arith.constant 2 : i32
        %dma_start3A_266 = arith.constant 0 : i32
        %dma_start3A_267 = tpu.memref_slice %arg11[%dma_start3A_265, %dma_start3A_266] : memref<4x128xi32, #tpu.memory_space<vmem>> -> memref<1x128xi32, #tpu.memory_space<vmem>>
        %dma_start3A_268 = tpu.memref_squeeze %dma_start3A_267 : memref<1x128xi32, #tpu.memory_space<vmem>> -> memref<128xi32, #tpu.memory_space<vmem>>
        %dma_start3A_269 = arith.constant 0 : i32
        %dma_start3A_270 = arith.constant 0 : i32
        %dma_start3A_271 = tpu.memref_slice %arg14[%dma_start3A_269, %dma_start3A_270] : memref<10240x128xf32, #tpu.memory_space<vmem_shared>> -> memref<10240x128xf32, #tpu.memory_space<vmem_shared>>
        tpu.enqueue_indirect_dma source(%arg12 : memref<128x128xf32, #tpu.memory_space<vmem>>) target(%dma_start3A_271 : memref<10240x128xf32, #tpu.memory_space<vmem_shared>>) offsets(%dma_start3A_268 : memref<128xi32, #tpu.memory_space<vmem>>) semaphore(%arg19 : memref<!tpu.dma_semaphore, #tpu.memory_space<semaphore_mem>>) {add = true}
        %get3A_272 = arith.constant 2 : i32
        %get3A_273 = arith.index_cast %get3A_272 : i32 to index
        %get3A_274 = arith.constant 0 : index
        %get3A_275 = tpu.vector_load %arg11[%get3A_273, %get3A_274] {strides = array<i32>} : memref<4x128xi32, #tpu.memory_space<vmem>>, vector<16xi32>,
        tpu.vector_store_idx %arg21[%get3A_275], %broadcast_in_dim3A_7 {add = true} : memref<10240xf32, #tpu.memory_space<vmem>>[vector<16xi32>], vector<16xf32>,
        %get3A_276 = arith.constant 2 : i32
        %get3A_277 = arith.index_cast %get3A_276 : i32 to index
        %get3A_278 = arith.constant 16 : index
        %get3A_279 = tpu.vector_load %arg11[%get3A_277, %get3A_278] {strides = array<i32>} : memref<4x128xi32, #tpu.memory_space<vmem>>, vector<16xi32>,
        tpu.vector_store_idx %arg21[%get3A_279], %broadcast_in_dim3A_7 {add = true} : memref<10240xf32, #tpu.memory_space<vmem>>[vector<16xi32>], vector<16xf32>,
        %get3A_280 = arith.constant 2 : i32
        %get3A_281 = arith.index_cast %get3A_280 : i32 to index
        %get3A_282 = arith.constant 32 : index
        %get3A_283 = tpu.vector_load %arg11[%get3A_281, %get3A_282] {strides = array<i32>} : memref<4x128xi32, #tpu.memory_space<vmem>>, vector<16xi32>,
        tpu.vector_store_idx %arg21[%get3A_283], %broadcast_in_dim3A_7 {add = true} : memref<10240xf32, #tpu.memory_space<vmem>>[vector<16xi32>], vector<16xf32>,
        %get3A_284 = arith.constant 2 : i32
        %get3A_285 = arith.index_cast %get3A_284 : i32 to index
        %get3A_286 = arith.constant 48 : index
        %get3A_287 = tpu.vector_load %arg11[%get3A_285, %get3A_286] {strides = array<i32>} : memref<4x128xi32, #tpu.memory_space<vmem>>, vector<16xi32>,
        tpu.vector_store_idx %arg21[%get3A_287], %broadcast_in_dim3A_7 {add = true} : memref<10240xf32, #tpu.memory_space<vmem>>[vector<16xi32>], vector<16xf32>,
        %get3A_288 = arith.constant 2 : i32
        %get3A_289 = arith.index_cast %get3A_288 : i32 to index
        %get3A_290 = arith.constant 64 : index
        %get3A_291 = tpu.vector_load %arg11[%get3A_289, %get3A_290] {strides = array<i32>} : memref<4x128xi32, #tpu.memory_space<vmem>>, vector<16xi32>,
        tpu.vector_store_idx %arg21[%get3A_291], %broadcast_in_dim3A_7 {add = true} : memref<10240xf32, #tpu.memory_space<vmem>>[vector<16xi32>], vector<16xf32>,
        %get3A_292 = arith.constant 2 : i32
        %get3A_293 = arith.index_cast %get3A_292 : i32 to index
        %get3A_294 = arith.constant 80 : index
        %get3A_295 = tpu.vector_load %arg11[%get3A_293, %get3A_294] {strides = array<i32>} : memref<4x128xi32, #tpu.memory_space<vmem>>, vector<16xi32>,
        tpu.vector_store_idx %arg21[%get3A_295], %broadcast_in_dim3A_7 {add = true} : memref<10240xf32, #tpu.memory_space<vmem>>[vector<16xi32>], vector<16xf32>,
        %get3A_296 = arith.constant 2 : i32
        %get3A_297 = arith.index_cast %get3A_296 : i32 to index
        %get3A_298 = arith.constant 96 : index
        %get3A_299 = tpu.vector_load %arg11[%get3A_297, %get3A_298] {strides = array<i32>} : memref<4x128xi32, #tpu.memory_space<vmem>>, vector<16xi32>,
        tpu.vector_store_idx %arg21[%get3A_299], %broadcast_in_dim3A_7 {add = true} : memref<10240xf32, #tpu.memory_space<vmem>>[vector<16xi32>], vector<16xf32>,
        %get3A_300 = arith.constant 2 : i32
        %get3A_301 = arith.index_cast %get3A_300 : i32 to index
        %get3A_302 = arith.constant 112 : index
        %get3A_303 = tpu.vector_load %arg11[%get3A_301, %get3A_302] {strides = array<i32>} : memref<4x128xi32, #tpu.memory_space<vmem>>, vector<16xi32>,
        tpu.vector_store_idx %arg21[%get3A_303], %broadcast_in_dim3A_7 {add = true} : memref<10240xf32, #tpu.memory_space<vmem>>[vector<16xi32>], vector<16xf32>,
        %dma_wait3A_304 = arith.constant 2 : i32
        %dma_wait3A_305 = arith.constant 0 : i32
        %dma_wait3A_306 = tpu.memref_slice %arg11[%dma_wait3A_304, %dma_wait3A_305] : memref<4x128xi32, #tpu.memory_space<vmem>> -> memref<1x128xi32, #tpu.memory_space<vmem>>
        %dma_wait3A_307 = tpu.memref_squeeze %dma_wait3A_306 : memref<1x128xi32, #tpu.memory_space<vmem>> -> memref<128xi32, #tpu.memory_space<vmem>>
        %dma_wait3A_308 = arith.constant 0 : i32
        %dma_wait3A_309 = arith.constant 0 : i32
        %dma_wait3A_310 = tpu.memref_slice %arg14[%dma_wait3A_308, %dma_wait3A_309] : memref<10240x128xf32, #tpu.memory_space<vmem_shared>> -> memref<10240x128xf32, #tpu.memory_space<vmem_shared>>
        tpu.wait_indirect_dma semaphore(%arg19 : memref<!tpu.dma_semaphore, #tpu.memory_space<semaphore_mem>>) src(%arg12 : memref<128x128xf32, #tpu.memory_space<vmem>>) dst(%dma_wait3A_310 : memref<10240x128xf32, #tpu.memory_space<vmem_shared>>)
        %dma_wait3A_311 = arith.constant 3 : i32
        %dma_wait3A_312 = arith.constant 0 : i32
        %dma_wait3A_313 = arith.constant 0 : i32
        %dma_wait3A_314 = tpu.memref_slice %arg13[%dma_wait3A_312, %dma_wait3A_313] : memref<128x128xf32, #tpu.memory_space<vmem>> -> memref<64x128xf32, #tpu.memory_space<vmem>>
        %dma_wait3A_315 = arith.constant 0 : i32
        %dma_wait3A_316 = tpu.memref_slice %arg10[%dma_wait3A_311, %dma_wait3A_315] : memref<4x128xi32, #tpu.memory_space<vmem>> -> memref<1x64xi32, #tpu.memory_space<vmem>>
        %dma_wait3A_317 = tpu.memref_squeeze %dma_wait3A_316 : memref<1x64xi32, #tpu.memory_space<vmem>> -> memref<64xi32, #tpu.memory_space<vmem>>
        %dma_wait3A_318 = arith.constant 0 : i32
        %dma_wait3A_319 = arith.constant 0 : i32
        %dma_wait3A_320 = tpu.memref_slice %arg2[%dma_wait3A_318, %dma_wait3A_319] : memref<10000x128xf32, #tpu.memory_space<hbm>> -> memref<10000x128xf32, #tpu.memory_space<hbm>>
        tpu.wait_indirect_dma semaphore(%arg17 : memref<!tpu.dma_semaphore, #tpu.memory_space<semaphore_mem>>) src(%dma_wait3A_320 : memref<10000x128xf32, #tpu.memory_space<hbm>>) dst(%dma_wait3A_314 : memref<64x128xf32, #tpu.memory_space<vmem>>)
        %dma_wait3A_321 = arith.constant 3 : i32
        %dma_wait3A_322 = arith.constant 64 : i32
        %dma_wait3A_323 = arith.constant 0 : i32
        %dma_wait3A_324 = tpu.memref_slice %arg13[%dma_wait3A_322, %dma_wait3A_323] : memref<128x128xf32, #tpu.memory_space<vmem>> -> memref<64x128xf32, #tpu.memory_space<vmem>>
        %dma_wait3A_325 = arith.constant 64 : i32
        %dma_wait3A_326 = tpu.memref_slice %arg10[%dma_wait3A_321, %dma_wait3A_325] : memref<4x128xi32, #tpu.memory_space<vmem>> -> memref<1x64xi32, #tpu.memory_space<vmem>>
        %dma_wait3A_327 = tpu.memref_squeeze %dma_wait3A_326 : memref<1x64xi32, #tpu.memory_space<vmem>> -> memref<64xi32, #tpu.memory_space<vmem>>
        %dma_wait3A_328 = arith.constant 0 : i32
        %dma_wait3A_329 = arith.constant 0 : i32
        %dma_wait3A_330 = tpu.memref_slice %arg2[%dma_wait3A_328, %dma_wait3A_329] : memref<10000x128xf32, #tpu.memory_space<hbm>> -> memref<10000x128xf32, #tpu.memory_space<hbm>>
        tpu.wait_indirect_dma semaphore(%arg18 : memref<!tpu.dma_semaphore, #tpu.memory_space<semaphore_mem>>) src(%dma_wait3A_330 : memref<10000x128xf32, #tpu.memory_space<hbm>>) dst(%dma_wait3A_324 : memref<64x128xf32, #tpu.memory_space<vmem>>)
        %dma_start3A_331 = arith.constant 3 : i32
        %dma_start3A_332 = arith.constant 0 : i32
        %dma_start3A_333 = tpu.memref_slice %arg11[%dma_start3A_331, %dma_start3A_332] : memref<4x128xi32, #tpu.memory_space<vmem>> -> memref<1x128xi32, #tpu.memory_space<vmem>>
        %dma_start3A_334 = tpu.memref_squeeze %dma_start3A_333 : memref<1x128xi32, #tpu.memory_space<vmem>> -> memref<128xi32, #tpu.memory_space<vmem>>
        %dma_start3A_335 = arith.constant 0 : i32
        %dma_start3A_336 = arith.constant 0 : i32
        %dma_start3A_337 = tpu.memref_slice %arg14[%dma_start3A_335, %dma_start3A_336] : memref<10240x128xf32, #tpu.memory_space<vmem_shared>> -> memref<10240x128xf32, #tpu.memory_space<vmem_shared>>
        tpu.enqueue_indirect_dma source(%arg13 : memref<128x128xf32, #tpu.memory_space<vmem>>) target(%dma_start3A_337 : memref<10240x128xf32, #tpu.memory_space<vmem_shared>>) offsets(%dma_start3A_334 : memref<128xi32, #tpu.memory_space<vmem>>) semaphore(%arg20 : memref<!tpu.dma_semaphore, #tpu.memory_space<semaphore_mem>>) {add = true}
        %get3A_338 = arith.constant 3 : i32
        %get3A_339 = arith.index_cast %get3A_338 : i32 to index
        %get3A_340 = arith.constant 0 : index
        %get3A_341 = tpu.vector_load %arg11[%get3A_339, %get3A_340] {strides = array<i32>} : memref<4x128xi32, #tpu.memory_space<vmem>>, vector<16xi32>,
        tpu.vector_store_idx %arg21[%get3A_341], %broadcast_in_dim3A_7 {add = true} : memref<10240xf32, #tpu.memory_space<vmem>>[vector<16xi32>], vector<16xf32>,
        %get3A_342 = arith.constant 3 : i32
        %get3A_343 = arith.index_cast %get3A_342 : i32 to index
        %get3A_344 = arith.constant 16 : index
        %get3A_345 = tpu.vector_load %arg11[%get3A_343, %get3A_344] {strides = array<i32>} : memref<4x128xi32, #tpu.memory_space<vmem>>, vector<16xi32>,
        tpu.vector_store_idx %arg21[%get3A_345], %broadcast_in_dim3A_7 {add = true} : memref<10240xf32, #tpu.memory_space<vmem>>[vector<16xi32>], vector<16xf32>,
        %get3A_346 = arith.constant 3 : i32
        %get3A_347 = arith.index_cast %get3A_346 : i32 to index
        %get3A_348 = arith.constant 32 : index
        %get3A_349 = tpu.vector_load %arg11[%get3A_347, %get3A_348] {strides = array<i32>} : memref<4x128xi32, #tpu.memory_space<vmem>>, vector<16xi32>,
        tpu.vector_store_idx %arg21[%get3A_349], %broadcast_in_dim3A_7 {add = true} : memref<10240xf32, #tpu.memory_space<vmem>>[vector<16xi32>], vector<16xf32>,
        %get3A_350 = arith.constant 3 : i32
        %get3A_351 = arith.index_cast %get3A_350 : i32 to index
        %get3A_352 = arith.constant 48 : index
        %get3A_353 = tpu.vector_load %arg11[%get3A_351, %get3A_352] {strides = array<i32>} : memref<4x128xi32, #tpu.memory_space<vmem>>, vector<16xi32>,
        tpu.vector_store_idx %arg21[%get3A_353], %broadcast_in_dim3A_7 {add = true} : memref<10240xf32, #tpu.memory_space<vmem>>[vector<16xi32>], vector<16xf32>,
        %get3A_354 = arith.constant 3 : i32
        %get3A_355 = arith.index_cast %get3A_354 : i32 to index
        %get3A_356 = arith.constant 64 : index
        %get3A_357 = tpu.vector_load %arg11[%get3A_355, %get3A_356] {strides = array<i32>} : memref<4x128xi32, #tpu.memory_space<vmem>>, vector<16xi32>,
        tpu.vector_store_idx %arg21[%get3A_357], %broadcast_in_dim3A_7 {add = true} : memref<10240xf32, #tpu.memory_space<vmem>>[vector<16xi32>], vector<16xf32>,
        %get3A_358 = arith.constant 3 : i32
        %get3A_359 = arith.index_cast %get3A_358 : i32 to index
        %get3A_360 = arith.constant 80 : index
        %get3A_361 = tpu.vector_load %arg11[%get3A_359, %get3A_360] {strides = array<i32>} : memref<4x128xi32, #tpu.memory_space<vmem>>, vector<16xi32>,
        tpu.vector_store_idx %arg21[%get3A_361], %broadcast_in_dim3A_7 {add = true} : memref<10240xf32, #tpu.memory_space<vmem>>[vector<16xi32>], vector<16xf32>,
        %get3A_362 = arith.constant 3 : i32
        %get3A_363 = arith.index_cast %get3A_362 : i32 to index
        %get3A_364 = arith.constant 96 : index
        %get3A_365 = tpu.vector_load %arg11[%get3A_363, %get3A_364] {strides = array<i32>} : memref<4x128xi32, #tpu.memory_space<vmem>>, vector<16xi32>,
        tpu.vector_store_idx %arg21[%get3A_365], %broadcast_in_dim3A_7 {add = true} : memref<10240xf32, #tpu.memory_space<vmem>>[vector<16xi32>], vector<16xf32>,
        %get3A_366 = arith.constant 3 : i32
        %get3A_367 = arith.index_cast %get3A_366 : i32 to index
        %get3A_368 = arith.constant 112 : index
        %get3A_369 = tpu.vector_load %arg11[%get3A_367, %get3A_368] {strides = array<i32>} : memref<4x128xi32, #tpu.memory_space<vmem>>, vector<16xi32>,
        tpu.vector_store_idx %arg21[%get3A_369], %broadcast_in_dim3A_7 {add = true} : memref<10240xf32, #tpu.memory_space<vmem>>[vector<16xi32>], vector<16xf32>,
        %dma_wait3A_370 = arith.constant 3 : i32
        %dma_wait3A_371 = arith.constant 0 : i32
        %dma_wait3A_372 = tpu.memref_slice %arg11[%dma_wait3A_370, %dma_wait3A_371] : memref<4x128xi32, #tpu.memory_space<vmem>> -> memref<1x128xi32, #tpu.memory_space<vmem>>
        %dma_wait3A_373 = tpu.memref_squeeze %dma_wait3A_372 : memref<1x128xi32, #tpu.memory_space<vmem>> -> memref<128xi32, #tpu.memory_space<vmem>>
        %dma_wait3A_374 = arith.constant 0 : i32
        %dma_wait3A_375 = arith.constant 0 : i32
        %dma_wait3A_376 = tpu.memref_slice %arg14[%dma_wait3A_374, %dma_wait3A_375] : memref<10240x128xf32, #tpu.memory_space<vmem_shared>> -> memref<10240x128xf32, #tpu.memory_space<vmem_shared>>
        tpu.wait_indirect_dma semaphore(%arg20 : memref<!tpu.dma_semaphore, #tpu.memory_space<semaphore_mem>>) src(%arg13 : memref<128x128xf32, #tpu.memory_space<vmem>>) dst(%dma_wait3A_376 : memref<10240x128xf32, #tpu.memory_space<vmem_shared>>)
      }
      %scan3A_26 = arith.constant 4 : i32
    } else {
    }
    %barrier3A_14 = arith.constant 0 : index
    tpu.barrier barrier_id(%barrier3A_14)
    %mul3A_15 = arith.constant 10240 : i32
    %mul3A_16 = arith.muli %arg0, %mul3A_15 : i32
    %mul3A_17 = arith.constant 640 : i32
    %mul3A_18 = arith.muli %arg1, %mul3A_17 : i32
    %add3A_19 = arith.addi %mul3A_16, %mul3A_18 : i32
    %mul3A_20 = arith.constant 640 : i32
    %mul3A_21 = arith.muli %arg1, %mul3A_20 : i32
    "tpu.region"() ({
      %run_scoped3A = tpu.sem_alloc : memref<!tpu.dma_semaphore, #tpu.memory_space<semaphore_mem>>
      %dma_start3A = arith.constant 0 : i32
      %dma_start3A_22 = tpu.memref_slice %arg8[%add3A_19, %dma_start3A] : memref<20480x128xf32, #tpu.memory_space<hbm>> -> memref<640x128xf32, #tpu.memory_space<hbm>>
      %dma_start3A_23 = arith.constant 0 : i32
      %dma_start3A_24 = tpu.memref_slice %arg14[%mul3A_21, %dma_start3A_23] : memref<10240x128xf32, #tpu.memory_space<vmem_shared>> -> memref<640x128xf32, #tpu.memory_space<vmem_shared>>
      tpu.enqueue_dma source(%dma_start3A_24 : memref<640x128xf32, #tpu.memory_space<vmem_shared>>) target(%dma_start3A_22 : memref<640x128xf32, #tpu.memory_space<hbm>>) target_semaphore(%run_scoped3A : memref<!tpu.dma_semaphore, #tpu.memory_space<semaphore_mem>>)
      %dma_wait3A = arith.constant 0 : i32
      %dma_wait3A_25 = tpu.memref_slice %arg8[%add3A_19, %dma_wait3A] : memref<20480x128xf32, #tpu.memory_space<hbm>> -> memref<640x128xf32, #tpu.memory_space<hbm>>
      %dma_wait3A_26 = arith.constant 0 : i32
      %dma_wait3A_27 = tpu.memref_slice %arg14[%mul3A_21, %dma_wait3A_26] : memref<10240x128xf32, #tpu.memory_space<vmem_shared>> -> memref<640x128xf32, #tpu.memory_space<vmem_shared>>
      tpu.wait_dma2 semaphore(%run_scoped3A : memref<!tpu.dma_semaphore, #tpu.memory_space<semaphore_mem>>) src(%dma_wait3A_27 : memref<640x128xf32, #tpu.memory_space<vmem_shared>>) dst(%dma_wait3A_25 : memref<640x128xf32, #tpu.memory_space<hbm>>)
      tpu.yield
    }) : () -> ()
    "tpu.region"() ({
      %run_scoped3A = tpu.sem_alloc : memref<!tpu.dma_semaphore, #tpu.memory_space<semaphore_mem>>
      %dma_start3A = arith.constant 0 : i32
      %dma_start3A_22 = tpu.memref_slice %arg9[%add3A, %dma_start3A] : memref<32x10240xf32, #tpu.memory_space<hbm>> -> memref<1x10240xf32, #tpu.memory_space<hbm>>
      %dma_start3A_23 = tpu.memref_squeeze %dma_start3A_22 : memref<1x10240xf32, #tpu.memory_space<hbm>> -> memref<10240xf32, #tpu.memory_space<hbm>>
      %dma_start3A_24 = arith.constant 0 : i32
      %dma_start3A_25 = tpu.memref_slice %arg9[%add3A, %dma_start3A_24] : memref<32x10240xf32, #tpu.memory_space<hbm>> -> memref<1x10240xf32, #tpu.memory_space<hbm>>
      %dma_start3A_26 = tpu.memref_squeeze %dma_start3A_25 : memref<1x10240xf32, #tpu.memory_space<hbm>> -> memref<10240xf32, #tpu.memory_space<hbm>>
      tpu.enqueue_dma source(%arg21 : memref<10240xf32, #tpu.memory_space<vmem>>) target(%dma_start3A_26 : memref<10240xf32, #tpu.memory_space<hbm>>) target_semaphore(%run_scoped3A : memref<!tpu.dma_semaphore, #tpu.memory_space<semaphore_mem>>)
      %dma_wait3A = arith.constant 0 : i32
      %dma_wait3A_27 = tpu.memref_slice %arg9[%add3A, %dma_wait3A] : memref<32x10240xf32, #tpu.memory_space<hbm>> -> memref<1x10240xf32, #tpu.memory_space<hbm>>
      %dma_wait3A_28 = tpu.memref_squeeze %dma_wait3A_27 : memref<1x10240xf32, #tpu.memory_space<hbm>> -> memref<10240xf32, #tpu.memory_space<hbm>>
      %dma_wait3A_29 = arith.constant 0 : i32
      %dma_wait3A_30 = tpu.memref_slice %arg9[%add3A, %dma_wait3A_29] : memref<32x10240xf32, #tpu.memory_space<hbm>> -> memref<1x10240xf32, #tpu.memory_space<hbm>>
      %dma_wait3A_31 = tpu.memref_squeeze %dma_wait3A_30 : memref<1x10240xf32, #tpu.memory_space<hbm>> -> memref<10240xf32, #tpu.memory_space<hbm>>
      tpu.wait_dma2 semaphore(%run_scoped3A : memref<!tpu.dma_semaphore, #tpu.memory_space<semaphore_mem>>) src(%arg21 : memref<10240xf32, #tpu.memory_space<vmem>>) dst(%dma_wait3A_31 : memref<10240xf32, #tpu.memory_space<hbm>>)
      tpu.yield
    }) : () -> ()
    return
  }
}

#map = affine_map<(d0, d1) -> (0, 0)>
#map1 = affine_map<(d0, d1) -> (0, 0, 0)>
module attributes {stable_mosaic.version = 14 : i64} {
  func.func @body(%arg0: i32, %arg1: i32, %arg2: memref<10000x128xf32, #tpu.memory_space<hbm>>, %arg3: memref<16x144x128xi32, #tpu.memory_space<hbm>>, %arg4: memref<16x144x128xi32, #tpu.memory_space<hbm>>, %arg5: memref<16x16x128xi32, #tpu.memory_space<hbm>>, %arg6: memref<16x16x128xi32, #tpu.memory_space<hbm>>, %arg7: memref<640x128xf32, #tpu.memory_space<hbm>>, %arg8: memref<20480x128xf32, #tpu.memory_space<hbm>>, %arg9: memref<4x128xi32, #tpu.memory_space<vmem>>, %arg10: memref<4x128xi32, #tpu.memory_space<vmem>>, %arg11: memref<128x128xf32, #tpu.memory_space<vmem>>, %arg12: memref<128x128xf32, #tpu.memory_space<vmem>>, %arg13: memref<10240x128xf32, #tpu.memory_space<vmem_shared>>, %arg14: memref<!tpu.dma_semaphore, #tpu.memory_space<semaphore_mem>>, %arg15: memref<!tpu.dma_semaphore, #tpu.memory_space<semaphore_mem>>, %arg16: memref<!tpu.dma_semaphore, #tpu.memory_space<semaphore_mem>>, %arg17: memref<!tpu.dma_semaphore, #tpu.memory_space<semaphore_mem>>, %arg18: memref<!tpu.dma_semaphore, #tpu.memory_space<semaphore_mem>>, %arg19: memref<!tpu.dma_semaphore, #tpu.memory_space<semaphore_mem>>) attributes {dimension_semantics = [#tpu.dimension_semantics<core_parallel>, #tpu.dimension_semantics<subcore_parallel>], iteration_bounds = array<i64: 2, 16>, scalar_prefetch = 0 : i64, scratch_operands = 11 : i64, tpu.core_type = #tpu.core_type<sc_vector_subcore>, window_params = [{transform_indices = #map}, {transform_indices = #map1}, {transform_indices = #map1}, {transform_indices = #map1}, {transform_indices = #map1}, {transform_indices = #map}, {transform_indices = #map}]} {
    %mul3A = arith.constant 16 : i32
    %mul3A_0 = arith.muli %arg0, %mul3A : i32
    %add3A = arith.addi %mul3A_0, %arg1 : i32
    %mul3A_1 = arith.constant 640 : i32
    %mul3A_2 = arith.muli %arg1, %mul3A_1 : i32
    "tpu.region"() ({
      %run_scoped3A = tpu.sem_alloc : memref<!tpu.dma_semaphore, #tpu.memory_space<semaphore_mem>>
      %dma_start3A = arith.constant 0 : i32
      %dma_start3A_18 = tpu.memref_slice %arg13[%mul3A_2, %dma_start3A] : memref<10240x128xf32, #tpu.memory_space<vmem_shared>> -> memref<640x128xf32, #tpu.memory_space<vmem_shared>>
      tpu.enqueue_dma source(%arg7 : memref<640x128xf32, #tpu.memory_space<hbm>>) target(%dma_start3A_18 : memref<640x128xf32, #tpu.memory_space<vmem_shared>>) target_semaphore(%run_scoped3A : memref<!tpu.dma_semaphore, #tpu.memory_space<semaphore_mem>>)
      %dma_wait3A = arith.constant 0 : i32
      %dma_wait3A_19 = tpu.memref_slice %arg13[%mul3A_2, %dma_wait3A] : memref<10240x128xf32, #tpu.memory_space<vmem_shared>> -> memref<640x128xf32, #tpu.memory_space<vmem_shared>>
      tpu.wait_dma2 semaphore(%run_scoped3A : memref<!tpu.dma_semaphore, #tpu.memory_space<semaphore_mem>>) src(%arg7 : memref<640x128xf32, #tpu.memory_space<hbm>>) dst(%dma_wait3A_19 : memref<640x128xf32, #tpu.memory_space<vmem_shared>>)
      tpu.yield
    }) : () -> ()
    %barrier3A = arith.constant 0 : index
    tpu.barrier barrier_id(%barrier3A)
    %broadcast_in_dim3A = arith.constant 1.000000e+00 : f32
    %broadcast_in_dim3A_3 = vector.broadcast %broadcast_in_dim3A : f32 to vector<16xf32>
    %eq3A = arith.constant 0 : i32
    %eq3A_4 = arith.cmpi eq, %arg0, %eq3A : i32
    %convert_element_type3A = arith.extui %eq3A_4 : i1 to i32
    %cond3A = arith.constant 0 : i32
    %cond3A_5 = arith.cmpi ne, %convert_element_type3A, %cond3A : i32
    scf.if %cond3A_5 {
      %scan3A = arith.constant 0 : i32
      %scan3A_18 = arith.constant 36 : i32
      %scan3A_19 = arith.addi %scan3A, %scan3A_18 : i32
      %scan3A_20 = arith.constant 1 : i32
      scf.for %scan3A_22 = %scan3A to %scan3A_19 step %scan3A_20  : i32 {
        %mul3A_23 = arith.constant 1 : i32
        %mul3A_24 = arith.muli %scan3A_22, %mul3A_23 : i32
        %add3A_25 = arith.constant 0 : i32
        %add3A_26 = arith.addi %add3A_25, %mul3A_24 : i32
        %mul3A_27 = arith.constant 4 : i32
        %mul3A_28 = arith.muli %add3A_26, %mul3A_27 : i32
        "tpu.region"() ({
          %run_scoped3A = tpu.sem_alloc : memref<!tpu.dma_semaphore, #tpu.memory_space<semaphore_mem>>
          %dma_start3A_245 = arith.constant 0 : i32
          %dma_start3A_246 = tpu.memref_slice %arg3[%arg1, %mul3A_28, %dma_start3A_245] : memref<16x144x128xi32, #tpu.memory_space<hbm>> -> memref<1x4x128xi32, #tpu.memory_space<hbm>>
          %dma_start3A_247 = tpu.memref_squeeze %dma_start3A_246 : memref<1x4x128xi32, #tpu.memory_space<hbm>> -> memref<4x128xi32, #tpu.memory_space<hbm>>
          %dma_start3A_248 = arith.constant 0 : i32
          %dma_start3A_249 = tpu.memref_slice %arg3[%arg1, %mul3A_28, %dma_start3A_248] : memref<16x144x128xi32, #tpu.memory_space<hbm>> -> memref<1x4x128xi32, #tpu.memory_space<hbm>>
          %dma_start3A_250 = tpu.memref_squeeze %dma_start3A_249 : memref<1x4x128xi32, #tpu.memory_space<hbm>> -> memref<4x128xi32, #tpu.memory_space<hbm>>
          tpu.enqueue_dma source(%dma_start3A_250 : memref<4x128xi32, #tpu.memory_space<hbm>>) target(%arg9 : memref<4x128xi32, #tpu.memory_space<vmem>>) target_semaphore(%run_scoped3A : memref<!tpu.dma_semaphore, #tpu.memory_space<semaphore_mem>>)
          %dma_wait3A_251 = arith.constant 0 : i32
          %dma_wait3A_252 = tpu.memref_slice %arg3[%arg1, %mul3A_28, %dma_wait3A_251] : memref<16x144x128xi32, #tpu.memory_space<hbm>> -> memref<1x4x128xi32, #tpu.memory_space<hbm>>
          %dma_wait3A_253 = tpu.memref_squeeze %dma_wait3A_252 : memref<1x4x128xi32, #tpu.memory_space<hbm>> -> memref<4x128xi32, #tpu.memory_space<hbm>>
          %dma_wait3A_254 = arith.constant 0 : i32
          %dma_wait3A_255 = tpu.memref_slice %arg3[%arg1, %mul3A_28, %dma_wait3A_254] : memref<16x144x128xi32, #tpu.memory_space<hbm>> -> memref<1x4x128xi32, #tpu.memory_space<hbm>>
          %dma_wait3A_256 = tpu.memref_squeeze %dma_wait3A_255 : memref<1x4x128xi32, #tpu.memory_space<hbm>> -> memref<4x128xi32, #tpu.memory_space<hbm>>
          tpu.wait_dma2 semaphore(%run_scoped3A : memref<!tpu.dma_semaphore, #tpu.memory_space<semaphore_mem>>) src(%dma_wait3A_256 : memref<4x128xi32, #tpu.memory_space<hbm>>) dst(%arg9 : memref<4x128xi32, #tpu.memory_space<vmem>>)
          tpu.yield
        }) : () -> ()
        %mul3A_29 = arith.constant 4 : i32
        %mul3A_30 = arith.muli %add3A_26, %mul3A_29 : i32
        "tpu.region"() ({
          %run_scoped3A = tpu.sem_alloc : memref<!tpu.dma_semaphore, #tpu.memory_space<semaphore_mem>>
          %dma_start3A_245 = arith.constant 0 : i32
          %dma_start3A_246 = tpu.memref_slice %arg4[%arg1, %mul3A_30, %dma_start3A_245] : memref<16x144x128xi32, #tpu.memory_space<hbm>> -> memref<1x4x128xi32, #tpu.memory_space<hbm>>
          %dma_start3A_247 = tpu.memref_squeeze %dma_start3A_246 : memref<1x4x128xi32, #tpu.memory_space<hbm>> -> memref<4x128xi32, #tpu.memory_space<hbm>>
          %dma_start3A_248 = arith.constant 0 : i32
          %dma_start3A_249 = tpu.memref_slice %arg4[%arg1, %mul3A_30, %dma_start3A_248] : memref<16x144x128xi32, #tpu.memory_space<hbm>> -> memref<1x4x128xi32, #tpu.memory_space<hbm>>
          %dma_start3A_250 = tpu.memref_squeeze %dma_start3A_249 : memref<1x4x128xi32, #tpu.memory_space<hbm>> -> memref<4x128xi32, #tpu.memory_space<hbm>>
          tpu.enqueue_dma source(%dma_start3A_250 : memref<4x128xi32, #tpu.memory_space<hbm>>) target(%arg10 : memref<4x128xi32, #tpu.memory_space<vmem>>) target_semaphore(%run_scoped3A : memref<!tpu.dma_semaphore, #tpu.memory_space<semaphore_mem>>)
          %dma_wait3A_251 = arith.constant 0 : i32
          %dma_wait3A_252 = tpu.memref_slice %arg4[%arg1, %mul3A_30, %dma_wait3A_251] : memref<16x144x128xi32, #tpu.memory_space<hbm>> -> memref<1x4x128xi32, #tpu.memory_space<hbm>>
          %dma_wait3A_253 = tpu.memref_squeeze %dma_wait3A_252 : memref<1x4x128xi32, #tpu.memory_space<hbm>> -> memref<4x128xi32, #tpu.memory_space<hbm>>
          %dma_wait3A_254 = arith.constant 0 : i32
          %dma_wait3A_255 = tpu.memref_slice %arg4[%arg1, %mul3A_30, %dma_wait3A_254] : memref<16x144x128xi32, #tpu.memory_space<hbm>> -> memref<1x4x128xi32, #tpu.memory_space<hbm>>
          %dma_wait3A_256 = tpu.memref_squeeze %dma_wait3A_255 : memref<1x4x128xi32, #tpu.memory_space<hbm>> -> memref<4x128xi32, #tpu.memory_space<hbm>>
          tpu.wait_dma2 semaphore(%run_scoped3A : memref<!tpu.dma_semaphore, #tpu.memory_space<semaphore_mem>>) src(%dma_wait3A_256 : memref<4x128xi32, #tpu.memory_space<hbm>>) dst(%arg10 : memref<4x128xi32, #tpu.memory_space<vmem>>)
          tpu.yield
        }) : () -> ()
        %dma_start3A = arith.constant 0 : i32
        %dma_start3A_31 = arith.constant 0 : i32
        %dma_start3A_32 = arith.constant 0 : i32
        %dma_start3A_33 = tpu.memref_slice %arg11[%dma_start3A_31, %dma_start3A_32] : memref<128x128xf32, #tpu.memory_space<vmem>> -> memref<64x128xf32, #tpu.memory_space<vmem>>
        %dma_start3A_34 = arith.constant 0 : i32
        %dma_start3A_35 = tpu.memref_slice %arg9[%dma_start3A, %dma_start3A_34] : memref<4x128xi32, #tpu.memory_space<vmem>> -> memref<1x64xi32, #tpu.memory_space<vmem>>
        %dma_start3A_36 = tpu.memref_squeeze %dma_start3A_35 : memref<1x64xi32, #tpu.memory_space<vmem>> -> memref<64xi32, #tpu.memory_space<vmem>>
        %dma_start3A_37 = arith.constant 0 : i32
        %dma_start3A_38 = arith.constant 0 : i32
        %dma_start3A_39 = tpu.memref_slice %arg2[%dma_start3A_37, %dma_start3A_38] : memref<10000x128xf32, #tpu.memory_space<hbm>> -> memref<10000x128xf32, #tpu.memory_space<hbm>>
        tpu.enqueue_indirect_dma source(%dma_start3A_39 : memref<10000x128xf32, #tpu.memory_space<hbm>>) target(%dma_start3A_33 : memref<64x128xf32, #tpu.memory_space<vmem>>) offsets(%dma_start3A_36 : memref<64xi32, #tpu.memory_space<vmem>>) semaphore(%arg14 : memref<!tpu.dma_semaphore, #tpu.memory_space<semaphore_mem>>)
        %dma_start3A_40 = arith.constant 0 : i32
        %dma_start3A_41 = arith.constant 64 : i32
        %dma_start3A_42 = arith.constant 0 : i32
        %dma_start3A_43 = tpu.memref_slice %arg11[%dma_start3A_41, %dma_start3A_42] : memref<128x128xf32, #tpu.memory_space<vmem>> -> memref<64x128xf32, #tpu.memory_space<vmem>>
        %dma_start3A_44 = arith.constant 64 : i32
        %dma_start3A_45 = tpu.memref_slice %arg9[%dma_start3A_40, %dma_start3A_44] : memref<4x128xi32, #tpu.memory_space<vmem>> -> memref<1x64xi32, #tpu.memory_space<vmem>>
        %dma_start3A_46 = tpu.memref_squeeze %dma_start3A_45 : memref<1x64xi32, #tpu.memory_space<vmem>> -> memref<64xi32, #tpu.memory_space<vmem>>
        %dma_start3A_47 = arith.constant 0 : i32
        %dma_start3A_48 = arith.constant 0 : i32
        %dma_start3A_49 = tpu.memref_slice %arg2[%dma_start3A_47, %dma_start3A_48] : memref<10000x128xf32, #tpu.memory_space<hbm>> -> memref<10000x128xf32, #tpu.memory_space<hbm>>
        tpu.enqueue_indirect_dma source(%dma_start3A_49 : memref<10000x128xf32, #tpu.memory_space<hbm>>) target(%dma_start3A_43 : memref<64x128xf32, #tpu.memory_space<vmem>>) offsets(%dma_start3A_46 : memref<64xi32, #tpu.memory_space<vmem>>) semaphore(%arg15 : memref<!tpu.dma_semaphore, #tpu.memory_space<semaphore_mem>>)
        %dma_start3A_50 = arith.constant 1 : i32
        %dma_start3A_51 = arith.constant 0 : i32
        %dma_start3A_52 = arith.constant 0 : i32
        %dma_start3A_53 = tpu.memref_slice %arg12[%dma_start3A_51, %dma_start3A_52] : memref<128x128xf32, #tpu.memory_space<vmem>> -> memref<64x128xf32, #tpu.memory_space<vmem>>
        %dma_start3A_54 = arith.constant 0 : i32
        %dma_start3A_55 = tpu.memref_slice %arg9[%dma_start3A_50, %dma_start3A_54] : memref<4x128xi32, #tpu.memory_space<vmem>> -> memref<1x64xi32, #tpu.memory_space<vmem>>
        %dma_start3A_56 = tpu.memref_squeeze %dma_start3A_55 : memref<1x64xi32, #tpu.memory_space<vmem>> -> memref<64xi32, #tpu.memory_space<vmem>>
        %dma_start3A_57 = arith.constant 0 : i32
        %dma_start3A_58 = arith.constant 0 : i32
        %dma_start3A_59 = tpu.memref_slice %arg2[%dma_start3A_57, %dma_start3A_58] : memref<10000x128xf32, #tpu.memory_space<hbm>> -> memref<10000x128xf32, #tpu.memory_space<hbm>>
        tpu.enqueue_indirect_dma source(%dma_start3A_59 : memref<10000x128xf32, #tpu.memory_space<hbm>>) target(%dma_start3A_53 : memref<64x128xf32, #tpu.memory_space<vmem>>) offsets(%dma_start3A_56 : memref<64xi32, #tpu.memory_space<vmem>>) semaphore(%arg16 : memref<!tpu.dma_semaphore, #tpu.memory_space<semaphore_mem>>)
        %dma_start3A_60 = arith.constant 1 : i32
        %dma_start3A_61 = arith.constant 64 : i32
        %dma_start3A_62 = arith.constant 0 : i32
        %dma_start3A_63 = tpu.memref_slice %arg12[%dma_start3A_61, %dma_start3A_62] : memref<128x128xf32, #tpu.memory_space<vmem>> -> memref<64x128xf32, #tpu.memory_space<vmem>>
        %dma_start3A_64 = arith.constant 64 : i32
        %dma_start3A_65 = tpu.memref_slice %arg9[%dma_start3A_60, %dma_start3A_64] : memref<4x128xi32, #tpu.memory_space<vmem>> -> memref<1x64xi32, #tpu.memory_space<vmem>>
        %dma_start3A_66 = tpu.memref_squeeze %dma_start3A_65 : memref<1x64xi32, #tpu.memory_space<vmem>> -> memref<64xi32, #tpu.memory_space<vmem>>
        %dma_start3A_67 = arith.constant 0 : i32
        %dma_start3A_68 = arith.constant 0 : i32
        %dma_start3A_69 = tpu.memref_slice %arg2[%dma_start3A_67, %dma_start3A_68] : memref<10000x128xf32, #tpu.memory_space<hbm>> -> memref<10000x128xf32, #tpu.memory_space<hbm>>
        tpu.enqueue_indirect_dma source(%dma_start3A_69 : memref<10000x128xf32, #tpu.memory_space<hbm>>) target(%dma_start3A_63 : memref<64x128xf32, #tpu.memory_space<vmem>>) offsets(%dma_start3A_66 : memref<64xi32, #tpu.memory_space<vmem>>) semaphore(%arg17 : memref<!tpu.dma_semaphore, #tpu.memory_space<semaphore_mem>>)
        %dma_wait3A = arith.constant 0 : i32
        %dma_wait3A_70 = arith.constant 0 : i32
        %dma_wait3A_71 = arith.constant 0 : i32
        %dma_wait3A_72 = tpu.memref_slice %arg11[%dma_wait3A_70, %dma_wait3A_71] : memref<128x128xf32, #tpu.memory_space<vmem>> -> memref<64x128xf32, #tpu.memory_space<vmem>>
        %dma_wait3A_73 = arith.constant 0 : i32
        %dma_wait3A_74 = tpu.memref_slice %arg9[%dma_wait3A, %dma_wait3A_73] : memref<4x128xi32, #tpu.memory_space<vmem>> -> memref<1x64xi32, #tpu.memory_space<vmem>>
        %dma_wait3A_75 = tpu.memref_squeeze %dma_wait3A_74 : memref<1x64xi32, #tpu.memory_space<vmem>> -> memref<64xi32, #tpu.memory_space<vmem>>
        %dma_wait3A_76 = arith.constant 0 : i32
        %dma_wait3A_77 = arith.constant 0 : i32
        %dma_wait3A_78 = tpu.memref_slice %arg2[%dma_wait3A_76, %dma_wait3A_77] : memref<10000x128xf32, #tpu.memory_space<hbm>> -> memref<10000x128xf32, #tpu.memory_space<hbm>>
        tpu.wait_indirect_dma semaphore(%arg14 : memref<!tpu.dma_semaphore, #tpu.memory_space<semaphore_mem>>) src(%dma_wait3A_78 : memref<10000x128xf32, #tpu.memory_space<hbm>>) dst(%dma_wait3A_72 : memref<64x128xf32, #tpu.memory_space<vmem>>)
        %dma_wait3A_79 = arith.constant 0 : i32
        %dma_wait3A_80 = arith.constant 64 : i32
        %dma_wait3A_81 = arith.constant 0 : i32
        %dma_wait3A_82 = tpu.memref_slice %arg11[%dma_wait3A_80, %dma_wait3A_81] : memref<128x128xf32, #tpu.memory_space<vmem>> -> memref<64x128xf32, #tpu.memory_space<vmem>>
        %dma_wait3A_83 = arith.constant 64 : i32
        %dma_wait3A_84 = tpu.memref_slice %arg9[%dma_wait3A_79, %dma_wait3A_83] : memref<4x128xi32, #tpu.memory_space<vmem>> -> memref<1x64xi32, #tpu.memory_space<vmem>>
        %dma_wait3A_85 = tpu.memref_squeeze %dma_wait3A_84 : memref<1x64xi32, #tpu.memory_space<vmem>> -> memref<64xi32, #tpu.memory_space<vmem>>
        %dma_wait3A_86 = arith.constant 0 : i32
        %dma_wait3A_87 = arith.constant 0 : i32
        %dma_wait3A_88 = tpu.memref_slice %arg2[%dma_wait3A_86, %dma_wait3A_87] : memref<10000x128xf32, #tpu.memory_space<hbm>> -> memref<10000x128xf32, #tpu.memory_space<hbm>>
        tpu.wait_indirect_dma semaphore(%arg15 : memref<!tpu.dma_semaphore, #tpu.memory_space<semaphore_mem>>) src(%dma_wait3A_88 : memref<10000x128xf32, #tpu.memory_space<hbm>>) dst(%dma_wait3A_82 : memref<64x128xf32, #tpu.memory_space<vmem>>)
        %dma_start3A_89 = arith.constant 0 : i32
        %dma_start3A_90 = arith.constant 0 : i32
        %dma_start3A_91 = tpu.memref_slice %arg10[%dma_start3A_89, %dma_start3A_90] : memref<4x128xi32, #tpu.memory_space<vmem>> -> memref<1x128xi32, #tpu.memory_space<vmem>>
        %dma_start3A_92 = tpu.memref_squeeze %dma_start3A_91 : memref<1x128xi32, #tpu.memory_space<vmem>> -> memref<128xi32, #tpu.memory_space<vmem>>
        %dma_start3A_93 = arith.constant 0 : i32
        %dma_start3A_94 = arith.constant 0 : i32
        %dma_start3A_95 = tpu.memref_slice %arg13[%dma_start3A_93, %dma_start3A_94] : memref<10240x128xf32, #tpu.memory_space<vmem_shared>> -> memref<10240x128xf32, #tpu.memory_space<vmem_shared>>
        tpu.enqueue_indirect_dma source(%arg11 : memref<128x128xf32, #tpu.memory_space<vmem>>) target(%dma_start3A_95 : memref<10240x128xf32, #tpu.memory_space<vmem_shared>>) offsets(%dma_start3A_92 : memref<128xi32, #tpu.memory_space<vmem>>) semaphore(%arg18 : memref<!tpu.dma_semaphore, #tpu.memory_space<semaphore_mem>>) {add = true}
        %dma_wait3A_96 = arith.constant 0 : i32
        %dma_wait3A_97 = arith.constant 0 : i32
        %dma_wait3A_98 = tpu.memref_slice %arg10[%dma_wait3A_96, %dma_wait3A_97] : memref<4x128xi32, #tpu.memory_space<vmem>> -> memref<1x128xi32, #tpu.memory_space<vmem>>
        %dma_wait3A_99 = tpu.memref_squeeze %dma_wait3A_98 : memref<1x128xi32, #tpu.memory_space<vmem>> -> memref<128xi32, #tpu.memory_space<vmem>>
        %dma_wait3A_100 = arith.constant 0 : i32
        %dma_wait3A_101 = arith.constant 0 : i32
        %dma_wait3A_102 = tpu.memref_slice %arg13[%dma_wait3A_100, %dma_wait3A_101] : memref<10240x128xf32, #tpu.memory_space<vmem_shared>> -> memref<10240x128xf32, #tpu.memory_space<vmem_shared>>
        tpu.wait_indirect_dma semaphore(%arg18 : memref<!tpu.dma_semaphore, #tpu.memory_space<semaphore_mem>>) src(%arg11 : memref<128x128xf32, #tpu.memory_space<vmem>>) dst(%dma_wait3A_102 : memref<10240x128xf32, #tpu.memory_space<vmem_shared>>)
        %dma_start3A_103 = arith.constant 2 : i32
        %dma_start3A_104 = arith.constant 0 : i32
        %dma_start3A_105 = arith.constant 0 : i32
        %dma_start3A_106 = tpu.memref_slice %arg11[%dma_start3A_104, %dma_start3A_105] : memref<128x128xf32, #tpu.memory_space<vmem>> -> memref<64x128xf32, #tpu.memory_space<vmem>>
        %dma_start3A_107 = arith.constant 0 : i32
        %dma_start3A_108 = tpu.memref_slice %arg9[%dma_start3A_103, %dma_start3A_107] : memref<4x128xi32, #tpu.memory_space<vmem>> -> memref<1x64xi32, #tpu.memory_space<vmem>>
        %dma_start3A_109 = tpu.memref_squeeze %dma_start3A_108 : memref<1x64xi32, #tpu.memory_space<vmem>> -> memref<64xi32, #tpu.memory_space<vmem>>
        %dma_start3A_110 = arith.constant 0 : i32
        %dma_start3A_111 = arith.constant 0 : i32
        %dma_start3A_112 = tpu.memref_slice %arg2[%dma_start3A_110, %dma_start3A_111] : memref<10000x128xf32, #tpu.memory_space<hbm>> -> memref<10000x128xf32, #tpu.memory_space<hbm>>
        tpu.enqueue_indirect_dma source(%dma_start3A_112 : memref<10000x128xf32, #tpu.memory_space<hbm>>) target(%dma_start3A_106 : memref<64x128xf32, #tpu.memory_space<vmem>>) offsets(%dma_start3A_109 : memref<64xi32, #tpu.memory_space<vmem>>) semaphore(%arg14 : memref<!tpu.dma_semaphore, #tpu.memory_space<semaphore_mem>>)
        %dma_start3A_113 = arith.constant 2 : i32
        %dma_start3A_114 = arith.constant 64 : i32
        %dma_start3A_115 = arith.constant 0 : i32
        %dma_start3A_116 = tpu.memref_slice %arg11[%dma_start3A_114, %dma_start3A_115] : memref<128x128xf32, #tpu.memory_space<vmem>> -> memref<64x128xf32, #tpu.memory_space<vmem>>
        %dma_start3A_117 = arith.constant 64 : i32
        %dma_start3A_118 = tpu.memref_slice %arg9[%dma_start3A_113, %dma_start3A_117] : memref<4x128xi32, #tpu.memory_space<vmem>> -> memref<1x64xi32, #tpu.memory_space<vmem>>
        %dma_start3A_119 = tpu.memref_squeeze %dma_start3A_118 : memref<1x64xi32, #tpu.memory_space<vmem>> -> memref<64xi32, #tpu.memory_space<vmem>>
        %dma_start3A_120 = arith.constant 0 : i32
        %dma_start3A_121 = arith.constant 0 : i32
        %dma_start3A_122 = tpu.memref_slice %arg2[%dma_start3A_120, %dma_start3A_121] : memref<10000x128xf32, #tpu.memory_space<hbm>> -> memref<10000x128xf32, #tpu.memory_space<hbm>>
        tpu.enqueue_indirect_dma source(%dma_start3A_122 : memref<10000x128xf32, #tpu.memory_space<hbm>>) target(%dma_start3A_116 : memref<64x128xf32, #tpu.memory_space<vmem>>) offsets(%dma_start3A_119 : memref<64xi32, #tpu.memory_space<vmem>>) semaphore(%arg15 : memref<!tpu.dma_semaphore, #tpu.memory_space<semaphore_mem>>)
        %dma_wait3A_123 = arith.constant 1 : i32
        %dma_wait3A_124 = arith.constant 0 : i32
        %dma_wait3A_125 = arith.constant 0 : i32
        %dma_wait3A_126 = tpu.memref_slice %arg12[%dma_wait3A_124, %dma_wait3A_125] : memref<128x128xf32, #tpu.memory_space<vmem>> -> memref<64x128xf32, #tpu.memory_space<vmem>>
        %dma_wait3A_127 = arith.constant 0 : i32
        %dma_wait3A_128 = tpu.memref_slice %arg9[%dma_wait3A_123, %dma_wait3A_127] : memref<4x128xi32, #tpu.memory_space<vmem>> -> memref<1x64xi32, #tpu.memory_space<vmem>>
        %dma_wait3A_129 = tpu.memref_squeeze %dma_wait3A_128 : memref<1x64xi32, #tpu.memory_space<vmem>> -> memref<64xi32, #tpu.memory_space<vmem>>
        %dma_wait3A_130 = arith.constant 0 : i32
        %dma_wait3A_131 = arith.constant 0 : i32
        %dma_wait3A_132 = tpu.memref_slice %arg2[%dma_wait3A_130, %dma_wait3A_131] : memref<10000x128xf32, #tpu.memory_space<hbm>> -> memref<10000x128xf32, #tpu.memory_space<hbm>>
        tpu.wait_indirect_dma semaphore(%arg16 : memref<!tpu.dma_semaphore, #tpu.memory_space<semaphore_mem>>) src(%dma_wait3A_132 : memref<10000x128xf32, #tpu.memory_space<hbm>>) dst(%dma_wait3A_126 : memref<64x128xf32, #tpu.memory_space<vmem>>)
        %dma_wait3A_133 = arith.constant 1 : i32
        %dma_wait3A_134 = arith.constant 64 : i32
        %dma_wait3A_135 = arith.constant 0 : i32
        %dma_wait3A_136 = tpu.memref_slice %arg12[%dma_wait3A_134, %dma_wait3A_135] : memref<128x128xf32, #tpu.memory_space<vmem>> -> memref<64x128xf32, #tpu.memory_space<vmem>>
        %dma_wait3A_137 = arith.constant 64 : i32
        %dma_wait3A_138 = tpu.memref_slice %arg9[%dma_wait3A_133, %dma_wait3A_137] : memref<4x128xi32, #tpu.memory_space<vmem>> -> memref<1x64xi32, #tpu.memory_space<vmem>>
        %dma_wait3A_139 = tpu.memref_squeeze %dma_wait3A_138 : memref<1x64xi32, #tpu.memory_space<vmem>> -> memref<64xi32, #tpu.memory_space<vmem>>
        %dma_wait3A_140 = arith.constant 0 : i32
        %dma_wait3A_141 = arith.constant 0 : i32
        %dma_wait3A_142 = tpu.memref_slice %arg2[%dma_wait3A_140, %dma_wait3A_141] : memref<10000x128xf32, #tpu.memory_space<hbm>> -> memref<10000x128xf32, #tpu.memory_space<hbm>>
        tpu.wait_indirect_dma semaphore(%arg17 : memref<!tpu.dma_semaphore, #tpu.memory_space<semaphore_mem>>) src(%dma_wait3A_142 : memref<10000x128xf32, #tpu.memory_space<hbm>>) dst(%dma_wait3A_136 : memref<64x128xf32, #tpu.memory_space<vmem>>)
        %dma_start3A_143 = arith.constant 1 : i32
        %dma_start3A_144 = arith.constant 0 : i32
        %dma_start3A_145 = tpu.memref_slice %arg10[%dma_start3A_143, %dma_start3A_144] : memref<4x128xi32, #tpu.memory_space<vmem>> -> memref<1x128xi32, #tpu.memory_space<vmem>>
        %dma_start3A_146 = tpu.memref_squeeze %dma_start3A_145 : memref<1x128xi32, #tpu.memory_space<vmem>> -> memref<128xi32, #tpu.memory_space<vmem>>
        %dma_start3A_147 = arith.constant 0 : i32
        %dma_start3A_148 = arith.constant 0 : i32
        %dma_start3A_149 = tpu.memref_slice %arg13[%dma_start3A_147, %dma_start3A_148] : memref<10240x128xf32, #tpu.memory_space<vmem_shared>> -> memref<10240x128xf32, #tpu.memory_space<vmem_shared>>
        tpu.enqueue_indirect_dma source(%arg12 : memref<128x128xf32, #tpu.memory_space<vmem>>) target(%dma_start3A_149 : memref<10240x128xf32, #tpu.memory_space<vmem_shared>>) offsets(%dma_start3A_146 : memref<128xi32, #tpu.memory_space<vmem>>) semaphore(%arg19 : memref<!tpu.dma_semaphore, #tpu.memory_space<semaphore_mem>>) {add = true}
        %dma_wait3A_150 = arith.constant 1 : i32
        %dma_wait3A_151 = arith.constant 0 : i32
        %dma_wait3A_152 = tpu.memref_slice %arg10[%dma_wait3A_150, %dma_wait3A_151] : memref<4x128xi32, #tpu.memory_space<vmem>> -> memref<1x128xi32, #tpu.memory_space<vmem>>
        %dma_wait3A_153 = tpu.memref_squeeze %dma_wait3A_152 : memref<1x128xi32, #tpu.memory_space<vmem>> -> memref<128xi32, #tpu.memory_space<vmem>>
        %dma_wait3A_154 = arith.constant 0 : i32
        %dma_wait3A_155 = arith.constant 0 : i32
        %dma_wait3A_156 = tpu.memref_slice %arg13[%dma_wait3A_154, %dma_wait3A_155] : memref<10240x128xf32, #tpu.memory_space<vmem_shared>> -> memref<10240x128xf32, #tpu.memory_space<vmem_shared>>
        tpu.wait_indirect_dma semaphore(%arg19 : memref<!tpu.dma_semaphore, #tpu.memory_space<semaphore_mem>>) src(%arg12 : memref<128x128xf32, #tpu.memory_space<vmem>>) dst(%dma_wait3A_156 : memref<10240x128xf32, #tpu.memory_space<vmem_shared>>)
        %dma_start3A_157 = arith.constant 3 : i32
        %dma_start3A_158 = arith.constant 0 : i32
        %dma_start3A_159 = arith.constant 0 : i32
        %dma_start3A_160 = tpu.memref_slice %arg12[%dma_start3A_158, %dma_start3A_159] : memref<128x128xf32, #tpu.memory_space<vmem>> -> memref<64x128xf32, #tpu.memory_space<vmem>>
        %dma_start3A_161 = arith.constant 0 : i32
        %dma_start3A_162 = tpu.memref_slice %arg9[%dma_start3A_157, %dma_start3A_161] : memref<4x128xi32, #tpu.memory_space<vmem>> -> memref<1x64xi32, #tpu.memory_space<vmem>>
        %dma_start3A_163 = tpu.memref_squeeze %dma_start3A_162 : memref<1x64xi32, #tpu.memory_space<vmem>> -> memref<64xi32, #tpu.memory_space<vmem>>
        %dma_start3A_164 = arith.constant 0 : i32
        %dma_start3A_165 = arith.constant 0 : i32
        %dma_start3A_166 = tpu.memref_slice %arg2[%dma_start3A_164, %dma_start3A_165] : memref<10000x128xf32, #tpu.memory_space<hbm>> -> memref<10000x128xf32, #tpu.memory_space<hbm>>
        tpu.enqueue_indirect_dma source(%dma_start3A_166 : memref<10000x128xf32, #tpu.memory_space<hbm>>) target(%dma_start3A_160 : memref<64x128xf32, #tpu.memory_space<vmem>>) offsets(%dma_start3A_163 : memref<64xi32, #tpu.memory_space<vmem>>) semaphore(%arg16 : memref<!tpu.dma_semaphore, #tpu.memory_space<semaphore_mem>>)
        %dma_start3A_167 = arith.constant 3 : i32
        %dma_start3A_168 = arith.constant 64 : i32
        %dma_start3A_169 = arith.constant 0 : i32
        %dma_start3A_170 = tpu.memref_slice %arg12[%dma_start3A_168, %dma_start3A_169] : memref<128x128xf32, #tpu.memory_space<vmem>> -> memref<64x128xf32, #tpu.memory_space<vmem>>
        %dma_start3A_171 = arith.constant 64 : i32
        %dma_start3A_172 = tpu.memref_slice %arg9[%dma_start3A_167, %dma_start3A_171] : memref<4x128xi32, #tpu.memory_space<vmem>> -> memref<1x64xi32, #tpu.memory_space<vmem>>
        %dma_start3A_173 = tpu.memref_squeeze %dma_start3A_172 : memref<1x64xi32, #tpu.memory_space<vmem>> -> memref<64xi32, #tpu.memory_space<vmem>>
        %dma_start3A_174 = arith.constant 0 : i32
        %dma_start3A_175 = arith.constant 0 : i32
        %dma_start3A_176 = tpu.memref_slice %arg2[%dma_start3A_174, %dma_start3A_175] : memref<10000x128xf32, #tpu.memory_space<hbm>> -> memref<10000x128xf32, #tpu.memory_space<hbm>>
        tpu.enqueue_indirect_dma source(%dma_start3A_176 : memref<10000x128xf32, #tpu.memory_space<hbm>>) target(%dma_start3A_170 : memref<64x128xf32, #tpu.memory_space<vmem>>) offsets(%dma_start3A_173 : memref<64xi32, #tpu.memory_space<vmem>>) semaphore(%arg17 : memref<!tpu.dma_semaphore, #tpu.memory_space<semaphore_mem>>)
        %dma_wait3A_177 = arith.constant 2 : i32
        %dma_wait3A_178 = arith.constant 0 : i32
        %dma_wait3A_179 = arith.constant 0 : i32
        %dma_wait3A_180 = tpu.memref_slice %arg11[%dma_wait3A_178, %dma_wait3A_179] : memref<128x128xf32, #tpu.memory_space<vmem>> -> memref<64x128xf32, #tpu.memory_space<vmem>>
        %dma_wait3A_181 = arith.constant 0 : i32
        %dma_wait3A_182 = tpu.memref_slice %arg9[%dma_wait3A_177, %dma_wait3A_181] : memref<4x128xi32, #tpu.memory_space<vmem>> -> memref<1x64xi32, #tpu.memory_space<vmem>>
        %dma_wait3A_183 = tpu.memref_squeeze %dma_wait3A_182 : memref<1x64xi32, #tpu.memory_space<vmem>> -> memref<64xi32, #tpu.memory_space<vmem>>
        %dma_wait3A_184 = arith.constant 0 : i32
        %dma_wait3A_185 = arith.constant 0 : i32
        %dma_wait3A_186 = tpu.memref_slice %arg2[%dma_wait3A_184, %dma_wait3A_185] : memref<10000x128xf32, #tpu.memory_space<hbm>> -> memref<10000x128xf32, #tpu.memory_space<hbm>>
        tpu.wait_indirect_dma semaphore(%arg14 : memref<!tpu.dma_semaphore, #tpu.memory_space<semaphore_mem>>) src(%dma_wait3A_186 : memref<10000x128xf32, #tpu.memory_space<hbm>>) dst(%dma_wait3A_180 : memref<64x128xf32, #tpu.memory_space<vmem>>)
        %dma_wait3A_187 = arith.constant 2 : i32
        %dma_wait3A_188 = arith.constant 64 : i32
        %dma_wait3A_189 = arith.constant 0 : i32
        %dma_wait3A_190 = tpu.memref_slice %arg11[%dma_wait3A_188, %dma_wait3A_189] : memref<128x128xf32, #tpu.memory_space<vmem>> -> memref<64x128xf32, #tpu.memory_space<vmem>>
        %dma_wait3A_191 = arith.constant 64 : i32
        %dma_wait3A_192 = tpu.memref_slice %arg9[%dma_wait3A_187, %dma_wait3A_191] : memref<4x128xi32, #tpu.memory_space<vmem>> -> memref<1x64xi32, #tpu.memory_space<vmem>>
        %dma_wait3A_193 = tpu.memref_squeeze %dma_wait3A_192 : memref<1x64xi32, #tpu.memory_space<vmem>> -> memref<64xi32, #tpu.memory_space<vmem>>
        %dma_wait3A_194 = arith.constant 0 : i32
        %dma_wait3A_195 = arith.constant 0 : i32
        %dma_wait3A_196 = tpu.memref_slice %arg2[%dma_wait3A_194, %dma_wait3A_195] : memref<10000x128xf32, #tpu.memory_space<hbm>> -> memref<10000x128xf32, #tpu.memory_space<hbm>>
        tpu.wait_indirect_dma semaphore(%arg15 : memref<!tpu.dma_semaphore, #tpu.memory_space<semaphore_mem>>) src(%dma_wait3A_196 : memref<10000x128xf32, #tpu.memory_space<hbm>>) dst(%dma_wait3A_190 : memref<64x128xf32, #tpu.memory_space<vmem>>)
        %dma_start3A_197 = arith.constant 2 : i32
        %dma_start3A_198 = arith.constant 0 : i32
        %dma_start3A_199 = tpu.memref_slice %arg10[%dma_start3A_197, %dma_start3A_198] : memref<4x128xi32, #tpu.memory_space<vmem>> -> memref<1x128xi32, #tpu.memory_space<vmem>>
        %dma_start3A_200 = tpu.memref_squeeze %dma_start3A_199 : memref<1x128xi32, #tpu.memory_space<vmem>> -> memref<128xi32, #tpu.memory_space<vmem>>
        %dma_start3A_201 = arith.constant 0 : i32
        %dma_start3A_202 = arith.constant 0 : i32
        %dma_start3A_203 = tpu.memref_slice %arg13[%dma_start3A_201, %dma_start3A_202] : memref<10240x128xf32, #tpu.memory_space<vmem_shared>> -> memref<10240x128xf32, #tpu.memory_space<vmem_shared>>
        tpu.enqueue_indirect_dma source(%arg11 : memref<128x128xf32, #tpu.memory_space<vmem>>) target(%dma_start3A_203 : memref<10240x128xf32, #tpu.memory_space<vmem_shared>>) offsets(%dma_start3A_200 : memref<128xi32, #tpu.memory_space<vmem>>) semaphore(%arg18 : memref<!tpu.dma_semaphore, #tpu.memory_space<semaphore_mem>>) {add = true}
        %dma_wait3A_204 = arith.constant 2 : i32
        %dma_wait3A_205 = arith.constant 0 : i32
        %dma_wait3A_206 = tpu.memref_slice %arg10[%dma_wait3A_204, %dma_wait3A_205] : memref<4x128xi32, #tpu.memory_space<vmem>> -> memref<1x128xi32, #tpu.memory_space<vmem>>
        %dma_wait3A_207 = tpu.memref_squeeze %dma_wait3A_206 : memref<1x128xi32, #tpu.memory_space<vmem>> -> memref<128xi32, #tpu.memory_space<vmem>>
        %dma_wait3A_208 = arith.constant 0 : i32
        %dma_wait3A_209 = arith.constant 0 : i32
        %dma_wait3A_210 = tpu.memref_slice %arg13[%dma_wait3A_208, %dma_wait3A_209] : memref<10240x128xf32, #tpu.memory_space<vmem_shared>> -> memref<10240x128xf32, #tpu.memory_space<vmem_shared>>
        tpu.wait_indirect_dma semaphore(%arg18 : memref<!tpu.dma_semaphore, #tpu.memory_space<semaphore_mem>>) src(%arg11 : memref<128x128xf32, #tpu.memory_space<vmem>>) dst(%dma_wait3A_210 : memref<10240x128xf32, #tpu.memory_space<vmem_shared>>)
        %dma_wait3A_211 = arith.constant 3 : i32
        %dma_wait3A_212 = arith.constant 0 : i32
        %dma_wait3A_213 = arith.constant 0 : i32
        %dma_wait3A_214 = tpu.memref_slice %arg12[%dma_wait3A_212, %dma_wait3A_213] : memref<128x128xf32, #tpu.memory_space<vmem>> -> memref<64x128xf32, #tpu.memory_space<vmem>>
        %dma_wait3A_215 = arith.constant 0 : i32
        %dma_wait3A_216 = tpu.memref_slice %arg9[%dma_wait3A_211, %dma_wait3A_215] : memref<4x128xi32, #tpu.memory_space<vmem>> -> memref<1x64xi32, #tpu.memory_space<vmem>>
        %dma_wait3A_217 = tpu.memref_squeeze %dma_wait3A_216 : memref<1x64xi32, #tpu.memory_space<vmem>> -> memref<64xi32, #tpu.memory_space<vmem>>
        %dma_wait3A_218 = arith.constant 0 : i32
        %dma_wait3A_219 = arith.constant 0 : i32
        %dma_wait3A_220 = tpu.memref_slice %arg2[%dma_wait3A_218, %dma_wait3A_219] : memref<10000x128xf32, #tpu.memory_space<hbm>> -> memref<10000x128xf32, #tpu.memory_space<hbm>>
        tpu.wait_indirect_dma semaphore(%arg16 : memref<!tpu.dma_semaphore, #tpu.memory_space<semaphore_mem>>) src(%dma_wait3A_220 : memref<10000x128xf32, #tpu.memory_space<hbm>>) dst(%dma_wait3A_214 : memref<64x128xf32, #tpu.memory_space<vmem>>)
        %dma_wait3A_221 = arith.constant 3 : i32
        %dma_wait3A_222 = arith.constant 64 : i32
        %dma_wait3A_223 = arith.constant 0 : i32
        %dma_wait3A_224 = tpu.memref_slice %arg12[%dma_wait3A_222, %dma_wait3A_223] : memref<128x128xf32, #tpu.memory_space<vmem>> -> memref<64x128xf32, #tpu.memory_space<vmem>>
        %dma_wait3A_225 = arith.constant 64 : i32
        %dma_wait3A_226 = tpu.memref_slice %arg9[%dma_wait3A_221, %dma_wait3A_225] : memref<4x128xi32, #tpu.memory_space<vmem>> -> memref<1x64xi32, #tpu.memory_space<vmem>>
        %dma_wait3A_227 = tpu.memref_squeeze %dma_wait3A_226 : memref<1x64xi32, #tpu.memory_space<vmem>> -> memref<64xi32, #tpu.memory_space<vmem>>
        %dma_wait3A_228 = arith.constant 0 : i32
        %dma_wait3A_229 = arith.constant 0 : i32
        %dma_wait3A_230 = tpu.memref_slice %arg2[%dma_wait3A_228, %dma_wait3A_229] : memref<10000x128xf32, #tpu.memory_space<hbm>> -> memref<10000x128xf32, #tpu.memory_space<hbm>>
        tpu.wait_indirect_dma semaphore(%arg17 : memref<!tpu.dma_semaphore, #tpu.memory_space<semaphore_mem>>) src(%dma_wait3A_230 : memref<10000x128xf32, #tpu.memory_space<hbm>>) dst(%dma_wait3A_224 : memref<64x128xf32, #tpu.memory_space<vmem>>)
        %dma_start3A_231 = arith.constant 3 : i32
        %dma_start3A_232 = arith.constant 0 : i32
        %dma_start3A_233 = tpu.memref_slice %arg10[%dma_start3A_231, %dma_start3A_232] : memref<4x128xi32, #tpu.memory_space<vmem>> -> memref<1x128xi32, #tpu.memory_space<vmem>>
        %dma_start3A_234 = tpu.memref_squeeze %dma_start3A_233 : memref<1x128xi32, #tpu.memory_space<vmem>> -> memref<128xi32, #tpu.memory_space<vmem>>
        %dma_start3A_235 = arith.constant 0 : i32
        %dma_start3A_236 = arith.constant 0 : i32
        %dma_start3A_237 = tpu.memref_slice %arg13[%dma_start3A_235, %dma_start3A_236] : memref<10240x128xf32, #tpu.memory_space<vmem_shared>> -> memref<10240x128xf32, #tpu.memory_space<vmem_shared>>
        tpu.enqueue_indirect_dma source(%arg12 : memref<128x128xf32, #tpu.memory_space<vmem>>) target(%dma_start3A_237 : memref<10240x128xf32, #tpu.memory_space<vmem_shared>>) offsets(%dma_start3A_234 : memref<128xi32, #tpu.memory_space<vmem>>) semaphore(%arg19 : memref<!tpu.dma_semaphore, #tpu.memory_space<semaphore_mem>>) {add = true}
        %dma_wait3A_238 = arith.constant 3 : i32
        %dma_wait3A_239 = arith.constant 0 : i32
        %dma_wait3A_240 = tpu.memref_slice %arg10[%dma_wait3A_238, %dma_wait3A_239] : memref<4x128xi32, #tpu.memory_space<vmem>> -> memref<1x128xi32, #tpu.memory_space<vmem>>
        %dma_wait3A_241 = tpu.memref_squeeze %dma_wait3A_240 : memref<1x128xi32, #tpu.memory_space<vmem>> -> memref<128xi32, #tpu.memory_space<vmem>>
        %dma_wait3A_242 = arith.constant 0 : i32
        %dma_wait3A_243 = arith.constant 0 : i32
        %dma_wait3A_244 = tpu.memref_slice %arg13[%dma_wait3A_242, %dma_wait3A_243] : memref<10240x128xf32, #tpu.memory_space<vmem_shared>> -> memref<10240x128xf32, #tpu.memory_space<vmem_shared>>
        tpu.wait_indirect_dma semaphore(%arg19 : memref<!tpu.dma_semaphore, #tpu.memory_space<semaphore_mem>>) src(%arg12 : memref<128x128xf32, #tpu.memory_space<vmem>>) dst(%dma_wait3A_244 : memref<10240x128xf32, #tpu.memory_space<vmem_shared>>)
      }
      %scan3A_21 = arith.constant 36 : i32
    } else {
    }
    %ne3A = arith.constant 0 : i32
    %ne3A_6 = arith.cmpi ne, %arg0, %ne3A : i32
    %convert_element_type3A_7 = arith.extui %ne3A_6 : i1 to i32
    %cond3A_8 = arith.constant 0 : i32
    %cond3A_9 = arith.cmpi ne, %convert_element_type3A_7, %cond3A_8 : i32
    scf.if %cond3A_9 {
      %scan3A = arith.constant 0 : i32
      %scan3A_18 = arith.constant 4 : i32
      %scan3A_19 = arith.addi %scan3A, %scan3A_18 : i32
      %scan3A_20 = arith.constant 1 : i32
      scf.for %scan3A_22 = %scan3A to %scan3A_19 step %scan3A_20  : i32 {
        %mul3A_23 = arith.constant 1 : i32
        %mul3A_24 = arith.muli %scan3A_22, %mul3A_23 : i32
        %add3A_25 = arith.constant 0 : i32
        %add3A_26 = arith.addi %add3A_25, %mul3A_24 : i32
        %mul3A_27 = arith.constant 4 : i32
        %mul3A_28 = arith.muli %add3A_26, %mul3A_27 : i32
        "tpu.region"() ({
          %run_scoped3A = tpu.sem_alloc : memref<!tpu.dma_semaphore, #tpu.memory_space<semaphore_mem>>
          %dma_start3A_245 = arith.constant 0 : i32
          %dma_start3A_246 = tpu.memref_slice %arg5[%arg1, %mul3A_28, %dma_start3A_245] : memref<16x16x128xi32, #tpu.memory_space<hbm>> -> memref<1x4x128xi32, #tpu.memory_space<hbm>>
          %dma_start3A_247 = tpu.memref_squeeze %dma_start3A_246 : memref<1x4x128xi32, #tpu.memory_space<hbm>> -> memref<4x128xi32, #tpu.memory_space<hbm>>
          %dma_start3A_248 = arith.constant 0 : i32
          %dma_start3A_249 = tpu.memref_slice %arg5[%arg1, %mul3A_28, %dma_start3A_248] : memref<16x16x128xi32, #tpu.memory_space<hbm>> -> memref<1x4x128xi32, #tpu.memory_space<hbm>>
          %dma_start3A_250 = tpu.memref_squeeze %dma_start3A_249 : memref<1x4x128xi32, #tpu.memory_space<hbm>> -> memref<4x128xi32, #tpu.memory_space<hbm>>
          tpu.enqueue_dma source(%dma_start3A_250 : memref<4x128xi32, #tpu.memory_space<hbm>>) target(%arg9 : memref<4x128xi32, #tpu.memory_space<vmem>>) target_semaphore(%run_scoped3A : memref<!tpu.dma_semaphore, #tpu.memory_space<semaphore_mem>>)
          %dma_wait3A_251 = arith.constant 0 : i32
          %dma_wait3A_252 = tpu.memref_slice %arg5[%arg1, %mul3A_28, %dma_wait3A_251] : memref<16x16x128xi32, #tpu.memory_space<hbm>> -> memref<1x4x128xi32, #tpu.memory_space<hbm>>
          %dma_wait3A_253 = tpu.memref_squeeze %dma_wait3A_252 : memref<1x4x128xi32, #tpu.memory_space<hbm>> -> memref<4x128xi32, #tpu.memory_space<hbm>>
          %dma_wait3A_254 = arith.constant 0 : i32
          %dma_wait3A_255 = tpu.memref_slice %arg5[%arg1, %mul3A_28, %dma_wait3A_254] : memref<16x16x128xi32, #tpu.memory_space<hbm>> -> memref<1x4x128xi32, #tpu.memory_space<hbm>>
          %dma_wait3A_256 = tpu.memref_squeeze %dma_wait3A_255 : memref<1x4x128xi32, #tpu.memory_space<hbm>> -> memref<4x128xi32, #tpu.memory_space<hbm>>
          tpu.wait_dma2 semaphore(%run_scoped3A : memref<!tpu.dma_semaphore, #tpu.memory_space<semaphore_mem>>) src(%dma_wait3A_256 : memref<4x128xi32, #tpu.memory_space<hbm>>) dst(%arg9 : memref<4x128xi32, #tpu.memory_space<vmem>>)
          tpu.yield
        }) : () -> ()
        %mul3A_29 = arith.constant 4 : i32
        %mul3A_30 = arith.muli %add3A_26, %mul3A_29 : i32
        "tpu.region"() ({
          %run_scoped3A = tpu.sem_alloc : memref<!tpu.dma_semaphore, #tpu.memory_space<semaphore_mem>>
          %dma_start3A_245 = arith.constant 0 : i32
          %dma_start3A_246 = tpu.memref_slice %arg6[%arg1, %mul3A_30, %dma_start3A_245] : memref<16x16x128xi32, #tpu.memory_space<hbm>> -> memref<1x4x128xi32, #tpu.memory_space<hbm>>
          %dma_start3A_247 = tpu.memref_squeeze %dma_start3A_246 : memref<1x4x128xi32, #tpu.memory_space<hbm>> -> memref<4x128xi32, #tpu.memory_space<hbm>>
          %dma_start3A_248 = arith.constant 0 : i32
          %dma_start3A_249 = tpu.memref_slice %arg6[%arg1, %mul3A_30, %dma_start3A_248] : memref<16x16x128xi32, #tpu.memory_space<hbm>> -> memref<1x4x128xi32, #tpu.memory_space<hbm>>
          %dma_start3A_250 = tpu.memref_squeeze %dma_start3A_249 : memref<1x4x128xi32, #tpu.memory_space<hbm>> -> memref<4x128xi32, #tpu.memory_space<hbm>>
          tpu.enqueue_dma source(%dma_start3A_250 : memref<4x128xi32, #tpu.memory_space<hbm>>) target(%arg10 : memref<4x128xi32, #tpu.memory_space<vmem>>) target_semaphore(%run_scoped3A : memref<!tpu.dma_semaphore, #tpu.memory_space<semaphore_mem>>)
          %dma_wait3A_251 = arith.constant 0 : i32
          %dma_wait3A_252 = tpu.memref_slice %arg6[%arg1, %mul3A_30, %dma_wait3A_251] : memref<16x16x128xi32, #tpu.memory_space<hbm>> -> memref<1x4x128xi32, #tpu.memory_space<hbm>>
          %dma_wait3A_253 = tpu.memref_squeeze %dma_wait3A_252 : memref<1x4x128xi32, #tpu.memory_space<hbm>> -> memref<4x128xi32, #tpu.memory_space<hbm>>
          %dma_wait3A_254 = arith.constant 0 : i32
          %dma_wait3A_255 = tpu.memref_slice %arg6[%arg1, %mul3A_30, %dma_wait3A_254] : memref<16x16x128xi32, #tpu.memory_space<hbm>> -> memref<1x4x128xi32, #tpu.memory_space<hbm>>
          %dma_wait3A_256 = tpu.memref_squeeze %dma_wait3A_255 : memref<1x4x128xi32, #tpu.memory_space<hbm>> -> memref<4x128xi32, #tpu.memory_space<hbm>>
          tpu.wait_dma2 semaphore(%run_scoped3A : memref<!tpu.dma_semaphore, #tpu.memory_space<semaphore_mem>>) src(%dma_wait3A_256 : memref<4x128xi32, #tpu.memory_space<hbm>>) dst(%arg10 : memref<4x128xi32, #tpu.memory_space<vmem>>)
          tpu.yield
        }) : () -> ()
        %dma_start3A = arith.constant 0 : i32
        %dma_start3A_31 = arith.constant 0 : i32
        %dma_start3A_32 = arith.constant 0 : i32
        %dma_start3A_33 = tpu.memref_slice %arg11[%dma_start3A_31, %dma_start3A_32] : memref<128x128xf32, #tpu.memory_space<vmem>> -> memref<64x128xf32, #tpu.memory_space<vmem>>
        %dma_start3A_34 = arith.constant 0 : i32
        %dma_start3A_35 = tpu.memref_slice %arg9[%dma_start3A, %dma_start3A_34] : memref<4x128xi32, #tpu.memory_space<vmem>> -> memref<1x64xi32, #tpu.memory_space<vmem>>
        %dma_start3A_36 = tpu.memref_squeeze %dma_start3A_35 : memref<1x64xi32, #tpu.memory_space<vmem>> -> memref<64xi32, #tpu.memory_space<vmem>>
        %dma_start3A_37 = arith.constant 0 : i32
        %dma_start3A_38 = arith.constant 0 : i32
        %dma_start3A_39 = tpu.memref_slice %arg2[%dma_start3A_37, %dma_start3A_38] : memref<10000x128xf32, #tpu.memory_space<hbm>> -> memref<10000x128xf32, #tpu.memory_space<hbm>>
        tpu.enqueue_indirect_dma source(%dma_start3A_39 : memref<10000x128xf32, #tpu.memory_space<hbm>>) target(%dma_start3A_33 : memref<64x128xf32, #tpu.memory_space<vmem>>) offsets(%dma_start3A_36 : memref<64xi32, #tpu.memory_space<vmem>>) semaphore(%arg14 : memref<!tpu.dma_semaphore, #tpu.memory_space<semaphore_mem>>)
        %dma_start3A_40 = arith.constant 0 : i32
        %dma_start3A_41 = arith.constant 64 : i32
        %dma_start3A_42 = arith.constant 0 : i32
        %dma_start3A_43 = tpu.memref_slice %arg11[%dma_start3A_41, %dma_start3A_42] : memref<128x128xf32, #tpu.memory_space<vmem>> -> memref<64x128xf32, #tpu.memory_space<vmem>>
        %dma_start3A_44 = arith.constant 64 : i32
        %dma_start3A_45 = tpu.memref_slice %arg9[%dma_start3A_40, %dma_start3A_44] : memref<4x128xi32, #tpu.memory_space<vmem>> -> memref<1x64xi32, #tpu.memory_space<vmem>>
        %dma_start3A_46 = tpu.memref_squeeze %dma_start3A_45 : memref<1x64xi32, #tpu.memory_space<vmem>> -> memref<64xi32, #tpu.memory_space<vmem>>
        %dma_start3A_47 = arith.constant 0 : i32
        %dma_start3A_48 = arith.constant 0 : i32
        %dma_start3A_49 = tpu.memref_slice %arg2[%dma_start3A_47, %dma_start3A_48] : memref<10000x128xf32, #tpu.memory_space<hbm>> -> memref<10000x128xf32, #tpu.memory_space<hbm>>
        tpu.enqueue_indirect_dma source(%dma_start3A_49 : memref<10000x128xf32, #tpu.memory_space<hbm>>) target(%dma_start3A_43 : memref<64x128xf32, #tpu.memory_space<vmem>>) offsets(%dma_start3A_46 : memref<64xi32, #tpu.memory_space<vmem>>) semaphore(%arg15 : memref<!tpu.dma_semaphore, #tpu.memory_space<semaphore_mem>>)
        %dma_start3A_50 = arith.constant 1 : i32
        %dma_start3A_51 = arith.constant 0 : i32
        %dma_start3A_52 = arith.constant 0 : i32
        %dma_start3A_53 = tpu.memref_slice %arg12[%dma_start3A_51, %dma_start3A_52] : memref<128x128xf32, #tpu.memory_space<vmem>> -> memref<64x128xf32, #tpu.memory_space<vmem>>
        %dma_start3A_54 = arith.constant 0 : i32
        %dma_start3A_55 = tpu.memref_slice %arg9[%dma_start3A_50, %dma_start3A_54] : memref<4x128xi32, #tpu.memory_space<vmem>> -> memref<1x64xi32, #tpu.memory_space<vmem>>
        %dma_start3A_56 = tpu.memref_squeeze %dma_start3A_55 : memref<1x64xi32, #tpu.memory_space<vmem>> -> memref<64xi32, #tpu.memory_space<vmem>>
        %dma_start3A_57 = arith.constant 0 : i32
        %dma_start3A_58 = arith.constant 0 : i32
        %dma_start3A_59 = tpu.memref_slice %arg2[%dma_start3A_57, %dma_start3A_58] : memref<10000x128xf32, #tpu.memory_space<hbm>> -> memref<10000x128xf32, #tpu.memory_space<hbm>>
        tpu.enqueue_indirect_dma source(%dma_start3A_59 : memref<10000x128xf32, #tpu.memory_space<hbm>>) target(%dma_start3A_53 : memref<64x128xf32, #tpu.memory_space<vmem>>) offsets(%dma_start3A_56 : memref<64xi32, #tpu.memory_space<vmem>>) semaphore(%arg16 : memref<!tpu.dma_semaphore, #tpu.memory_space<semaphore_mem>>)
        %dma_start3A_60 = arith.constant 1 : i32
        %dma_start3A_61 = arith.constant 64 : i32
        %dma_start3A_62 = arith.constant 0 : i32
        %dma_start3A_63 = tpu.memref_slice %arg12[%dma_start3A_61, %dma_start3A_62] : memref<128x128xf32, #tpu.memory_space<vmem>> -> memref<64x128xf32, #tpu.memory_space<vmem>>
        %dma_start3A_64 = arith.constant 64 : i32
        %dma_start3A_65 = tpu.memref_slice %arg9[%dma_start3A_60, %dma_start3A_64] : memref<4x128xi32, #tpu.memory_space<vmem>> -> memref<1x64xi32, #tpu.memory_space<vmem>>
        %dma_start3A_66 = tpu.memref_squeeze %dma_start3A_65 : memref<1x64xi32, #tpu.memory_space<vmem>> -> memref<64xi32, #tpu.memory_space<vmem>>
        %dma_start3A_67 = arith.constant 0 : i32
        %dma_start3A_68 = arith.constant 0 : i32
        %dma_start3A_69 = tpu.memref_slice %arg2[%dma_start3A_67, %dma_start3A_68] : memref<10000x128xf32, #tpu.memory_space<hbm>> -> memref<10000x128xf32, #tpu.memory_space<hbm>>
        tpu.enqueue_indirect_dma source(%dma_start3A_69 : memref<10000x128xf32, #tpu.memory_space<hbm>>) target(%dma_start3A_63 : memref<64x128xf32, #tpu.memory_space<vmem>>) offsets(%dma_start3A_66 : memref<64xi32, #tpu.memory_space<vmem>>) semaphore(%arg17 : memref<!tpu.dma_semaphore, #tpu.memory_space<semaphore_mem>>)
        %dma_wait3A = arith.constant 0 : i32
        %dma_wait3A_70 = arith.constant 0 : i32
        %dma_wait3A_71 = arith.constant 0 : i32
        %dma_wait3A_72 = tpu.memref_slice %arg11[%dma_wait3A_70, %dma_wait3A_71] : memref<128x128xf32, #tpu.memory_space<vmem>> -> memref<64x128xf32, #tpu.memory_space<vmem>>
        %dma_wait3A_73 = arith.constant 0 : i32
        %dma_wait3A_74 = tpu.memref_slice %arg9[%dma_wait3A, %dma_wait3A_73] : memref<4x128xi32, #tpu.memory_space<vmem>> -> memref<1x64xi32, #tpu.memory_space<vmem>>
        %dma_wait3A_75 = tpu.memref_squeeze %dma_wait3A_74 : memref<1x64xi32, #tpu.memory_space<vmem>> -> memref<64xi32, #tpu.memory_space<vmem>>
        %dma_wait3A_76 = arith.constant 0 : i32
        %dma_wait3A_77 = arith.constant 0 : i32
        %dma_wait3A_78 = tpu.memref_slice %arg2[%dma_wait3A_76, %dma_wait3A_77] : memref<10000x128xf32, #tpu.memory_space<hbm>> -> memref<10000x128xf32, #tpu.memory_space<hbm>>
        tpu.wait_indirect_dma semaphore(%arg14 : memref<!tpu.dma_semaphore, #tpu.memory_space<semaphore_mem>>) src(%dma_wait3A_78 : memref<10000x128xf32, #tpu.memory_space<hbm>>) dst(%dma_wait3A_72 : memref<64x128xf32, #tpu.memory_space<vmem>>)
        %dma_wait3A_79 = arith.constant 0 : i32
        %dma_wait3A_80 = arith.constant 64 : i32
        %dma_wait3A_81 = arith.constant 0 : i32
        %dma_wait3A_82 = tpu.memref_slice %arg11[%dma_wait3A_80, %dma_wait3A_81] : memref<128x128xf32, #tpu.memory_space<vmem>> -> memref<64x128xf32, #tpu.memory_space<vmem>>
        %dma_wait3A_83 = arith.constant 64 : i32
        %dma_wait3A_84 = tpu.memref_slice %arg9[%dma_wait3A_79, %dma_wait3A_83] : memref<4x128xi32, #tpu.memory_space<vmem>> -> memref<1x64xi32, #tpu.memory_space<vmem>>
        %dma_wait3A_85 = tpu.memref_squeeze %dma_wait3A_84 : memref<1x64xi32, #tpu.memory_space<vmem>> -> memref<64xi32, #tpu.memory_space<vmem>>
        %dma_wait3A_86 = arith.constant 0 : i32
        %dma_wait3A_87 = arith.constant 0 : i32
        %dma_wait3A_88 = tpu.memref_slice %arg2[%dma_wait3A_86, %dma_wait3A_87] : memref<10000x128xf32, #tpu.memory_space<hbm>> -> memref<10000x128xf32, #tpu.memory_space<hbm>>
        tpu.wait_indirect_dma semaphore(%arg15 : memref<!tpu.dma_semaphore, #tpu.memory_space<semaphore_mem>>) src(%dma_wait3A_88 : memref<10000x128xf32, #tpu.memory_space<hbm>>) dst(%dma_wait3A_82 : memref<64x128xf32, #tpu.memory_space<vmem>>)
        %dma_start3A_89 = arith.constant 0 : i32
        %dma_start3A_90 = arith.constant 0 : i32
        %dma_start3A_91 = tpu.memref_slice %arg10[%dma_start3A_89, %dma_start3A_90] : memref<4x128xi32, #tpu.memory_space<vmem>> -> memref<1x128xi32, #tpu.memory_space<vmem>>
        %dma_start3A_92 = tpu.memref_squeeze %dma_start3A_91 : memref<1x128xi32, #tpu.memory_space<vmem>> -> memref<128xi32, #tpu.memory_space<vmem>>
        %dma_start3A_93 = arith.constant 0 : i32
        %dma_start3A_94 = arith.constant 0 : i32
        %dma_start3A_95 = tpu.memref_slice %arg13[%dma_start3A_93, %dma_start3A_94] : memref<10240x128xf32, #tpu.memory_space<vmem_shared>> -> memref<10240x128xf32, #tpu.memory_space<vmem_shared>>
        tpu.enqueue_indirect_dma source(%arg11 : memref<128x128xf32, #tpu.memory_space<vmem>>) target(%dma_start3A_95 : memref<10240x128xf32, #tpu.memory_space<vmem_shared>>) offsets(%dma_start3A_92 : memref<128xi32, #tpu.memory_space<vmem>>) semaphore(%arg18 : memref<!tpu.dma_semaphore, #tpu.memory_space<semaphore_mem>>) {add = true}
        %dma_wait3A_96 = arith.constant 0 : i32
        %dma_wait3A_97 = arith.constant 0 : i32
        %dma_wait3A_98 = tpu.memref_slice %arg10[%dma_wait3A_96, %dma_wait3A_97] : memref<4x128xi32, #tpu.memory_space<vmem>> -> memref<1x128xi32, #tpu.memory_space<vmem>>
        %dma_wait3A_99 = tpu.memref_squeeze %dma_wait3A_98 : memref<1x128xi32, #tpu.memory_space<vmem>> -> memref<128xi32, #tpu.memory_space<vmem>>
        %dma_wait3A_100 = arith.constant 0 : i32
        %dma_wait3A_101 = arith.constant 0 : i32
        %dma_wait3A_102 = tpu.memref_slice %arg13[%dma_wait3A_100, %dma_wait3A_101] : memref<10240x128xf32, #tpu.memory_space<vmem_shared>> -> memref<10240x128xf32, #tpu.memory_space<vmem_shared>>
        tpu.wait_indirect_dma semaphore(%arg18 : memref<!tpu.dma_semaphore, #tpu.memory_space<semaphore_mem>>) src(%arg11 : memref<128x128xf32, #tpu.memory_space<vmem>>) dst(%dma_wait3A_102 : memref<10240x128xf32, #tpu.memory_space<vmem_shared>>)
        %dma_start3A_103 = arith.constant 2 : i32
        %dma_start3A_104 = arith.constant 0 : i32
        %dma_start3A_105 = arith.constant 0 : i32
        %dma_start3A_106 = tpu.memref_slice %arg11[%dma_start3A_104, %dma_start3A_105] : memref<128x128xf32, #tpu.memory_space<vmem>> -> memref<64x128xf32, #tpu.memory_space<vmem>>
        %dma_start3A_107 = arith.constant 0 : i32
        %dma_start3A_108 = tpu.memref_slice %arg9[%dma_start3A_103, %dma_start3A_107] : memref<4x128xi32, #tpu.memory_space<vmem>> -> memref<1x64xi32, #tpu.memory_space<vmem>>
        %dma_start3A_109 = tpu.memref_squeeze %dma_start3A_108 : memref<1x64xi32, #tpu.memory_space<vmem>> -> memref<64xi32, #tpu.memory_space<vmem>>
        %dma_start3A_110 = arith.constant 0 : i32
        %dma_start3A_111 = arith.constant 0 : i32
        %dma_start3A_112 = tpu.memref_slice %arg2[%dma_start3A_110, %dma_start3A_111] : memref<10000x128xf32, #tpu.memory_space<hbm>> -> memref<10000x128xf32, #tpu.memory_space<hbm>>
        tpu.enqueue_indirect_dma source(%dma_start3A_112 : memref<10000x128xf32, #tpu.memory_space<hbm>>) target(%dma_start3A_106 : memref<64x128xf32, #tpu.memory_space<vmem>>) offsets(%dma_start3A_109 : memref<64xi32, #tpu.memory_space<vmem>>) semaphore(%arg14 : memref<!tpu.dma_semaphore, #tpu.memory_space<semaphore_mem>>)
        %dma_start3A_113 = arith.constant 2 : i32
        %dma_start3A_114 = arith.constant 64 : i32
        %dma_start3A_115 = arith.constant 0 : i32
        %dma_start3A_116 = tpu.memref_slice %arg11[%dma_start3A_114, %dma_start3A_115] : memref<128x128xf32, #tpu.memory_space<vmem>> -> memref<64x128xf32, #tpu.memory_space<vmem>>
        %dma_start3A_117 = arith.constant 64 : i32
        %dma_start3A_118 = tpu.memref_slice %arg9[%dma_start3A_113, %dma_start3A_117] : memref<4x128xi32, #tpu.memory_space<vmem>> -> memref<1x64xi32, #tpu.memory_space<vmem>>
        %dma_start3A_119 = tpu.memref_squeeze %dma_start3A_118 : memref<1x64xi32, #tpu.memory_space<vmem>> -> memref<64xi32, #tpu.memory_space<vmem>>
        %dma_start3A_120 = arith.constant 0 : i32
        %dma_start3A_121 = arith.constant 0 : i32
        %dma_start3A_122 = tpu.memref_slice %arg2[%dma_start3A_120, %dma_start3A_121] : memref<10000x128xf32, #tpu.memory_space<hbm>> -> memref<10000x128xf32, #tpu.memory_space<hbm>>
        tpu.enqueue_indirect_dma source(%dma_start3A_122 : memref<10000x128xf32, #tpu.memory_space<hbm>>) target(%dma_start3A_116 : memref<64x128xf32, #tpu.memory_space<vmem>>) offsets(%dma_start3A_119 : memref<64xi32, #tpu.memory_space<vmem>>) semaphore(%arg15 : memref<!tpu.dma_semaphore, #tpu.memory_space<semaphore_mem>>)
        %dma_wait3A_123 = arith.constant 1 : i32
        %dma_wait3A_124 = arith.constant 0 : i32
        %dma_wait3A_125 = arith.constant 0 : i32
        %dma_wait3A_126 = tpu.memref_slice %arg12[%dma_wait3A_124, %dma_wait3A_125] : memref<128x128xf32, #tpu.memory_space<vmem>> -> memref<64x128xf32, #tpu.memory_space<vmem>>
        %dma_wait3A_127 = arith.constant 0 : i32
        %dma_wait3A_128 = tpu.memref_slice %arg9[%dma_wait3A_123, %dma_wait3A_127] : memref<4x128xi32, #tpu.memory_space<vmem>> -> memref<1x64xi32, #tpu.memory_space<vmem>>
        %dma_wait3A_129 = tpu.memref_squeeze %dma_wait3A_128 : memref<1x64xi32, #tpu.memory_space<vmem>> -> memref<64xi32, #tpu.memory_space<vmem>>
        %dma_wait3A_130 = arith.constant 0 : i32
        %dma_wait3A_131 = arith.constant 0 : i32
        %dma_wait3A_132 = tpu.memref_slice %arg2[%dma_wait3A_130, %dma_wait3A_131] : memref<10000x128xf32, #tpu.memory_space<hbm>> -> memref<10000x128xf32, #tpu.memory_space<hbm>>
        tpu.wait_indirect_dma semaphore(%arg16 : memref<!tpu.dma_semaphore, #tpu.memory_space<semaphore_mem>>) src(%dma_wait3A_132 : memref<10000x128xf32, #tpu.memory_space<hbm>>) dst(%dma_wait3A_126 : memref<64x128xf32, #tpu.memory_space<vmem>>)
        %dma_wait3A_133 = arith.constant 1 : i32
        %dma_wait3A_134 = arith.constant 64 : i32
        %dma_wait3A_135 = arith.constant 0 : i32
        %dma_wait3A_136 = tpu.memref_slice %arg12[%dma_wait3A_134, %dma_wait3A_135] : memref<128x128xf32, #tpu.memory_space<vmem>> -> memref<64x128xf32, #tpu.memory_space<vmem>>
        %dma_wait3A_137 = arith.constant 64 : i32
        %dma_wait3A_138 = tpu.memref_slice %arg9[%dma_wait3A_133, %dma_wait3A_137] : memref<4x128xi32, #tpu.memory_space<vmem>> -> memref<1x64xi32, #tpu.memory_space<vmem>>
        %dma_wait3A_139 = tpu.memref_squeeze %dma_wait3A_138 : memref<1x64xi32, #tpu.memory_space<vmem>> -> memref<64xi32, #tpu.memory_space<vmem>>
        %dma_wait3A_140 = arith.constant 0 : i32
        %dma_wait3A_141 = arith.constant 0 : i32
        %dma_wait3A_142 = tpu.memref_slice %arg2[%dma_wait3A_140, %dma_wait3A_141] : memref<10000x128xf32, #tpu.memory_space<hbm>> -> memref<10000x128xf32, #tpu.memory_space<hbm>>
        tpu.wait_indirect_dma semaphore(%arg17 : memref<!tpu.dma_semaphore, #tpu.memory_space<semaphore_mem>>) src(%dma_wait3A_142 : memref<10000x128xf32, #tpu.memory_space<hbm>>) dst(%dma_wait3A_136 : memref<64x128xf32, #tpu.memory_space<vmem>>)
        %dma_start3A_143 = arith.constant 1 : i32
        %dma_start3A_144 = arith.constant 0 : i32
        %dma_start3A_145 = tpu.memref_slice %arg10[%dma_start3A_143, %dma_start3A_144] : memref<4x128xi32, #tpu.memory_space<vmem>> -> memref<1x128xi32, #tpu.memory_space<vmem>>
        %dma_start3A_146 = tpu.memref_squeeze %dma_start3A_145 : memref<1x128xi32, #tpu.memory_space<vmem>> -> memref<128xi32, #tpu.memory_space<vmem>>
        %dma_start3A_147 = arith.constant 0 : i32
        %dma_start3A_148 = arith.constant 0 : i32
        %dma_start3A_149 = tpu.memref_slice %arg13[%dma_start3A_147, %dma_start3A_148] : memref<10240x128xf32, #tpu.memory_space<vmem_shared>> -> memref<10240x128xf32, #tpu.memory_space<vmem_shared>>
        tpu.enqueue_indirect_dma source(%arg12 : memref<128x128xf32, #tpu.memory_space<vmem>>) target(%dma_start3A_149 : memref<10240x128xf32, #tpu.memory_space<vmem_shared>>) offsets(%dma_start3A_146 : memref<128xi32, #tpu.memory_space<vmem>>) semaphore(%arg19 : memref<!tpu.dma_semaphore, #tpu.memory_space<semaphore_mem>>) {add = true}
        %dma_wait3A_150 = arith.constant 1 : i32
        %dma_wait3A_151 = arith.constant 0 : i32
        %dma_wait3A_152 = tpu.memref_slice %arg10[%dma_wait3A_150, %dma_wait3A_151] : memref<4x128xi32, #tpu.memory_space<vmem>> -> memref<1x128xi32, #tpu.memory_space<vmem>>
        %dma_wait3A_153 = tpu.memref_squeeze %dma_wait3A_152 : memref<1x128xi32, #tpu.memory_space<vmem>> -> memref<128xi32, #tpu.memory_space<vmem>>
        %dma_wait3A_154 = arith.constant 0 : i32
        %dma_wait3A_155 = arith.constant 0 : i32
        %dma_wait3A_156 = tpu.memref_slice %arg13[%dma_wait3A_154, %dma_wait3A_155] : memref<10240x128xf32, #tpu.memory_space<vmem_shared>> -> memref<10240x128xf32, #tpu.memory_space<vmem_shared>>
        tpu.wait_indirect_dma semaphore(%arg19 : memref<!tpu.dma_semaphore, #tpu.memory_space<semaphore_mem>>) src(%arg12 : memref<128x128xf32, #tpu.memory_space<vmem>>) dst(%dma_wait3A_156 : memref<10240x128xf32, #tpu.memory_space<vmem_shared>>)
        %dma_start3A_157 = arith.constant 3 : i32
        %dma_start3A_158 = arith.constant 0 : i32
        %dma_start3A_159 = arith.constant 0 : i32
        %dma_start3A_160 = tpu.memref_slice %arg12[%dma_start3A_158, %dma_start3A_159] : memref<128x128xf32, #tpu.memory_space<vmem>> -> memref<64x128xf32, #tpu.memory_space<vmem>>
        %dma_start3A_161 = arith.constant 0 : i32
        %dma_start3A_162 = tpu.memref_slice %arg9[%dma_start3A_157, %dma_start3A_161] : memref<4x128xi32, #tpu.memory_space<vmem>> -> memref<1x64xi32, #tpu.memory_space<vmem>>
        %dma_start3A_163 = tpu.memref_squeeze %dma_start3A_162 : memref<1x64xi32, #tpu.memory_space<vmem>> -> memref<64xi32, #tpu.memory_space<vmem>>
        %dma_start3A_164 = arith.constant 0 : i32
        %dma_start3A_165 = arith.constant 0 : i32
        %dma_start3A_166 = tpu.memref_slice %arg2[%dma_start3A_164, %dma_start3A_165] : memref<10000x128xf32, #tpu.memory_space<hbm>> -> memref<10000x128xf32, #tpu.memory_space<hbm>>
        tpu.enqueue_indirect_dma source(%dma_start3A_166 : memref<10000x128xf32, #tpu.memory_space<hbm>>) target(%dma_start3A_160 : memref<64x128xf32, #tpu.memory_space<vmem>>) offsets(%dma_start3A_163 : memref<64xi32, #tpu.memory_space<vmem>>) semaphore(%arg16 : memref<!tpu.dma_semaphore, #tpu.memory_space<semaphore_mem>>)
        %dma_start3A_167 = arith.constant 3 : i32
        %dma_start3A_168 = arith.constant 64 : i32
        %dma_start3A_169 = arith.constant 0 : i32
        %dma_start3A_170 = tpu.memref_slice %arg12[%dma_start3A_168, %dma_start3A_169] : memref<128x128xf32, #tpu.memory_space<vmem>> -> memref<64x128xf32, #tpu.memory_space<vmem>>
        %dma_start3A_171 = arith.constant 64 : i32
        %dma_start3A_172 = tpu.memref_slice %arg9[%dma_start3A_167, %dma_start3A_171] : memref<4x128xi32, #tpu.memory_space<vmem>> -> memref<1x64xi32, #tpu.memory_space<vmem>>
        %dma_start3A_173 = tpu.memref_squeeze %dma_start3A_172 : memref<1x64xi32, #tpu.memory_space<vmem>> -> memref<64xi32, #tpu.memory_space<vmem>>
        %dma_start3A_174 = arith.constant 0 : i32
        %dma_start3A_175 = arith.constant 0 : i32
        %dma_start3A_176 = tpu.memref_slice %arg2[%dma_start3A_174, %dma_start3A_175] : memref<10000x128xf32, #tpu.memory_space<hbm>> -> memref<10000x128xf32, #tpu.memory_space<hbm>>
        tpu.enqueue_indirect_dma source(%dma_start3A_176 : memref<10000x128xf32, #tpu.memory_space<hbm>>) target(%dma_start3A_170 : memref<64x128xf32, #tpu.memory_space<vmem>>) offsets(%dma_start3A_173 : memref<64xi32, #tpu.memory_space<vmem>>) semaphore(%arg17 : memref<!tpu.dma_semaphore, #tpu.memory_space<semaphore_mem>>)
        %dma_wait3A_177 = arith.constant 2 : i32
        %dma_wait3A_178 = arith.constant 0 : i32
        %dma_wait3A_179 = arith.constant 0 : i32
        %dma_wait3A_180 = tpu.memref_slice %arg11[%dma_wait3A_178, %dma_wait3A_179] : memref<128x128xf32, #tpu.memory_space<vmem>> -> memref<64x128xf32, #tpu.memory_space<vmem>>
        %dma_wait3A_181 = arith.constant 0 : i32
        %dma_wait3A_182 = tpu.memref_slice %arg9[%dma_wait3A_177, %dma_wait3A_181] : memref<4x128xi32, #tpu.memory_space<vmem>> -> memref<1x64xi32, #tpu.memory_space<vmem>>
        %dma_wait3A_183 = tpu.memref_squeeze %dma_wait3A_182 : memref<1x64xi32, #tpu.memory_space<vmem>> -> memref<64xi32, #tpu.memory_space<vmem>>
        %dma_wait3A_184 = arith.constant 0 : i32
        %dma_wait3A_185 = arith.constant 0 : i32
        %dma_wait3A_186 = tpu.memref_slice %arg2[%dma_wait3A_184, %dma_wait3A_185] : memref<10000x128xf32, #tpu.memory_space<hbm>> -> memref<10000x128xf32, #tpu.memory_space<hbm>>
        tpu.wait_indirect_dma semaphore(%arg14 : memref<!tpu.dma_semaphore, #tpu.memory_space<semaphore_mem>>) src(%dma_wait3A_186 : memref<10000x128xf32, #tpu.memory_space<hbm>>) dst(%dma_wait3A_180 : memref<64x128xf32, #tpu.memory_space<vmem>>)
        %dma_wait3A_187 = arith.constant 2 : i32
        %dma_wait3A_188 = arith.constant 64 : i32
        %dma_wait3A_189 = arith.constant 0 : i32
        %dma_wait3A_190 = tpu.memref_slice %arg11[%dma_wait3A_188, %dma_wait3A_189] : memref<128x128xf32, #tpu.memory_space<vmem>> -> memref<64x128xf32, #tpu.memory_space<vmem>>
        %dma_wait3A_191 = arith.constant 64 : i32
        %dma_wait3A_192 = tpu.memref_slice %arg9[%dma_wait3A_187, %dma_wait3A_191] : memref<4x128xi32, #tpu.memory_space<vmem>> -> memref<1x64xi32, #tpu.memory_space<vmem>>
        %dma_wait3A_193 = tpu.memref_squeeze %dma_wait3A_192 : memref<1x64xi32, #tpu.memory_space<vmem>> -> memref<64xi32, #tpu.memory_space<vmem>>
        %dma_wait3A_194 = arith.constant 0 : i32
        %dma_wait3A_195 = arith.constant 0 : i32
        %dma_wait3A_196 = tpu.memref_slice %arg2[%dma_wait3A_194, %dma_wait3A_195] : memref<10000x128xf32, #tpu.memory_space<hbm>> -> memref<10000x128xf32, #tpu.memory_space<hbm>>
        tpu.wait_indirect_dma semaphore(%arg15 : memref<!tpu.dma_semaphore, #tpu.memory_space<semaphore_mem>>) src(%dma_wait3A_196 : memref<10000x128xf32, #tpu.memory_space<hbm>>) dst(%dma_wait3A_190 : memref<64x128xf32, #tpu.memory_space<vmem>>)
        %dma_start3A_197 = arith.constant 2 : i32
        %dma_start3A_198 = arith.constant 0 : i32
        %dma_start3A_199 = tpu.memref_slice %arg10[%dma_start3A_197, %dma_start3A_198] : memref<4x128xi32, #tpu.memory_space<vmem>> -> memref<1x128xi32, #tpu.memory_space<vmem>>
        %dma_start3A_200 = tpu.memref_squeeze %dma_start3A_199 : memref<1x128xi32, #tpu.memory_space<vmem>> -> memref<128xi32, #tpu.memory_space<vmem>>
        %dma_start3A_201 = arith.constant 0 : i32
        %dma_start3A_202 = arith.constant 0 : i32
        %dma_start3A_203 = tpu.memref_slice %arg13[%dma_start3A_201, %dma_start3A_202] : memref<10240x128xf32, #tpu.memory_space<vmem_shared>> -> memref<10240x128xf32, #tpu.memory_space<vmem_shared>>
        tpu.enqueue_indirect_dma source(%arg11 : memref<128x128xf32, #tpu.memory_space<vmem>>) target(%dma_start3A_203 : memref<10240x128xf32, #tpu.memory_space<vmem_shared>>) offsets(%dma_start3A_200 : memref<128xi32, #tpu.memory_space<vmem>>) semaphore(%arg18 : memref<!tpu.dma_semaphore, #tpu.memory_space<semaphore_mem>>) {add = true}
        %dma_wait3A_204 = arith.constant 2 : i32
        %dma_wait3A_205 = arith.constant 0 : i32
        %dma_wait3A_206 = tpu.memref_slice %arg10[%dma_wait3A_204, %dma_wait3A_205] : memref<4x128xi32, #tpu.memory_space<vmem>> -> memref<1x128xi32, #tpu.memory_space<vmem>>
        %dma_wait3A_207 = tpu.memref_squeeze %dma_wait3A_206 : memref<1x128xi32, #tpu.memory_space<vmem>> -> memref<128xi32, #tpu.memory_space<vmem>>
        %dma_wait3A_208 = arith.constant 0 : i32
        %dma_wait3A_209 = arith.constant 0 : i32
        %dma_wait3A_210 = tpu.memref_slice %arg13[%dma_wait3A_208, %dma_wait3A_209] : memref<10240x128xf32, #tpu.memory_space<vmem_shared>> -> memref<10240x128xf32, #tpu.memory_space<vmem_shared>>
        tpu.wait_indirect_dma semaphore(%arg18 : memref<!tpu.dma_semaphore, #tpu.memory_space<semaphore_mem>>) src(%arg11 : memref<128x128xf32, #tpu.memory_space<vmem>>) dst(%dma_wait3A_210 : memref<10240x128xf32, #tpu.memory_space<vmem_shared>>)
        %dma_wait3A_211 = arith.constant 3 : i32
        %dma_wait3A_212 = arith.constant 0 : i32
        %dma_wait3A_213 = arith.constant 0 : i32
        %dma_wait3A_214 = tpu.memref_slice %arg12[%dma_wait3A_212, %dma_wait3A_213] : memref<128x128xf32, #tpu.memory_space<vmem>> -> memref<64x128xf32, #tpu.memory_space<vmem>>
        %dma_wait3A_215 = arith.constant 0 : i32
        %dma_wait3A_216 = tpu.memref_slice %arg9[%dma_wait3A_211, %dma_wait3A_215] : memref<4x128xi32, #tpu.memory_space<vmem>> -> memref<1x64xi32, #tpu.memory_space<vmem>>
        %dma_wait3A_217 = tpu.memref_squeeze %dma_wait3A_216 : memref<1x64xi32, #tpu.memory_space<vmem>> -> memref<64xi32, #tpu.memory_space<vmem>>
        %dma_wait3A_218 = arith.constant 0 : i32
        %dma_wait3A_219 = arith.constant 0 : i32
        %dma_wait3A_220 = tpu.memref_slice %arg2[%dma_wait3A_218, %dma_wait3A_219] : memref<10000x128xf32, #tpu.memory_space<hbm>> -> memref<10000x128xf32, #tpu.memory_space<hbm>>
        tpu.wait_indirect_dma semaphore(%arg16 : memref<!tpu.dma_semaphore, #tpu.memory_space<semaphore_mem>>) src(%dma_wait3A_220 : memref<10000x128xf32, #tpu.memory_space<hbm>>) dst(%dma_wait3A_214 : memref<64x128xf32, #tpu.memory_space<vmem>>)
        %dma_wait3A_221 = arith.constant 3 : i32
        %dma_wait3A_222 = arith.constant 64 : i32
        %dma_wait3A_223 = arith.constant 0 : i32
        %dma_wait3A_224 = tpu.memref_slice %arg12[%dma_wait3A_222, %dma_wait3A_223] : memref<128x128xf32, #tpu.memory_space<vmem>> -> memref<64x128xf32, #tpu.memory_space<vmem>>
        %dma_wait3A_225 = arith.constant 64 : i32
        %dma_wait3A_226 = tpu.memref_slice %arg9[%dma_wait3A_221, %dma_wait3A_225] : memref<4x128xi32, #tpu.memory_space<vmem>> -> memref<1x64xi32, #tpu.memory_space<vmem>>
        %dma_wait3A_227 = tpu.memref_squeeze %dma_wait3A_226 : memref<1x64xi32, #tpu.memory_space<vmem>> -> memref<64xi32, #tpu.memory_space<vmem>>
        %dma_wait3A_228 = arith.constant 0 : i32
        %dma_wait3A_229 = arith.constant 0 : i32
        %dma_wait3A_230 = tpu.memref_slice %arg2[%dma_wait3A_228, %dma_wait3A_229] : memref<10000x128xf32, #tpu.memory_space<hbm>> -> memref<10000x128xf32, #tpu.memory_space<hbm>>
        tpu.wait_indirect_dma semaphore(%arg17 : memref<!tpu.dma_semaphore, #tpu.memory_space<semaphore_mem>>) src(%dma_wait3A_230 : memref<10000x128xf32, #tpu.memory_space<hbm>>) dst(%dma_wait3A_224 : memref<64x128xf32, #tpu.memory_space<vmem>>)
        %dma_start3A_231 = arith.constant 3 : i32
        %dma_start3A_232 = arith.constant 0 : i32
        %dma_start3A_233 = tpu.memref_slice %arg10[%dma_start3A_231, %dma_start3A_232] : memref<4x128xi32, #tpu.memory_space<vmem>> -> memref<1x128xi32, #tpu.memory_space<vmem>>
        %dma_start3A_234 = tpu.memref_squeeze %dma_start3A_233 : memref<1x128xi32, #tpu.memory_space<vmem>> -> memref<128xi32, #tpu.memory_space<vmem>>
        %dma_start3A_235 = arith.constant 0 : i32
        %dma_start3A_236 = arith.constant 0 : i32
        %dma_start3A_237 = tpu.memref_slice %arg13[%dma_start3A_235, %dma_start3A_236] : memref<10240x128xf32, #tpu.memory_space<vmem_shared>> -> memref<10240x128xf32, #tpu.memory_space<vmem_shared>>
        tpu.enqueue_indirect_dma source(%arg12 : memref<128x128xf32, #tpu.memory_space<vmem>>) target(%dma_start3A_237 : memref<10240x128xf32, #tpu.memory_space<vmem_shared>>) offsets(%dma_start3A_234 : memref<128xi32, #tpu.memory_space<vmem>>) semaphore(%arg19 : memref<!tpu.dma_semaphore, #tpu.memory_space<semaphore_mem>>) {add = true}
        %dma_wait3A_238 = arith.constant 3 : i32
        %dma_wait3A_239 = arith.constant 0 : i32
        %dma_wait3A_240 = tpu.memref_slice %arg10[%dma_wait3A_238, %dma_wait3A_239] : memref<4x128xi32, #tpu.memory_space<vmem>> -> memref<1x128xi32, #tpu.memory_space<vmem>>
        %dma_wait3A_241 = tpu.memref_squeeze %dma_wait3A_240 : memref<1x128xi32, #tpu.memory_space<vmem>> -> memref<128xi32, #tpu.memory_space<vmem>>
        %dma_wait3A_242 = arith.constant 0 : i32
        %dma_wait3A_243 = arith.constant 0 : i32
        %dma_wait3A_244 = tpu.memref_slice %arg13[%dma_wait3A_242, %dma_wait3A_243] : memref<10240x128xf32, #tpu.memory_space<vmem_shared>> -> memref<10240x128xf32, #tpu.memory_space<vmem_shared>>
        tpu.wait_indirect_dma semaphore(%arg19 : memref<!tpu.dma_semaphore, #tpu.memory_space<semaphore_mem>>) src(%arg12 : memref<128x128xf32, #tpu.memory_space<vmem>>) dst(%dma_wait3A_244 : memref<10240x128xf32, #tpu.memory_space<vmem_shared>>)
      }
      %scan3A_21 = arith.constant 4 : i32
    } else {
    }
    %barrier3A_10 = arith.constant 0 : index
    tpu.barrier barrier_id(%barrier3A_10)
    %mul3A_11 = arith.constant 10240 : i32
    %mul3A_12 = arith.muli %arg0, %mul3A_11 : i32
    %mul3A_13 = arith.constant 640 : i32
    %mul3A_14 = arith.muli %arg1, %mul3A_13 : i32
    %add3A_15 = arith.addi %mul3A_12, %mul3A_14 : i32
    %mul3A_16 = arith.constant 640 : i32
    %mul3A_17 = arith.muli %arg1, %mul3A_16 : i32
    "tpu.region"() ({
      %run_scoped3A = tpu.sem_alloc : memref<!tpu.dma_semaphore, #tpu.memory_space<semaphore_mem>>
      %dma_start3A = arith.constant 0 : i32
      %dma_start3A_18 = tpu.memref_slice %arg8[%add3A_15, %dma_start3A] : memref<20480x128xf32, #tpu.memory_space<hbm>> -> memref<640x128xf32, #tpu.memory_space<hbm>>
      %dma_start3A_19 = arith.constant 0 : i32
      %dma_start3A_20 = tpu.memref_slice %arg13[%mul3A_17, %dma_start3A_19] : memref<10240x128xf32, #tpu.memory_space<vmem_shared>> -> memref<640x128xf32, #tpu.memory_space<vmem_shared>>
      tpu.enqueue_dma source(%dma_start3A_20 : memref<640x128xf32, #tpu.memory_space<vmem_shared>>) target(%dma_start3A_18 : memref<640x128xf32, #tpu.memory_space<hbm>>) target_semaphore(%run_scoped3A : memref<!tpu.dma_semaphore, #tpu.memory_space<semaphore_mem>>)
      %dma_wait3A = arith.constant 0 : i32
      %dma_wait3A_21 = tpu.memref_slice %arg8[%add3A_15, %dma_wait3A] : memref<20480x128xf32, #tpu.memory_space<hbm>> -> memref<640x128xf32, #tpu.memory_space<hbm>>
      %dma_wait3A_22 = arith.constant 0 : i32
      %dma_wait3A_23 = tpu.memref_slice %arg13[%mul3A_17, %dma_wait3A_22] : memref<10240x128xf32, #tpu.memory_space<vmem_shared>> -> memref<640x128xf32, #tpu.memory_space<vmem_shared>>
      tpu.wait_dma2 semaphore(%run_scoped3A : memref<!tpu.dma_semaphore, #tpu.memory_space<semaphore_mem>>) src(%dma_wait3A_23 : memref<640x128xf32, #tpu.memory_space<vmem_shared>>) dst(%dma_wait3A_21 : memref<640x128xf32, #tpu.memory_space<hbm>>)
      tpu.yield
    }) : () -> ()
    return
  }
}

module attributes {stable_mosaic.version = 14 : i64} {
  func.func @_dense1_body(%arg0: i32, %arg1: memref<1000x128xf32, #tpu.memory_space<vmem>>, %arg2: memref<128x128xf32, #tpu.memory_space<vmem>>, %arg3: memref<128x128xf32, #tpu.memory_space<vmem>>, %arg4: memref<1x128xf32, #tpu.memory_space<vmem>>, %arg5: memref<1000x128xf32, #tpu.memory_space<vmem>>, %arg6: memref<1000x128xf32, #tpu.memory_space<vmem>>) attributes {dimension_semantics = [#tpu.dimension_semantics<arbitrary>], iteration_bounds = array<i64: 10>, scalar_prefetch = 0 : i64, scratch_operands = 0 : i64, tpu.core_type = #tpu.core_type<tc>, window_params = [{transform_indices = @transform_0, window_bounds = array<i64: 1000, 128>}, {pipeline_mode = #tpu.pipeline_mode<synchronous>, transform_indices = @transform_1, window_bounds = array<i64: 128, 128>}, {pipeline_mode = #tpu.pipeline_mode<synchronous>, transform_indices = @transform_2, window_bounds = array<i64: 128, 128>}, {pipeline_mode = #tpu.pipeline_mode<synchronous>, transform_indices = @transform_3, window_bounds = array<i64: 1, 128>}, {transform_indices = @transform_4, window_bounds = array<i64: 1000, 128>}, {transform_indices = @transform_5, window_bounds = array<i64: 1000, 128>}]} {
    %get3A = arith.constant 0 : index
    %get3A_0 = arith.constant 0 : index
    %get3A_1 = vector.load %arg1[%get3A, %get3A_0] : memref<1000x128xf32, #tpu.memory_space<vmem>>, vector<1000x128xf32>
    %get3A_2 = arith.constant 0 : index
    %get3A_3 = arith.constant 0 : index
    %get3A_4 = vector.load %arg2[%get3A_2, %get3A_3] : memref<128x128xf32, #tpu.memory_space<vmem>>, vector<128x128xf32>
    %dot_general3A = arith.constant dense<0.000000e+00> : vector<1000x128xf32>
    %dot_general3A_5 = tpu.matmul %get3A_1, %get3A_4, %dot_general3A {dimension_numbers = #tpu.dot_dimension_numbers<[1], [1], [0], [0], [0, 0, 1, 0], [], []>, transpose_lhs_hint = false} : vector<1000x128xf32>, vector<128x128xf32>, vector<1000x128xf32> -> vector<1000x128xf32>
    %swap3A = arith.constant 0 : index
    %swap3A_6 = arith.constant 0 : index
    %swap3A_7 = vector.load %arg5[%swap3A, %swap3A_6] : memref<1000x128xf32, #tpu.memory_space<vmem>>, vector<1000x128xf32>
    tpu.vector_store %arg5[%swap3A, %swap3A_6], %dot_general3A_5 {strides = array<i32>} : memref<1000x128xf32, #tpu.memory_space<vmem>>, vector<1000x128xf32>,
    %get3A_8 = arith.constant 0 : index
    %get3A_9 = arith.constant 0 : index
    %get3A_10 = vector.load %arg3[%get3A_8, %get3A_9] : memref<128x128xf32, #tpu.memory_space<vmem>>, vector<128x128xf32>
    %dot_general3A_11 = arith.constant dense<0.000000e+00> : vector<1000x128xf32>
    %dot_general3A_12 = tpu.matmul %get3A_1, %get3A_10, %dot_general3A_11 {dimension_numbers = #tpu.dot_dimension_numbers<[1], [1], [0], [0], [0, 0, 1, 0], [], []>, transpose_lhs_hint = false} : vector<1000x128xf32>, vector<128x128xf32>, vector<1000x128xf32> -> vector<1000x128xf32>
    %get3A_13 = arith.constant 0 : index
    %get3A_14 = arith.constant 0 : index
    %get3A_15 = vector.load %arg4[%get3A_13, %get3A_14] : memref<1x128xf32, #tpu.memory_space<vmem>>, vector<1x128xf32>
    %add3A = vector.broadcast %get3A_15 : vector<1x128xf32> to vector<1000x128xf32>
    %add3A_16 = arith.addf %dot_general3A_12, %add3A : vector<1000x128xf32>
    %swap3A_17 = arith.constant 0 : index
    %swap3A_18 = arith.constant 0 : index
    %swap3A_19 = vector.load %arg6[%swap3A_17, %swap3A_18] : memref<1000x128xf32, #tpu.memory_space<vmem>>, vector<1000x128xf32>
    tpu.vector_store %arg6[%swap3A_17, %swap3A_18], %add3A_16 {strides = array<i32>} : memref<1000x128xf32, #tpu.memory_space<vmem>>, vector<1000x128xf32>,
    return
  }
  func.func @transform_0(%arg0: i32) -> (i32, i32) {
    %c0_i32 = arith.constant 0 : i32
    %c0_i32_0 = arith.constant 0 : i32
    return %arg0, %c0_i32 : i32, i32
  }
  func.func @transform_1(%arg0: i32) -> (i32, i32) {
    %c0_i32 = arith.constant 0 : i32
    %c0_i32_0 = arith.constant 0 : i32
    %c0_i32_1 = arith.constant 0 : i32
    return %c0_i32, %c0_i32_0 : i32, i32
  }
  func.func @transform_2(%arg0: i32) -> (i32, i32) {
    %c0_i32 = arith.constant 0 : i32
    %c0_i32_0 = arith.constant 0 : i32
    %c0_i32_1 = arith.constant 0 : i32
    return %c0_i32, %c0_i32_0 : i32, i32
  }
  func.func @transform_3(%arg0: i32) -> (i32, i32) {
    %c0_i32 = arith.constant 0 : i32
    %c0_i32_0 = arith.constant 0 : i32
    %c0_i32_1 = arith.constant 0 : i32
    return %c0_i32, %c0_i32_0 : i32, i32
  }
  func.func @transform_4(%arg0: i32) -> (i32, i32) {
    %c0_i32 = arith.constant 0 : i32
    %c0_i32_0 = arith.constant 0 : i32
    return %arg0, %c0_i32 : i32, i32
  }
  func.func @transform_5(%arg0: i32) -> (i32, i32) {
    %c0_i32 = arith.constant 0 : i32
    %c0_i32_0 = arith.constant 0 : i32
    return %arg0, %c0_i32 : i32, i32
  }
}

module attributes {stable_mosaic.version = 14 : i64} {
  func.func @_mid_body(%arg0: i32, %arg1: memref<1000x128xf32, #tpu.memory_space<vmem>>, %arg2: memref<1000x128xf32, #tpu.memory_space<vmem>>, %arg3: memref<1000x32xf32, #tpu.memory_space<vmem>>, %arg4: memref<1000x128xf32, #tpu.memory_space<vmem>>, %arg5: memref<128x128xf32, #tpu.memory_space<vmem>>, %arg6: memref<128x128xf32, #tpu.memory_space<vmem>>, %arg7: memref<1x128xf32, #tpu.memory_space<vmem>>, %arg8: memref<1000x128xf32, #tpu.memory_space<vmem>>, %arg9: memref<1000x128xf32, #tpu.memory_space<vmem>>) attributes {dimension_semantics = [#tpu.dimension_semantics<arbitrary>], iteration_bounds = array<i64: 10>, scalar_prefetch = 0 : i64, scratch_operands = 0 : i64, tpu.core_type = #tpu.core_type<tc>, window_params = [{transform_indices = @transform_0, window_bounds = array<i64: 1000, 128>}, {transform_indices = @transform_1, window_bounds = array<i64: 1000, 128>}, {transform_indices = @transform_2, window_bounds = array<i64: 1000, 32>}, {transform_indices = @transform_3, window_bounds = array<i64: 1000, 128>}, {pipeline_mode = #tpu.pipeline_mode<synchronous>, transform_indices = @transform_4, window_bounds = array<i64: 128, 128>}, {pipeline_mode = #tpu.pipeline_mode<synchronous>, transform_indices = @transform_5, window_bounds = array<i64: 128, 128>}, {pipeline_mode = #tpu.pipeline_mode<synchronous>, transform_indices = @transform_6, window_bounds = array<i64: 1, 128>}, {transform_indices = @transform_7, window_bounds = array<i64: 1000, 128>}, {transform_indices = @transform_8, window_bounds = array<i64: 1000, 128>}]} {
    %get3A = arith.constant 0 : index
    %get3A_0 = arith.constant 0 : index
    %get3A_1 = vector.load %arg3[%get3A, %get3A_0] : memref<1000x32xf32, #tpu.memory_space<vmem>>, vector<1000x32xf32>
    %reduce_sum3A = arith.constant dense<0.000000e+00> : vector<1000xf32>
    %reduce_sum3A_2 = vector.multi_reduction <add>, %get3A_1, %reduce_sum3A [1] : vector<1000x32xf32> to vector<1000xf32>
    %broadcast_in_dim3A = vector.shape_cast %reduce_sum3A_2 : vector<1000xf32> to vector<1000x1xf32>
    %max3A = arith.constant 1.000000e+00 : f32
    %max3A_3 = vector.broadcast %max3A : f32 to vector<1000x1xf32>
    %max3A_4 = arith.maximumf %broadcast_in_dim3A, %max3A_3 : vector<1000x1xf32>
    %div3A = arith.constant 1.000000e+00 : f32
    %div3A_5 = vector.broadcast %div3A : f32 to vector<1000x1xf32>
    %div3A_6 = arith.divf %div3A_5, %max3A_4 : vector<1000x1xf32>
    %get3A_7 = arith.constant 0 : index
    %get3A_8 = arith.constant 0 : index
    %get3A_9 = vector.load %arg1[%get3A_7, %get3A_8] : memref<1000x128xf32, #tpu.memory_space<vmem>>, vector<1000x128xf32>
    %get3A_10 = arith.constant 0 : index
    %get3A_11 = arith.constant 0 : index
    %get3A_12 = vector.load %arg2[%get3A_10, %get3A_11] : memref<1000x128xf32, #tpu.memory_space<vmem>>, vector<1000x128xf32>
    %add3A = arith.addf %get3A_9, %get3A_12 : vector<1000x128xf32>
    %mul3A = vector.broadcast %div3A_6 : vector<1000x1xf32> to vector<1000x128xf32>
    %mul3A_13 = arith.mulf %add3A, %mul3A : vector<1000x128xf32>
    %get3A_14 = arith.constant 0 : index
    %get3A_15 = arith.constant 0 : index
    %get3A_16 = vector.load %arg4[%get3A_14, %get3A_15] : memref<1000x128xf32, #tpu.memory_space<vmem>>, vector<1000x128xf32>
    %add3A_17 = arith.addf %mul3A_13, %get3A_16 : vector<1000x128xf32>
    %max3A_18 = arith.constant 0.000000e+00 : f32
    %max3A_19 = vector.broadcast %max3A_18 : f32 to vector<1000x128xf32>
    %max3A_20 = arith.maximumf %add3A_17, %max3A_19 : vector<1000x128xf32>
    %get3A_21 = arith.constant 0 : index
    %get3A_22 = arith.constant 0 : index
    %get3A_23 = vector.load %arg5[%get3A_21, %get3A_22] : memref<128x128xf32, #tpu.memory_space<vmem>>, vector<128x128xf32>
    %dot_general3A = arith.constant dense<0.000000e+00> : vector<1000x128xf32>
    %dot_general3A_24 = tpu.matmul %max3A_20, %get3A_23, %dot_general3A {dimension_numbers = #tpu.dot_dimension_numbers<[1], [1], [0], [0], [0, 0, 1, 0], [], []>, transpose_lhs_hint = false} : vector<1000x128xf32>, vector<128x128xf32>, vector<1000x128xf32> -> vector<1000x128xf32>
    %swap3A = arith.constant 0 : index
    %swap3A_25 = arith.constant 0 : index
    %swap3A_26 = vector.load %arg8[%swap3A, %swap3A_25] : memref<1000x128xf32, #tpu.memory_space<vmem>>, vector<1000x128xf32>
    tpu.vector_store %arg8[%swap3A, %swap3A_25], %dot_general3A_24 {strides = array<i32>} : memref<1000x128xf32, #tpu.memory_space<vmem>>, vector<1000x128xf32>,
    %get3A_27 = arith.constant 0 : index
    %get3A_28 = arith.constant 0 : index
    %get3A_29 = vector.load %arg6[%get3A_27, %get3A_28] : memref<128x128xf32, #tpu.memory_space<vmem>>, vector<128x128xf32>
    %dot_general3A_30 = arith.constant dense<0.000000e+00> : vector<1000x128xf32>
    %dot_general3A_31 = tpu.matmul %max3A_20, %get3A_29, %dot_general3A_30 {dimension_numbers = #tpu.dot_dimension_numbers<[1], [1], [0], [0], [0, 0, 1, 0], [], []>, transpose_lhs_hint = false} : vector<1000x128xf32>, vector<128x128xf32>, vector<1000x128xf32> -> vector<1000x128xf32>
    %get3A_32 = arith.constant 0 : index
    %get3A_33 = arith.constant 0 : index
    %get3A_34 = vector.load %arg7[%get3A_32, %get3A_33] : memref<1x128xf32, #tpu.memory_space<vmem>>, vector<1x128xf32>
    %add3A_35 = vector.broadcast %get3A_34 : vector<1x128xf32> to vector<1000x128xf32>
    %add3A_36 = arith.addf %dot_general3A_31, %add3A_35 : vector<1000x128xf32>
    %swap3A_37 = arith.constant 0 : index
    %swap3A_38 = arith.constant 0 : index
    %swap3A_39 = vector.load %arg9[%swap3A_37, %swap3A_38] : memref<1000x128xf32, #tpu.memory_space<vmem>>, vector<1000x128xf32>
    tpu.vector_store %arg9[%swap3A_37, %swap3A_38], %add3A_36 {strides = array<i32>} : memref<1000x128xf32, #tpu.memory_space<vmem>>, vector<1000x128xf32>,
    return
  }
  func.func @transform_0(%arg0: i32) -> (i32, i32) {
    %c0_i32 = arith.constant 0 : i32
    %c0_i32_0 = arith.constant 0 : i32
    return %arg0, %c0_i32 : i32, i32
  }
  func.func @transform_1(%arg0: i32) -> (i32, i32) {
    %c0_i32 = arith.constant 0 : i32
    %c0_i32_0 = arith.constant 0 : i32
    return %arg0, %c0_i32 : i32, i32
  }
  func.func @transform_2(%arg0: i32) -> (i32, i32) {
    %c0_i32 = arith.constant 0 : i32
    %c0_i32_0 = arith.constant 0 : i32
    return %arg0, %c0_i32 : i32, i32
  }
  func.func @transform_3(%arg0: i32) -> (i32, i32) {
    %c0_i32 = arith.constant 0 : i32
    %c0_i32_0 = arith.constant 0 : i32
    return %arg0, %c0_i32 : i32, i32
  }
  func.func @transform_4(%arg0: i32) -> (i32, i32) {
    %c0_i32 = arith.constant 0 : i32
    %c0_i32_0 = arith.constant 0 : i32
    %c0_i32_1 = arith.constant 0 : i32
    return %c0_i32, %c0_i32_0 : i32, i32
  }
  func.func @transform_5(%arg0: i32) -> (i32, i32) {
    %c0_i32 = arith.constant 0 : i32
    %c0_i32_0 = arith.constant 0 : i32
    %c0_i32_1 = arith.constant 0 : i32
    return %c0_i32, %c0_i32_0 : i32, i32
  }
  func.func @transform_6(%arg0: i32) -> (i32, i32) {
    %c0_i32 = arith.constant 0 : i32
    %c0_i32_0 = arith.constant 0 : i32
    %c0_i32_1 = arith.constant 0 : i32
    return %c0_i32, %c0_i32_0 : i32, i32
  }
  func.func @transform_7(%arg0: i32) -> (i32, i32) {
    %c0_i32 = arith.constant 0 : i32
    %c0_i32_0 = arith.constant 0 : i32
    return %arg0, %c0_i32 : i32, i32
  }
  func.func @transform_8(%arg0: i32) -> (i32, i32) {
    %c0_i32 = arith.constant 0 : i32
    %c0_i32_0 = arith.constant 0 : i32
    return %arg0, %c0_i32 : i32, i32
  }
}

module attributes {stable_mosaic.version = 14 : i64} {
  func.func @_final_body(%arg0: i32, %arg1: memref<1000x128xf32, #tpu.memory_space<vmem>>, %arg2: memref<1000x128xf32, #tpu.memory_space<vmem>>, %arg3: memref<1000x32xf32, #tpu.memory_space<vmem>>, %arg4: memref<1000x128xf32, #tpu.memory_space<vmem>>, %arg5: memref<1000x128xf32, #tpu.memory_space<vmem>>) attributes {dimension_semantics = [#tpu.dimension_semantics<arbitrary>], iteration_bounds = array<i64: 10>, scalar_prefetch = 0 : i64, scratch_operands = 0 : i64, tpu.core_type = #tpu.core_type<tc>, window_params = [{transform_indices = @transform_0, window_bounds = array<i64: 1000, 128>}, {transform_indices = @transform_1, window_bounds = array<i64: 1000, 128>}, {transform_indices = @transform_2, window_bounds = array<i64: 1000, 32>}, {transform_indices = @transform_3, window_bounds = array<i64: 1000, 128>}, {transform_indices = @transform_4, window_bounds = array<i64: 1000, 128>}]} {
    %get3A = arith.constant 0 : index
    %get3A_0 = arith.constant 0 : index
    %get3A_1 = vector.load %arg3[%get3A, %get3A_0] : memref<1000x32xf32, #tpu.memory_space<vmem>>, vector<1000x32xf32>
    %reduce_sum3A = arith.constant dense<0.000000e+00> : vector<1000xf32>
    %reduce_sum3A_2 = vector.multi_reduction <add>, %get3A_1, %reduce_sum3A [1] : vector<1000x32xf32> to vector<1000xf32>
    %broadcast_in_dim3A = vector.shape_cast %reduce_sum3A_2 : vector<1000xf32> to vector<1000x1xf32>
    %max3A = arith.constant 1.000000e+00 : f32
    %max3A_3 = vector.broadcast %max3A : f32 to vector<1000x1xf32>
    %max3A_4 = arith.maximumf %broadcast_in_dim3A, %max3A_3 : vector<1000x1xf32>
    %div3A = arith.constant 1.000000e+00 : f32
    %div3A_5 = vector.broadcast %div3A : f32 to vector<1000x1xf32>
    %div3A_6 = arith.divf %div3A_5, %max3A_4 : vector<1000x1xf32>
    %get3A_7 = arith.constant 0 : index
    %get3A_8 = arith.constant 0 : index
    %get3A_9 = vector.load %arg1[%get3A_7, %get3A_8] : memref<1000x128xf32, #tpu.memory_space<vmem>>, vector<1000x128xf32>
    %get3A_10 = arith.constant 0 : index
    %get3A_11 = arith.constant 0 : index
    %get3A_12 = vector.load %arg2[%get3A_10, %get3A_11] : memref<1000x128xf32, #tpu.memory_space<vmem>>, vector<1000x128xf32>
    %add3A = arith.addf %get3A_9, %get3A_12 : vector<1000x128xf32>
    %mul3A = vector.broadcast %div3A_6 : vector<1000x1xf32> to vector<1000x128xf32>
    %mul3A_13 = arith.mulf %add3A, %mul3A : vector<1000x128xf32>
    %get3A_14 = arith.constant 0 : index
    %get3A_15 = arith.constant 0 : index
    %get3A_16 = vector.load %arg4[%get3A_14, %get3A_15] : memref<1000x128xf32, #tpu.memory_space<vmem>>, vector<1000x128xf32>
    %add3A_17 = arith.addf %mul3A_13, %get3A_16 : vector<1000x128xf32>
    %swap3A = arith.constant 0 : index
    %swap3A_18 = arith.constant 0 : index
    %swap3A_19 = vector.load %arg5[%swap3A, %swap3A_18] : memref<1000x128xf32, #tpu.memory_space<vmem>>, vector<1000x128xf32>
    tpu.vector_store %arg5[%swap3A, %swap3A_18], %add3A_17 {strides = array<i32>} : memref<1000x128xf32, #tpu.memory_space<vmem>>, vector<1000x128xf32>,
    return
  }
  func.func @transform_0(%arg0: i32) -> (i32, i32) {
    %c0_i32 = arith.constant 0 : i32
    %c0_i32_0 = arith.constant 0 : i32
    return %arg0, %c0_i32 : i32, i32
  }
  func.func @transform_1(%arg0: i32) -> (i32, i32) {
    %c0_i32 = arith.constant 0 : i32
    %c0_i32_0 = arith.constant 0 : i32
    return %arg0, %c0_i32 : i32, i32
  }
  func.func @transform_2(%arg0: i32) -> (i32, i32) {
    %c0_i32 = arith.constant 0 : i32
    %c0_i32_0 = arith.constant 0 : i32
    return %arg0, %c0_i32 : i32, i32
  }
  func.func @transform_3(%arg0: i32) -> (i32, i32) {
    %c0_i32 = arith.constant 0 : i32
    %c0_i32_0 = arith.constant 0 : i32
    return %arg0, %c0_i32 : i32, i32
  }
  func.func @transform_4(%arg0: i32) -> (i32, i32) {
    %c0_i32 = arith.constant 0 : i32
    %c0_i32_0 = arith.constant 0 : i32
    return %arg0, %c0_i32 : i32, i32
  }
}

</mosaic_0001>

<sc_bundles>
// kernel: kernel.10.cloned.1.call-start
scs
__scs_entry_jumppad:
0x0: {  	(pc) =	sbr.rel $0x88, $3  }
0x1: {  	(tag) =	ssettag $0x0;
	lr =	simm.s32 $0x1  }
0x2: {  	[smem:$0x3F99] =	sst lr;
	_ =	strace $0xD0000000  }
0x3: {  	_ = 	snop  }
0x4: {  	_ = 	snop  }
0x5: {  	_ = 	snop  }
0x6: {  	_ = 	snop  }
0x7: {  	_ = 	snop  }
__scs_overlays_trampoline_lowered:
0x8: {  	[smem:$0x3FA8] =	sst s0  }
0x9: {  	[smem:$0x3FA9] =	sst s1  }
0xa: {  	[smem:$0x3FAA] =	sst s2  }
0xb: {  	[smem:$0x3FAB] =	sst s3  }
0xc: {  	[smem:$0x3FAC] =	sst s4  }
0xd: {  	[smem:$0x3FAD] =	sst s5  }
0xe: {  	[smem:$0x3FAE] =	sst s6  }
0xf: {  	[smem:$0x3FAF] =	sst s7  }
0x10: {  	[smem:$0x3FB0] =	sst s8  }
0x11: {  	[smem:$0x3FB1] =	sst s9;
	s0 =	simm.s32 @!p0 $0x0  }
0x12: {  	s1 =	sld [smem:$0x3F97];
	s0 =	simm.s32 @p0 $0x1  }
0x13: {  	[smem:$0x3FB2] =	sst s0;
	s0 =	simm.s32 @!p1 $0x0  }
0x14: {  	s2 =	sld [smem:$0x3F96];
	s0 =	simm.s32 @p1 $0x1  }
0x15: {  	[smem:$0x3FB3] =	sst s0;
	s0 =	simm.s32 @!p2 $0x0  }
0x16: {  	s3 =	sld [smem:$0x3FDB];
	s0 =	simm.s32 @p2 $0x1  }
0x17: {  	s4 =	simm.s32 $0x1BF5;
	[smem:$0x3FB5] =	sst s0  }
0x18: {  	s0 =	sld [smem:$0x3F98];
	_ =	swait.ge [sflag:s4], $0x0  }
0x19: {  	s7 =	sld [smem:$0x3F99]  }
0x1a: {  	s8 =	sadd.s32 $0xFFFFE003, lr  }
0x1b: {  	s9 =	sadd.s32 $0xFFFFFEF7, lr;
	s5 =	simm.s32 $0xFFFFFFFF;
	p2 =	slt.u32 s8, $0xFFFFF086  }
0x1c: {  	p1 =	slt.u32 s9, $0xF7A;
	s5 =	simm.s32 @!p2 $0x0  }
0x1d: {  	s5 =	simm.s32 @p1 $0x1;
	p0 =	seq.s32 s7, s2  }
0x1e: {  	s7 =	smul.u32 @!p0 $0xF7A, s2;
	p2 =	seq.s32 @!p0 s5, $0x0  }
0x1f: {  	s9 =	smul.u32 $0xF7A, s1;
	s8 =	simm.s32 @!p0 $0x1BF5;
	p2 =	por !p2, p0  }
0x20: {  	[sflag:s8] =	ssyncset.s32 @!p0 $0xFFFFF086;
	s6 =	sadd.s32 @!p0 s3, s7;
	s7 =	simm.s32 @!p0 $0x108  }
0x21: {  	s3 =	sadd.s32 s3, s9;
	s6 =	sadd.s32 @!p0 $0x88, s6;
	s7 =	simm.s32 @p2 $0x1082  }
0x22: {  	[simem:s7], [sflag:s8] =	dma.local @!p0 [hbm:s6], $0xF7A  }
0x23: {  	s9 =	sor.u32 $0xD0000000, s2;
	s6 =	simm.s32 $0x108;
	_ =	swait.ge @!p0 [sflag:s8], $0x0  }
0x24: {  	s3 =	sadd.s32 $0x88, s3;
	s6 =	simm.s32 @!p1 $0x1082;
	[sflag:s4] =	ssyncset.s32 $0xFFFFF086  }
0x25: {  	[simem:s6], [sflag:s4] =	dma.local [hbm:s3], $0xF7A  }
0x26: {  	[smem:$0x3F99] =	sst s1;
	(tag) =	ssettag s2;
	_ =	strace s9  }
0x27: {  	s1 =	sld [smem:$0x3FA9]  }
0x28: {  	s2 =	sld [smem:$0x3FAA]  }
0x29: {  	s4 =	sld [smem:$0x3FAC]  }
0x2a: {  	p0 =	seq.s32 s5, $0x0;
	s5 =	sld [smem:$0x3FAD]  }
0x2b: {  	s6 =	sld [smem:$0x3FAE]  }
0x2c: {  	s7 =	sld [smem:$0x3FAF]  }
0x2d: {  	s3 =	simm.s32 $0x108;
	s8 =	sld [smem:$0x3FB0]  }
0x2e: {  	s3 =	simm.s32 @!p0 $0x1082;
	s9 =	sld [smem:$0x3FB1]  }
0x2f: {  	lr =	sadd.s32 s0, s3;
	s0 =	sld [smem:$0x3FA8]  }
0x30: {  	s3 =	sld [smem:$0x3FAB]  }
0x31: {  	[smem:$0x3FB4] =	sst s10  }
0x32: {  	s10 =	sld [smem:$0x3FB2];
	_ =	sdelay $0x3  }
0x33: {  	p0 =	seq.s32 s10, $0x1;
	s10 =	sld [smem:$0x3FB4];
	_ =	sdelay $0x3  }
0x34: {  	[smem:$0x3FB4] =	sst s10  }
0x35: {  	s10 =	sld [smem:$0x3FB3];
	_ =	sdelay $0x3  }
0x36: {  	p1 =	seq.s32 s10, $0x1;
	s10 =	sld [smem:$0x3FB4];
	_ =	sdelay $0x3  }
0x37: {  	[smem:$0x3FB4] =	sst s10  }
0x38: {  	s10 =	sld [smem:$0x3FB5]  }
0x39: {  	_ = 	snop;
	(pc) =	sbr.ind lr, $3  }
0x3a: {  	_ = 	snop  }
0x3b: {  	_ = 	snop  }
0x3c: {  	p2 =	seq.s32 s10, $0x1;
	s10 =	sld [smem:$0x3FB4]  }
0x3d: {  	_ =	shalt  }
0x3e: {  	_ =	shalt  }
0x3f: {  	_ =	shalt  }
0x40: {  	_ =	shalt  }
0x41: {  	_ =	shalt  }
0x42: {  	_ =	shalt  }
0x43: {  	_ =	shalt  }
0x44: {  	_ =	shalt  }
0x45: {  	_ =	shalt  }
0x46: {  	_ =	shalt  }
0x47: {  	_ =	shalt  }
0x48: {  	_ =	shalt  }
0x49: {  	_ =	shalt  }
0x4a: {  	_ =	shalt  }
0x4b: {  	_ =	shalt  }
0x4c: {  	_ =	shalt  }
0x4d: {  	_ =	shalt  }
0x4e: {  	_ =	shalt  }
0x4f: {  	_ =	shalt  }
0x50: {  	_ =	shalt  }
0x51: {  	_ =	shalt  }
0x52: {  	_ =	shalt  }
0x53: {  	_ =	shalt  }
0x54: {  	_ =	shalt  }
0x55: {  	_ =	shalt  }
0x56: {  	_ =	shalt  }
0x57: {  	_ =	shalt  }
0x58: {  	_ =	shalt  }
0x59: {  	_ =	shalt  }
0x5a: {  	_ =	shalt  }
0x5b: {  	_ =	shalt  }
0x5c: {  	_ =	shalt  }
0x5d: {  	_ =	shalt  }
0x5e: {  	_ =	shalt  }
0x5f: {  	_ =	shalt  }
0x60: {  	_ =	shalt  }
0x61: {  	_ =	shalt  }
0x62: {  	_ =	shalt  }
0x63: {  	_ =	shalt  }
0x64: {  	_ =	shalt  }
0x65: {  	_ =	shalt  }
0x66: {  	_ =	shalt  }
0x67: {  	_ =	shalt  }
0x68: {  	_ =	shalt  }
0x69: {  	_ =	shalt  }
0x6a: {  	_ =	shalt  }
0x6b: {  	_ =	shalt  }
0x6c: {  	_ =	shalt  }
0x6d: {  	_ =	shalt  }
0x6e: {  	_ =	shalt  }
0x6f: {  	_ =	shalt  }
0x70: {  	_ =	shalt  }
0x71: {  	_ =	shalt  }
0x72: {  	_ =	shalt  }
0x73: {  	_ =	shalt  }
0x74: {  	_ =	shalt  }
0x75: {  	_ =	shalt  }
0x76: {  	_ =	shalt  }
0x77: {  	_ =	shalt  }
0x78: {  	_ =	shalt  }
0x79: {  	_ =	shalt  }
0x7a: {  	_ =	shalt  }
0x7b: {  	_ =	shalt  }
0x7c: {  	_ =	shalt  }
0x7d: {  	_ =	shalt  }
0x7e: {  	_ =	shalt  }
0x7f: {  	_ =	shalt  }
0x80: {  	_ =	shalt  }
0x81: {  	_ =	shalt  }
0x82: {  	_ =	shalt  }
0x83: {  	_ =	shalt  }
0x84: {  	_ =	shalt  }
0x85: {  	_ =	shalt  }
0x86: {  	_ =	shalt  }
0x87: {  	_ =	shalt  }
.Lfunc_end0:
.L_simem_size_0:
called_computation.1_lowered:
.L_overlay_start_0:
0x88: {  	s2 =	sld [smem:$0x3FD9]  }
0x89: {  	s3 =	sld [smem:$0x3FFE];
	_ =	sdelay $0x1  }
0x8a: {  	s1 =	srdreg.scid  }
0x8b: {  	s0 =	sand.u32 $0x1, s1  }
0x8c: {  	s16 =	sshll.u32 s0, $0xA;
	s2 =	sadd.s32 s3, s2  }
0x8d: {  	s2 =	sadd.s32 s2, s16  }
0x8e: {  	[smem:$0x3FC0] =	sst s2  }
0x8f: {  	_ = 	snop  }
0x90: {  	(tm) =	ssettm $0x1  }
0x91: {  	s17 =	sld [smem:$0x3FFB];
	_ =	sdelay $0x3  }
0x92: {  	_ =	strace s17  }
0x93: {  	s2 =	sld [smem:$0x3FFC];
	_ =	sdelay $0x3  }
0x94: {  	_ =	strace s2  }
0x95: {  	s2 =	sld [smem:$0x3FFD];
	_ =	sdelay $0x3  }
0x96: {  	_ =	strace s2  }
0x97: {  	_ =	strace $0x8FFFFFFF  }
0x98: {  	s18 =	sld [smem:$0x3FDB];
	_ =	sdelay $0x1  }
0x99: {  	s19 =	simm.s32 $_scs_section_size  }
0x9a: {  	s4 =	simm.s32 $_size__tile_overlayer_lowered;
	s5 =	simm.s32 $_tile_overlayer_lowered  }
0x9b: {  	s22 =	simm.s32 $0x1BFF;
	s21 =	sshll.u32 s5, $0x1;
	s2 =	sadd.s32 s19, s18  }
0x9c: {  	s6 =	simm.s32 $0x0;
	s20 =	sshll.u32 s4, $0x1;
	s4 =	sadd.s32 s21, s2  }
0x9d: {  	[timem:s6], [sflag:s22] =	dma.local [hbm:s4], s20  }
0x9e: {  	_ =	swait.ge [sflag:s22], s20  }
0x9f: {  	s3 =	ssub.s32 $0x0, s20;
	[sflag:s22] =	ssyncset.done $0x0  }
0xa0: {  	[sflag:s22] =	ssyncadd.s32 s3;
	_ =	sdelay $0x1  }
0xa1: {  	s23 =	simm.s32 $0x1B8B  }
0xa2: {  	_ =	swait.ge [sflag:s23], $0x1  }
0xa3: {  	[sflag:s23] =	ssyncset.done $0x0  }
0xa4: {  	s25 =	simm.s32 $0x1B8E;
	s24 =	sld [smem:$0x3FFE];
	[sflag:s23] =	ssyncadd.s32 $0xFFFFFFFF  }
0xa5: {  	s26 =	simm.s32 $execute0_lowered;
	[smem:$0x3FD2] =	sst s25  }
0xa6: {  	s4 =	sshll.u32 s26, $0x1;
	_ =	strace $0x80000049;
	[dreg:$0x1] =	wrdreg $0xFFFFFFFF  }
0xa7: {  	s28 =	simm.s32 $_size_execute0_lowered;
	s2 =	sadd.s32 s2, s4;
	[dreg:$0x0] =	wrdreg $0x0  }
0xa8: {  	s4 =	sshll.u32 s28, $0x1;
	[dreg:$0x2] =	wrdreg s2  }
0xa9: {  	[dreg:$0x3] =	wrdreg s4  }
0xaa: {  	[dreg:$0x4] =	wrdreg $0xC0  }
0xab: {  	_ =	task [dreg:s6], $0x5FFFF  }
0xac: {  	[dreg:$0x1] =	wrdreg $0xFFFFFFFF  }
0xad: {  	[dreg:$0x0] =	wrdreg $0x60  }
0xae: {  	[dreg:$0x2] =	wrdreg s24  }
0xaf: {  	[dreg:$0x3] =	wrdreg $0x84000  }
0xb0: {  	[dreg:$0x4] =	wrdreg $0x9  }
0xb1: {  	_ =	task.clear_ibuf [dreg:s6], $0x5FFFF;
	_ =	strace $0x90000049  }
0xb2: {  	s29 =	simm.s32 $0x9;
	_ =	strace $0x8000004B  }
0xb3: {  	_ =	swait.ge [sflag:s29], $0x1  }
0xb4: {  	[sflag:s29] =	ssyncadd.s32 $0xFFFFFFFF  }
0xb5: {  	_ =	strace $0x9000004B  }
0xb6: {  	_ =	sfence  }
0xb7: {  	s30 =	sld [smem:$0x0];
	_ =	sdelay $0x2  }
0xb8: {  	s31 =	sshll.u32 s1, $0xD;
	s1 =	sshrl.u32 s1, $0x2  }
0xb9: {  	s3 =	sand.u32 $0x4000, s31;
	s1 =	sadd.s32 s1, s30  }
0xba: {  	s0 =	sor.u32 s3, s0;
	s1 =	sshll.u32 s1, $0x11  }
0xbb: {  	s0 =	sor.u32 s1, s0  }
0xbc: {  	s0 =	sadd.s32 $0x8F2B, s0  }
0xbd: {  	[sflag:s0] =	ssyncadd.remote.s32 $0x1  }
0xbe: {  	_ =	sfence.sel $0xFFFF  }
0xbf: {  	[dreg:$0x0] =	wrdreg $0xFFFFFFFF;
	(pc) =	sbr.abs _section_cstart, $3  }
0xc0: {  	[dreg:$0x1] =	wrdreg $0xFFFFFFFF  }
0xc1: {  	_ =	task.clear_ibuf [dreg:s6], $0x2FFFF;
	_ =	strace $0x9FFFFFFF  }
0xc2: {  	(tm) =	ssettm $0x7FFFFFFF  }
0xc3: {  	_ =	shalt  }
tec
execute0_lowered:
.L_overlay_start_1:
0x0: {  	(tag) =	ssettag $0x1  }
0x1: {  	s0 =	rddreg [dreg:$0x0]  }
0x2: {  	s1 =	rddreg [dreg:$0x1];
	s2 =	simm.s32 $0x0;
	s10 =	stileid.u32  }
0x3: {  	s5 =	srdreg.scid;
	s11 =	simm.s32 $0x7;
	s12 =	simm.s32 $0x200  }
0x4: {  	s13 =	simm.s32 $0x40;
	s14 =	simm.s32 $0x400;
	s15 =	simm.s32 $0x2400  }
0x5: {  	s28 =	simm.s32 $0x280;
	s29 =	simm.s32 $0x6;
	s30 =	simm.s32 $0x180  }
0x6: {  	s31 =	simm.s32 $0x1C0;
	[smem:$0x7FF] =	sst s2;
	s4 =	sadd.s32 $0x17400, s0  }
0x7: {  	s3 =	sadd.s32 $0xC400, s0;
	s16 =	sand.u32 $0x1, s5;
	s17 =	smul.u32 $0x2800, s10  }
0x8: {  	s6 =	sadd.s32 $0x3400, s0;
	s7 =	sshll.u32 s10, $0x8;
	s19 =	sadd.s32 $0x3E600, s0  }
0x9: {  	s21 =	smul.u32 $0x50000, s10;
	_ =	strace $0x8000004A;
	[dreg:$0x4] =	wrdreg s3  }
0xa: {  	s9 =	smul.u32 $0x4800, s10;
	s24 =	sshll.u32 s10, $0x6;
	[dreg:$0x5] =	wrdreg s6  }
0xb: {  	s8 =	smul.u32 $0x28000, s16;
	s18 =	sadd.s32 s7, s0;
	[dreg:$0x7] =	wrdreg s19  }
0xc: {  	s20 =	ssub.s32 $0x2, s16;
	s10 =	sor.u32 $0x1C07, s24;
	p0 =	sne.s32 s16, $0x0  }
0xd: {  	s16 =	simm.s32 $0x80;
	s19 =	simm.s32 $0x6400;
	s24 =	simm.s32 $0x140  }
0xe: {  	s3 =	simm.s32 $0x380;
	s22 =	sshrl.u32 s20, $0x1;
	s23 =	sshrl.u32 s21, $0x2  }
0xf: {  	[dreg:$0x6] =	wrdreg s9;
	s26 =	sadd.s32 $0x15400, s18;
	s9 =	simm.s32 $0xC0  }
0x10: {  	s21 =	simm.s32 $0x2;
	[dreg:$0x8] =	wrdreg s10;
	s5 =	sadd.s32 s17, s8  }
0x11: {  	s7 =	sadd.s32 s23, s1;
	[dreg:$0x3] =	wrdreg s26;
	s8 =	sadd.s32 $0x16400, s18  }
0x12: {  	s17 =	simm.s32 $0x4400;
	s23 =	simm.s32 $0x100;
	s26 =	simm.s32 $0x4  }
.Ltmp0:
0x13: {  	s0 =	sadd.s32 s5, s0;
	s5 =	ssub.s32 s20, s22;
	(pc) =	sbr.rel .LBB2_1-.Ltmp0, $4  }
0x14: {  	s6 =	sshrl.u32 s7, $0x3;
	s20 =	simm.s32 $0x1;
	s22 =	simm.s32 $0x5  }
0x15: {  	s7 =	simm.s32 $0x0;
	s0 =	sadd.s32 $0x40E00, s0;
	[dreg:$0xb] =	wrdreg s6  }
0x16: {  	s18 =	smov.u32 s8;
	s25 =	smax.u32 s5, $0x1;
	[dreg:$0x9] =	wrdreg s0  }
0x17: {  	[dreg:$0xa] =	wrdreg s25;
	s25 =	simm.s32 $0x3;
	s0 =	simm.s32 $0x300  }
.LBB2_7:
0x18: {  	s5 =	sadd.s32 s7, s8;
	[sflag:s29] =	ssyncadd.s32 $0xFFFFC000  }
0x19: {  	[tilespmem:s2], [sflag:$0x7] =	stream.linear.gather [hbm4b:s5+s2], $0x200, $0x38;
	[tilespmem:$0x1C400] =	vst v63  }
0x1a: {  	_ =	swait.ge [sflag:s11], $0x200  }
0x1b: {  	s6 =	rddreg [dreg:$0x3];
	[sflag:s11] =	ssyncset.done $0x0  }
0x1c: {  	s5 =	sadd.s32 s7, s6;
	[sflag:s11] =	ssyncadd.s32 $0xFFFFFE00  }
0x1d: {  	[tilespmem:s12], [sflag:$0x7] =	stream.linear.gather [hbm4b:s5+s2], $0x200, $0x38;
	[tilespmem:$0x1C400] =	vst v63  }
0x1e: {  	_ =	swait.ge [sflag:s11], $0x200  }
0x1f: {  	[sflag:s11] =	ssyncset.done $0x0  }
0x20: {  	[sflag:s11] =	ssyncadd.s32 $0xFFFFFE00  }
0x21: {  	[tilespmem:s14], [sflag:$0x1] =	stream.indirect.gather [hbm4b:s4+s13], $0x80, s2, s13, $0xb8;
	[tilespmem:$0x1C400] =	vst v63  }
0x22: {  	_ = 	snop  }
0x23: {  	[tilespmem:s15], [sflag:$0x2] =	stream.indirect.gather [hbm4b:s4+s13], $0x80, s13, s13, $0xb8;
	[tilespmem:$0x1C400] =	vst v63  }
0x24: {  	_ = 	snop  }
0x25: {  	[tilespmem:s17], [sflag:$0x3] =	stream.indirect.gather [hbm4b:s4+s13], $0x80, s16, s13, $0xb8;
	[tilespmem:$0x1C400] =	vst v63  }
0x26: {  	_ = 	snop  }
0x27: {  	[tilespmem:s19], [sflag:$0x4] =	stream.indirect.gather [hbm4b:s4+s13], $0x80, s9, s13, $0xb8;
	[tilespmem:$0x1C400] =	vst v63  }
0x28: {  	_ =	swait.ge [sflag:s20], $0x2000  }
0x29: {  	[sflag:s20] =	ssyncset.done $0x0  }
0x2a: {  	[sflag:s20] =	ssyncadd.s32 $0xFFFFE000  }
0x2b: {  	_ =	swait.ge [sflag:s21], $0x2000  }
0x2c: {  	[sflag:s21] =	ssyncset.done $0x0  }
0x2d: {  	[sflag:s21] =	ssyncadd.s32 $0xFFFFE000  }
0x2e: {  	[spmem:s1] =	stream.indirect.scatter.add.f32 [tilespmem:s14], [sflag:$0x5], $0x80, s12, s16, $0xb8;
	[tilespmem:$0x1C400] =	vst v63  }
0x2f: {  	_ =	swait.ge [sflag:s22], $0x4000  }
0x30: {  	[sflag:s22] =	ssyncset.done $0x0  }
0x31: {  	[sflag:s22] =	ssyncadd.s32 $0xFFFFC000  }
0x32: {  	[tilespmem:s14], [sflag:$0x1] =	stream.indirect.gather [hbm4b:s4+s13], $0x80, s23, s13, $0xb8;
	[tilespmem:$0x1C400] =	vst v63  }
0x33: {  	_ = 	snop  }
0x34: {  	[tilespmem:s15], [sflag:$0x2] =	stream.indirect.gather [hbm4b:s4+s13], $0x80, s24, s13, $0xb8;
	[tilespmem:$0x1C400] =	vst v63  }
0x35: {  	_ =	swait.ge [sflag:s25], $0x2000  }
0x36: {  	[sflag:s25] =	ssyncset.done $0x0  }
0x37: {  	[sflag:s25] =	ssyncadd.s32 $0xFFFFE000  }
0x38: {  	_ =	swait.ge [sflag:s26], $0x2000  }
0x39: {  	[sflag:s26] =	ssyncset.done $0x0  }
0x3a: {  	[sflag:s26] =	ssyncadd.s32 $0xFFFFE000  }
0x3b: {  	[spmem:s1] =	stream.indirect.scatter.add.f32 [tilespmem:s17], [sflag:$0x6], $0x80, s28, s16, $0xb8;
	[tilespmem:$0x1C400] =	vst v63  }
0x3c: {  	_ =	swait.ge [sflag:s29], $0x4000  }
0x3d: {  	[sflag:s29] =	ssyncset.done $0x0  }
0x3e: {  	[sflag:s29] =	ssyncadd.s32 $0xFFFFC000  }
0x3f: {  	[tilespmem:s17], [sflag:$0x3] =	stream.indirect.gather [hbm4b:s4+s13], $0x80, s30, s13, $0xb8;
	[tilespmem:$0x1C400] =	vst v63  }
0x40: {  	_ = 	snop  }
0x41: {  	[tilespmem:s19], [sflag:$0x4] =	stream.indirect.gather [hbm4b:s4+s13], $0x80, s31, s13, $0xb8;
	[tilespmem:$0x1C400] =	vst v63  }
0x42: {  	_ =	swait.ge [sflag:s20], $0x2000  }
0x43: {  	[sflag:s20] =	ssyncset.done $0x0  }
0x44: {  	[sflag:s20] =	ssyncadd.s32 $0xFFFFE000  }
0x45: {  	_ =	swait.ge [sflag:s21], $0x2000  }
0x46: {  	[sflag:s21] =	ssyncset.done $0x0  }
0x47: {  	[sflag:s21] =	ssyncadd.s32 $0xFFFFE000  }
0x48: {  	[spmem:s1] =	stream.indirect.scatter.add.f32 [tilespmem:s14], [sflag:$0x5], $0x80, s0, s16, $0xb8;
	[tilespmem:$0x1C400] =	vst v63  }
0x49: {  	_ =	swait.ge [sflag:s22], $0x4000  }
0x4a: {  	[sflag:s22] =	ssyncset.done $0x0  }
0x4b: {  	[sflag:s22] =	ssyncadd.s32 $0xFFFFC000  }
0x4c: {  	_ =	swait.ge [sflag:s25], $0x2000  }
0x4d: {  	[sflag:s25] =	ssyncset.done $0x0  }
0x4e: {  	[sflag:s25] =	ssyncadd.s32 $0xFFFFE000  }
0x4f: {  	_ =	swait.ge [sflag:s26], $0x2000  }
0x50: {  	[sflag:s26] =	ssyncset.done $0x0  }
0x51: {  	[sflag:s26] =	ssyncadd.s32 $0xFFFFE000  }
0x52: {  	[spmem:s1] =	stream.indirect.scatter.add.f32 [tilespmem:s17], [sflag:$0x6], $0x80, s3, s16, $0xb8;
	[tilespmem:$0x1C400] =	vst v63  }
0x53: {  	_ =	swait.ge [sflag:s29], $0x4000  }
0x54: {  	[sflag:s29] =	ssyncset.done $0x0  }
0x55: {  	s7 =	rddreg [dreg:$0xc];
	[sflag:s29] =	ssyncadd.s32 $0xFFFFC000  }
.LBB2_8:
0x56: {  	[bflag:$0x0] =	sbarrier.arrive $0xFFFF  }
0x57: {  	s5 =	rddreg [dreg:$0x9]  }
0x58: {  	s6 =	rddreg [dreg:$0xb]  }
0x59: {  	[hbm:s5], [sflag:s10] =	dma.local [spmem:s6], $0x2800  }
0x5a: {  	_ =	swait.ge [sflag:s11], $0x2800  }
0x5b: {  	s7 =	sadd.s32 $0x1, s7;
	s5 =	rddreg [dreg:$0xa]  }
0x5c: {  	p1 =	sne.s32 s7, s5  }
.Ltmp1:
0x5d: {  	_ = 	snop;
	(pc) =	sbr.rel @!p1 .LBB2_9-.Ltmp1, $3  }
0x5e: {  	_ =	sdelay $0x1  }
0x5f: {  	[sflag:s11] =	ssyncset.done $0x0  }
0x60: {  	[sflag:s11] =	ssyncadd.s32 $0xFFFFD800  }
.LBB2_1:
0x61: {  	[dreg:$0xc] =	wrdreg s7  }
0x62: {  	s5 =	rddreg [dreg:$0x7]  }
0x63: {  	[spmem:s6], [sflag:s10] =	dma.local [hbm:s5], $0x2800  }
.Ltmp2:
0x64: {  	_ =	swait.ge [sflag:s11], $0x2800;
	(pc) =	sbr.rel @p0 .LBB2_5-.Ltmp2, $3  }
0x65: {  	[sflag:s11] =	ssyncset.done $0x0  }
0x66: {  	[sflag:s11] =	ssyncadd.s32 $0xFFFFD800  }
0x67: {  	[bflag:$0x0] =	sbarrier.arrive $0xFFFF;
	_ =	sdelay $0x1  }
0x68: {  	s6 =	rddreg [dreg:$0x6];
	s7 =	sand.u32 $0x7C00, s2  }
0x69: {  	s5 =	sand.u32 $0x200, s2;
	s6 =	sadd.s32 s6, s7  }
0x6a: {  	s6 =	sor.u32 s5, s6  }
0x6b: {  	s8 =	rddreg [dreg:$0x4];
	s6 =	sshrl.u32 s6, $0x3  }
0x6c: {  	s8 =	sadd.s32 s8, s6  }
0x6d: {  	[tilespmem:s2], [sflag:$0x7] =	stream.linear.gather [hbm4b:s8+s2], $0x200, $0x38;
	[tilespmem:$0x1C400] =	vst v63  }
0x6e: {  	_ =	swait.ge [sflag:s11], $0x200  }
0x6f: {  	s10 =	rddreg [dreg:$0x5];
	[sflag:s11] =	ssyncset.done $0x0  }
0x70: {  	[sflag:s11] =	ssyncadd.s32 $0xFFFFFE00;
	s6 =	sadd.s32 s10, s6  }
0x71: {  	[tilespmem:s12], [sflag:$0x7] =	stream.linear.gather [hbm4b:s6+s2], $0x200, $0x38;
	[tilespmem:$0x1C400] =	vst v63  }
0x72: {  	_ =	swait.ge [sflag:s11], $0x200  }
0x73: {  	[sflag:s11] =	ssyncset.done $0x0  }
0x74: {  	[sflag:s11] =	ssyncadd.s32 $0xFFFFFE00  }
0x75: {  	[tilespmem:s14], [sflag:$0x1] =	stream.indirect.gather [hbm4b:s4+s13], $0x80, s2, s13, $0xb8;
	[tilespmem:$0x1C400] =	vst v63  }
0x76: {  	_ = 	snop  }
0x77: {  	[tilespmem:s15], [sflag:$0x2] =	stream.indirect.gather [hbm4b:s4+s13], $0x80, s13, s13, $0xb8;
	[tilespmem:$0x1C400] =	vst v63  }
0x78: {  	_ = 	snop  }
0x79: {  	[tilespmem:s17], [sflag:$0x3] =	stream.indirect.gather [hbm4b:s4+s13], $0x80, s16, s13, $0xb8;
	[tilespmem:$0x1C400] =	vst v63  }
0x7a: {  	_ = 	snop  }
0x7b: {  	[tilespmem:s19], [sflag:$0x4] =	stream.indirect.gather [hbm4b:s4+s13], $0x80, s9, s13, $0xb8;
	[tilespmem:$0x1C400] =	vst v63  }
0x7c: {  	_ =	swait.ge [sflag:s20], $0x2000  }
0x7d: {  	[sflag:s20] =	ssyncset.done $0x0  }
0x7e: {  	[sflag:s20] =	ssyncadd.s32 $0xFFFFE000  }
0x7f: {  	_ =	swait.ge [sflag:s21], $0x2000  }
0x80: {  	[sflag:s21] =	ssyncset.done $0x0  }
0x81: {  	[sflag:s21] =	ssyncadd.s32 $0xFFFFE000  }
0x82: {  	[spmem:s1] =	stream.indirect.scatter.add.f32 [tilespmem:s14], [sflag:$0x5], $0x80, s12, s16, $0xb8;
	[tilespmem:$0x1C400] =	vst v63  }
0x83: {  	_ =	swait.ge [sflag:s22], $0x4000  }
0x84: {  	[sflag:s22] =	ssyncset.done $0x0  }
0x85: {  	[sflag:s22] =	ssyncadd.s32 $0xFFFFC000  }
0x86: {  	[tilespmem:s14], [sflag:$0x1] =	stream.indirect.gather [hbm4b:s4+s13], $0x80, s23, s13, $0xb8;
	[tilespmem:$0x1C400] =	vst v63  }
0x87: {  	_ = 	snop  }
0x88: {  	[tilespmem:s15], [sflag:$0x2] =	stream.indirect.gather [hbm4b:s4+s13], $0x80, s24, s13, $0xb8;
	[tilespmem:$0x1C400] =	vst v63  }
0x89: {  	_ =	swait.ge [sflag:s25], $0x2000  }
0x8a: {  	[sflag:s25] =	ssyncset.done $0x0  }
0x8b: {  	[sflag:s25] =	ssyncadd.s32 $0xFFFFE000  }
0x8c: {  	_ =	swait.ge [sflag:s26], $0x2000  }
0x8d: {  	[sflag:s26] =	ssyncset.done $0x0  }
0x8e: {  	[sflag:s26] =	ssyncadd.s32 $0xFFFFE000  }
0x8f: {  	[spmem:s1] =	stream.indirect.scatter.add.f32 [tilespmem:s17], [sflag:$0x6], $0x80, s28, s16, $0xb8;
	[tilespmem:$0x1C400] =	vst v63  }
0x90: {  	_ =	swait.ge [sflag:s29], $0x4000  }
0x91: {  	[sflag:s29] =	ssyncset.done $0x0  }
0x92: {  	[sflag:s29] =	ssyncadd.s32 $0xFFFFC000  }
0x93: {  	[tilespmem:s17], [sflag:$0x3] =	stream.indirect.gather [hbm4b:s4+s13], $0x80, s30, s13, $0xb8;
	[tilespmem:$0x1C400] =	vst v63  }
0x94: {  	_ = 	snop  }
0x95: {  	[tilespmem:s19], [sflag:$0x4] =	stream.indirect.gather [hbm4b:s4+s13], $0x80, s31, s13, $0xb8;
	[tilespmem:$0x1C400] =	vst v63  }
0x96: {  	_ =	swait.ge [sflag:s20], $0x2000  }
0x97: {  	[sflag:s20] =	ssyncset.done $0x0  }
0x98: {  	[sflag:s20] =	ssyncadd.s32 $0xFFFFE000  }
0x99: {  	_ =	swait.ge [sflag:s21], $0x2000  }
0x9a: {  	[sflag:s21] =	ssyncset.done $0x0  }
0x9b: {  	[sflag:s21] =	ssyncadd.s32 $0xFFFFE000  }
0x9c: {  	[spmem:s1] =	stream.indirect.scatter.add.f32 [tilespmem:s14], [sflag:$0x5], $0x80, s0, s16, $0xb8;
	[tilespmem:$0x1C400] =	vst v63  }
0x9d: {  	_ =	swait.ge [sflag:s22], $0x4000  }
0x9e: {  	[sflag:s22] =	ssyncset.done $0x0  }
0x9f: {  	[sflag:s22] =	ssyncadd.s32 $0xFFFFC000  }
0xa0: {  	_ =	swait.ge [sflag:s25], $0x2000  }
0xa1: {  	[sflag:s25] =	ssyncset.done $0x0  }
0xa2: {  	[sflag:s25] =	ssyncadd.s32 $0xFFFFE000  }
0xa3: {  	_ =	swait.ge [sflag:s26], $0x2000  }
0xa4: {  	[sflag:s26] =	ssyncset.done $0x0  }
0xa5: {  	[sflag:s26] =	ssyncadd.s32 $0xFFFFE000  }
0xa6: {  	[spmem:s1] =	stream.indirect.scatter.add.f32 [tilespmem:s17], [sflag:$0x6], $0x80, s3, s16, $0xb8;
	[tilespmem:$0x1C400] =	vst v63  }
0xa7: {  	s7 =	simm.s32 $0x200;
	_ =	swait.ge [sflag:s29], $0x4000  }
0xa8: {  	s8 =	simm.s32 $0x400;
	s6 =	rddreg [dreg:$0x6];
	[sflag:s29] =	ssyncset.done $0x0  }
.LBB2_3:
0xa9: {  	s5 =	sand.u32 $0x7C00, s7  }
0xaa: {  	s7 =	sand.u32 $0x200, s7;
	s5 =	sadd.s32 s6, s5  }
0xab: {  	s5 =	sor.u32 s7, s5  }
0xac: {  	s10 =	smov.u32 s8;
	s9 =	rddreg [dreg:$0x4];
	s5 =	sshrl.u32 s5, $0x3  }
0xad: {  	[sflag:s29] =	ssyncadd.s32 $0xFFFFC000;
	s7 =	smov.u32 s10;
	s10 =	sadd.s32 s9, s5  }
0xae: {  	[tilespmem:s2], [sflag:$0x7] =	stream.linear.gather [hbm4b:s10+s2], $0x200, $0x38;
	[tilespmem:$0x1C400] =	vst v63  }
0xaf: {  	_ =	swait.ge [sflag:s11], $0x200  }
0xb0: {  	s10 =	rddreg [dreg:$0x5];
	[sflag:s11] =	ssyncset.done $0x0  }
0xb1: {  	[sflag:s11] =	ssyncadd.s32 $0xFFFFFE00;
	s5 =	sadd.s32 s10, s5  }
0xb2: {  	[tilespmem:s12], [sflag:$0x7] =	stream.linear.gather [hbm4b:s5+s2], $0x200, $0x38;
	[tilespmem:$0x1C400] =	vst v63  }
0xb3: {  	_ =	swait.ge [sflag:s11], $0x200  }
0xb4: {  	[sflag:s11] =	ssyncset.done $0x0  }
0xb5: {  	[sflag:s11] =	ssyncadd.s32 $0xFFFFFE00  }
0xb6: {  	[tilespmem:s14], [sflag:$0x1] =	stream.indirect.gather [hbm4b:s4+s13], $0x80, s2, s13, $0xb8;
	[tilespmem:$0x1C400] =	vst v63  }
0xb7: {  	_ = 	snop  }
0xb8: {  	[tilespmem:s15], [sflag:$0x2] =	stream.indirect.gather [hbm4b:s4+s13], $0x80, s13, s13, $0xb8;
	[tilespmem:$0x1C400] =	vst v63  }
0xb9: {  	_ = 	snop  }
0xba: {  	[tilespmem:s17], [sflag:$0x3] =	stream.indirect.gather [hbm4b:s4+s13], $0x80, s16, s13, $0xb8;
	[tilespmem:$0x1C400] =	vst v63  }
0xbb: {  	s9 =	simm.s32 $0xC0  }
0xbc: {  	[tilespmem:s19], [sflag:$0x4] =	stream.indirect.gather [hbm4b:s4+s13], $0x80, s9, s13, $0xb8;
	[tilespmem:$0x1C400] =	vst v63  }
0xbd: {  	_ =	swait.ge [sflag:s20], $0x2000  }
0xbe: {  	[sflag:s20] =	ssyncset.done $0x0  }
0xbf: {  	[sflag:s20] =	ssyncadd.s32 $0xFFFFE000  }
0xc0: {  	_ =	swait.ge [sflag:s21], $0x2000  }
0xc1: {  	[sflag:s21] =	ssyncset.done $0x0  }
0xc2: {  	[sflag:s21] =	ssyncadd.s32 $0xFFFFE000  }
0xc3: {  	[spmem:s1] =	stream.indirect.scatter.add.f32 [tilespmem:s14], [sflag:$0x5], $0x80, s12, s16, $0xb8;
	[tilespmem:$0x1C400] =	vst v63  }
0xc4: {  	_ =	swait.ge [sflag:s22], $0x4000  }
0xc5: {  	[sflag:s22] =	ssyncset.done $0x0  }
0xc6: {  	[sflag:s22] =	ssyncadd.s32 $0xFFFFC000  }
0xc7: {  	[tilespmem:s14], [sflag:$0x1] =	stream.indirect.gather [hbm4b:s4+s13], $0x80, s23, s13, $0xb8;
	[tilespmem:$0x1C400] =	vst v63  }
0xc8: {  	_ = 	snop  }
0xc9: {  	[tilespmem:s15], [sflag:$0x2] =	stream.indirect.gather [hbm4b:s4+s13], $0x80, s24, s13, $0xb8;
	[tilespmem:$0x1C400] =	vst v63  }
0xca: {  	_ =	swait.ge [sflag:s25], $0x2000  }
0xcb: {  	[sflag:s25] =	ssyncset.done $0x0  }
0xcc: {  	[sflag:s25] =	ssyncadd.s32 $0xFFFFE000  }
0xcd: {  	_ =	swait.ge [sflag:s26], $0x2000  }
0xce: {  	[sflag:s26] =	ssyncset.done $0x0  }
0xcf: {  	[sflag:s26] =	ssyncadd.s32 $0xFFFFE000  }
0xd0: {  	[spmem:s1] =	stream.indirect.scatter.add.f32 [tilespmem:s17], [sflag:$0x6], $0x80, s28, s16, $0xb8;
	[tilespmem:$0x1C400] =	vst v63  }
0xd1: {  	_ =	swait.ge [sflag:s29], $0x4000  }
0xd2: {  	[sflag:s29] =	ssyncset.done $0x0  }
0xd3: {  	[sflag:s29] =	ssyncadd.s32 $0xFFFFC000  }
0xd4: {  	[tilespmem:s17], [sflag:$0x3] =	stream.indirect.gather [hbm4b:s4+s13], $0x80, s30, s13, $0xb8;
	[tilespmem:$0x1C400] =	vst v63  }
0xd5: {  	_ = 	snop  }
0xd6: {  	[tilespmem:s19], [sflag:$0x4] =	stream.indirect.gather [hbm4b:s4+s13], $0x80, s31, s13, $0xb8;
	[tilespmem:$0x1C400] =	vst v63  }
0xd7: {  	_ =	swait.ge [sflag:s20], $0x2000  }
0xd8: {  	[sflag:s20] =	ssyncset.done $0x0  }
0xd9: {  	[sflag:s20] =	ssyncadd.s32 $0xFFFFE000  }
0xda: {  	_ =	swait.ge [sflag:s21], $0x2000  }
0xdb: {  	[sflag:s21] =	ssyncset.done $0x0  }
0xdc: {  	[sflag:s21] =	ssyncadd.s32 $0xFFFFE000  }
0xdd: {  	[spmem:s1] =	stream.indirect.scatter.add.f32 [tilespmem:s14], [sflag:$0x5], $0x80, s0, s16, $0xb8;
	[tilespmem:$0x1C400] =	vst v63  }
0xde: {  	_ =	swait.ge [sflag:s22], $0x4000  }
0xdf: {  	[sflag:s22] =	ssyncset.done $0x0  }
0xe0: {  	[sflag:s22] =	ssyncadd.s32 $0xFFFFC000  }
0xe1: {  	_ =	swait.ge [sflag:s25], $0x2000  }
0xe2: {  	[sflag:s25] =	ssyncset.done $0x0  }
0xe3: {  	[sflag:s25] =	ssyncadd.s32 $0xFFFFE000  }
0xe4: {  	p1 =	seq.s32 s8, $0x4600;
	_ =	swait.ge [sflag:s26], $0x2000  }
.Ltmp3:
0xe5: {  	[sflag:s26] =	ssyncset.done $0x0;
	(pc) =	sbr.rel @!p1 .LBB2_3-.Ltmp3, $4  }
0xe6: {  	[sflag:s26] =	ssyncadd.s32 $0xFFFFE000  }
0xe7: {  	[spmem:s1] =	stream.indirect.scatter.add.f32 [tilespmem:s17], [sflag:$0x6], $0x80, s3, s16, $0xb8;
	[tilespmem:$0x1C400] =	vst v63  }
0xe8: {  	_ =	swait.ge [sflag:s29], $0x4000  }
0xe9: {  	s8 =	sadd.s32 $0x200, s8;
	s6 =	rddreg [dreg:$0x6];
	[sflag:s29] =	ssyncset.done $0x0  }
0xea: {  	s5 =	sand.u32 $0x7C00, s7  }
0xeb: {  	s8 =	sand.u32 $0x200, s7;
	s5 =	sadd.s32 s6, s5  }
0xec: {  	s5 =	sor.u32 s8, s5  }
0xed: {  	s10 =	rddreg [dreg:$0x4];
	s5 =	sshrl.u32 s5, $0x3  }
0xee: {  	[sflag:s29] =	ssyncadd.s32 $0xFFFFC000;
	s8 =	sadd.s32 s10, s5  }
0xef: {  	[tilespmem:s2], [sflag:$0x7] =	stream.linear.gather [hbm4b:s8+s2], $0x200, $0x38;
	[tilespmem:$0x1C400] =	vst v63  }
0xf0: {  	_ =	swait.ge [sflag:s11], $0x200  }
0xf1: {  	s10 =	rddreg [dreg:$0x5];
	[sflag:s11] =	ssyncset.done $0x0  }
0xf2: {  	s5 =	sadd.s32 s10, s5;
	[sflag:s11] =	ssyncadd.s32 $0xFFFFFE00  }
0xf3: {  	[tilespmem:s12], [sflag:$0x7] =	stream.linear.gather [hbm4b:s5+s2], $0x200, $0x38;
	[tilespmem:$0x1C400] =	vst v63  }
0xf4: {  	_ =	swait.ge [sflag:s11], $0x200  }
0xf5: {  	[sflag:s11] =	ssyncset.done $0x0  }
0xf6: {  	[sflag:s11] =	ssyncadd.s32 $0xFFFFFE00  }
0xf7: {  	[tilespmem:s14], [sflag:$0x1] =	stream.indirect.gather [hbm4b:s4+s13], $0x80, s2, s13, $0xb8;
	[tilespmem:$0x1C400] =	vst v63  }
0xf8: {  	_ = 	snop  }
0xf9: {  	[tilespmem:s15], [sflag:$0x2] =	stream.indirect.gather [hbm4b:s4+s13], $0x80, s13, s13, $0xb8;
	[tilespmem:$0x1C400] =	vst v63  }
0xfa: {  	_ = 	snop  }
0xfb: {  	[tilespmem:s17], [sflag:$0x3] =	stream.indirect.gather [hbm4b:s4+s13], $0x80, s16, s13, $0xb8;
	[tilespmem:$0x1C400] =	vst v63  }
0xfc: {  	_ = 	snop  }
0xfd: {  	[tilespmem:s19], [sflag:$0x4] =	stream.indirect.gather [hbm4b:s4+s13], $0x80, s9, s13, $0xb8;
	[tilespmem:$0x1C400] =	vst v63  }
0xfe: {  	_ =	swait.ge [sflag:s20], $0x2000  }
0xff: {  	[sflag:s20] =	ssyncset.done $0x0  }
0x100: {  	[sflag:s20] =	ssyncadd.s32 $0xFFFFE000  }
0x101: {  	_ =	swait.ge [sflag:s21], $0x2000  }
0x102: {  	[sflag:s21] =	ssyncset.done $0x0  }
0x103: {  	[sflag:s21] =	ssyncadd.s32 $0xFFFFE000  }
0x104: {  	[spmem:s1] =	stream.indirect.scatter.add.f32 [tilespmem:s14], [sflag:$0x5], $0x80, s12, s16, $0xb8;
	[tilespmem:$0x1C400] =	vst v63  }
0x105: {  	_ =	swait.ge [sflag:s22], $0x4000  }
0x106: {  	[sflag:s22] =	ssyncset.done $0x0  }
0x107: {  	[sflag:s22] =	ssyncadd.s32 $0xFFFFC000  }
0x108: {  	[tilespmem:s14], [sflag:$0x1] =	stream.indirect.gather [hbm4b:s4+s13], $0x80, s23, s13, $0xb8;
	[tilespmem:$0x1C400] =	vst v63  }
0x109: {  	_ = 	snop  }
0x10a: {  	[tilespmem:s15], [sflag:$0x2] =	stream.indirect.gather [hbm4b:s4+s13], $0x80, s24, s13, $0xb8;
	[tilespmem:$0x1C400] =	vst v63  }
0x10b: {  	_ =	swait.ge [sflag:s25], $0x2000  }
0x10c: {  	[sflag:s25] =	ssyncset.done $0x0  }
0x10d: {  	[sflag:s25] =	ssyncadd.s32 $0xFFFFE000  }
0x10e: {  	_ =	swait.ge [sflag:s26], $0x2000  }
0x10f: {  	[sflag:s26] =	ssyncset.done $0x0  }
0x110: {  	[sflag:s26] =	ssyncadd.s32 $0xFFFFE000  }
0x111: {  	[spmem:s1] =	stream.indirect.scatter.add.f32 [tilespmem:s17], [sflag:$0x6], $0x80, s28, s16, $0xb8;
	[tilespmem:$0x1C400] =	vst v63  }
0x112: {  	_ =	swait.ge [sflag:s29], $0x4000  }
0x113: {  	[sflag:s29] =	ssyncset.done $0x0  }
0x114: {  	[sflag:s29] =	ssyncadd.s32 $0xFFFFC000  }
0x115: {  	[tilespmem:s17], [sflag:$0x3] =	stream.indirect.gather [hbm4b:s4+s13], $0x80, s30, s13, $0xb8;
	[tilespmem:$0x1C400] =	vst v63  }
0x116: {  	_ = 	snop  }
0x117: {  	[tilespmem:s19], [sflag:$0x4] =	stream.indirect.gather [hbm4b:s4+s13], $0x80, s31, s13, $0xb8;
	[tilespmem:$0x1C400] =	vst v63  }
0x118: {  	_ =	swait.ge [sflag:s20], $0x2000  }
0x119: {  	[sflag:s20] =	ssyncset.done $0x0  }
0x11a: {  	[sflag:s20] =	ssyncadd.s32 $0xFFFFE000  }
0x11b: {  	_ =	swait.ge [sflag:s21], $0x2000  }
0x11c: {  	[sflag:s21] =	ssyncset.done $0x0  }
0x11d: {  	[sflag:s21] =	ssyncadd.s32 $0xFFFFE000  }
0x11e: {  	[spmem:s1] =	stream.indirect.scatter.add.f32 [tilespmem:s14], [sflag:$0x5], $0x80, s0, s16, $0xb8;
	[tilespmem:$0x1C400] =	vst v63  }
0x11f: {  	_ =	swait.ge [sflag:s22], $0x4000  }
0x120: {  	[sflag:s22] =	ssyncset.done $0x0  }
0x121: {  	[sflag:s22] =	ssyncadd.s32 $0xFFFFC000  }
0x122: {  	_ =	swait.ge [sflag:s25], $0x2000  }
0x123: {  	[sflag:s25] =	ssyncset.done $0x0  }
0x124: {  	[sflag:s25] =	ssyncadd.s32 $0xFFFFE000  }
0x125: {  	_ =	swait.ge [sflag:s26], $0x2000  }
0x126: {  	[sflag:s26] =	ssyncset.done $0x0  }
.Ltmp4:
0x127: {  	[sflag:s26] =	ssyncadd.s32 $0xFFFFE000;
	(pc) =	sbr.rel .LBB2_8-.Ltmp4, $4  }
0x128: {  	[spmem:s1] =	stream.indirect.scatter.add.f32 [tilespmem:s17], [sflag:$0x6], $0x80, s3, s16, $0xb8;
	[tilespmem:$0x1C400] =	vst v63  }
0x129: {  	_ =	swait.ge [sflag:s29], $0x4000  }
0x12a: {  	[sflag:s29] =	ssyncset.done $0x0;
	s10 =	rddreg [dreg:$0x8]  }
0x12b: {  	s8 =	smov.u32 s18;
	s7 =	rddreg [dreg:$0xc];
	[sflag:s29] =	ssyncadd.s32 $0xFFFFC000  }
.LBB2_5:
0x12c: {  	s5 =	sadd.s32 $0x0, s8  }
0x12d: {  	[tilespmem:s2], [sflag:$0x7] =	stream.linear.gather [hbm4b:s5+s2], $0x200, $0x38;
	[tilespmem:$0x1C400] =	vst v63  }
0x12e: {  	_ =	swait.ge [sflag:s11], $0x200  }
0x12f: {  	s7 =	rddreg [dreg:$0x3];
	[sflag:s11] =	ssyncset.done $0x0  }
0x130: {  	[sflag:s11] =	ssyncadd.s32 $0xFFFFFE00;
	s5 =	sadd.s32 $0x0, s7  }
0x131: {  	[tilespmem:s12], [sflag:$0x7] =	stream.linear.gather [hbm4b:s5+s2], $0x200, $0x38;
	[tilespmem:$0x1C400] =	vst v63  }
0x132: {  	_ =	swait.ge [sflag:s11], $0x200  }
0x133: {  	[sflag:s11] =	ssyncset.done $0x0  }
0x134: {  	[sflag:s11] =	ssyncadd.s32 $0xFFFFFE00  }
0x135: {  	[tilespmem:s14], [sflag:$0x1] =	stream.indirect.gather [hbm4b:s4+s13], $0x80, s2, s13, $0xb8;
	[tilespmem:$0x1C400] =	vst v63  }
0x136: {  	_ = 	snop  }
0x137: {  	[tilespmem:s15], [sflag:$0x2] =	stream.indirect.gather [hbm4b:s4+s13], $0x80, s13, s13, $0xb8;
	[tilespmem:$0x1C400] =	vst v63  }
0x138: {  	_ = 	snop  }
0x139: {  	[tilespmem:s17], [sflag:$0x3] =	stream.indirect.gather [hbm4b:s4+s13], $0x80, s16, s13, $0xb8;
	[tilespmem:$0x1C400] =	vst v63  }
0x13a: {  	_ = 	snop  }
0x13b: {  	[tilespmem:s19], [sflag:$0x4] =	stream.indirect.gather [hbm4b:s4+s13], $0x80, s9, s13, $0xb8;
	[tilespmem:$0x1C400] =	vst v63  }
0x13c: {  	_ =	swait.ge [sflag:s20], $0x2000  }
0x13d: {  	[sflag:s20] =	ssyncset.done $0x0  }
0x13e: {  	[sflag:s20] =	ssyncadd.s32 $0xFFFFE000  }
0x13f: {  	_ =	swait.ge [sflag:s21], $0x2000  }
0x140: {  	[sflag:s21] =	ssyncset.done $0x0  }
0x141: {  	[sflag:s21] =	ssyncadd.s32 $0xFFFFE000  }
0x142: {  	[spmem:s1] =	stream.indirect.scatter.add.f32 [tilespmem:s14], [sflag:$0x5], $0x80, s12, s16, $0xb8;
	[tilespmem:$0x1C400] =	vst v63  }
0x143: {  	_ =	swait.ge [sflag:s22], $0x4000  }
0x144: {  	[sflag:s22] =	ssyncset.done $0x0  }
0x145: {  	[sflag:s22] =	ssyncadd.s32 $0xFFFFC000  }
0x146: {  	[tilespmem:s14], [sflag:$0x1] =	stream.indirect.gather [hbm4b:s4+s13], $0x80, s23, s13, $0xb8;
	[tilespmem:$0x1C400] =	vst v63  }
0x147: {  	_ = 	snop  }
0x148: {  	[tilespmem:s15], [sflag:$0x2] =	stream.indirect.gather [hbm4b:s4+s13], $0x80, s24, s13, $0xb8;
	[tilespmem:$0x1C400] =	vst v63  }
0x149: {  	_ =	swait.ge [sflag:s25], $0x2000  }
0x14a: {  	[sflag:s25] =	ssyncset.done $0x0  }
0x14b: {  	[sflag:s25] =	ssyncadd.s32 $0xFFFFE000  }
0x14c: {  	_ =	swait.ge [sflag:s26], $0x2000  }
0x14d: {  	[sflag:s26] =	ssyncset.done $0x0  }
0x14e: {  	[sflag:s26] =	ssyncadd.s32 $0xFFFFE000  }
0x14f: {  	[spmem:s1] =	stream.indirect.scatter.add.f32 [tilespmem:s17], [sflag:$0x6], $0x80, s28, s16, $0xb8;
	[tilespmem:$0x1C400] =	vst v63  }
0x150: {  	_ =	swait.ge [sflag:s29], $0x4000  }
0x151: {  	[sflag:s29] =	ssyncset.done $0x0  }
0x152: {  	[sflag:s29] =	ssyncadd.s32 $0xFFFFC000  }
0x153: {  	[tilespmem:s17], [sflag:$0x3] =	stream.indirect.gather [hbm4b:s4+s13], $0x80, s30, s13, $0xb8;
	[tilespmem:$0x1C400] =	vst v63  }
0x154: {  	_ = 	snop  }
0x155: {  	[tilespmem:s19], [sflag:$0x4] =	stream.indirect.gather [hbm4b:s4+s13], $0x80, s31, s13, $0xb8;
	[tilespmem:$0x1C400] =	vst v63  }
0x156: {  	_ =	swait.ge [sflag:s20], $0x2000  }
0x157: {  	[sflag:s20] =	ssyncset.done $0x0  }
0x158: {  	[sflag:s20] =	ssyncadd.s32 $0xFFFFE000  }
0x159: {  	_ =	swait.ge [sflag:s21], $0x2000  }
0x15a: {  	[sflag:s21] =	ssyncset.done $0x0  }
0x15b: {  	[sflag:s21] =	ssyncadd.s32 $0xFFFFE000  }
0x15c: {  	[spmem:s1] =	stream.indirect.scatter.add.f32 [tilespmem:s14], [sflag:$0x5], $0x80, s0, s16, $0xb8;
	[tilespmem:$0x1C400] =	vst v63  }
0x15d: {  	_ =	swait.ge [sflag:s22], $0x4000  }
0x15e: {  	[sflag:s22] =	ssyncset.done $0x0  }
0x15f: {  	[sflag:s22] =	ssyncadd.s32 $0xFFFFC000  }
0x160: {  	_ =	swait.ge [sflag:s25], $0x2000  }
0x161: {  	[sflag:s25] =	ssyncset.done $0x0  }
0x162: {  	[sflag:s25] =	ssyncadd.s32 $0xFFFFE000  }
0x163: {  	_ =	swait.ge [sflag:s26], $0x2000  }
0x164: {  	[sflag:s26] =	ssyncset.done $0x0  }
0x165: {  	[sflag:s26] =	ssyncadd.s32 $0xFFFFE000  }
0x166: {  	[spmem:s1] =	stream.indirect.scatter.add.f32 [tilespmem:s17], [sflag:$0x6], $0x80, s3, s16, $0xb8;
	[tilespmem:$0x1C400] =	vst v63  }
0x167: {  	_ =	swait.ge [sflag:s29], $0x4000  }
0x168: {  	s6 =	simm.s32 $0x80;
	s7 =	simm.s32 $0x40;
	[sflag:s29] =	ssyncset.done $0x0  }
.LBB2_6:
0x169: {  	s5 =	sadd.s32 s7, s8;
	[sflag:s29] =	ssyncadd.s32 $0xFFFFC000  }
0x16a: {  	[tilespmem:s2], [sflag:$0x7] =	stream.linear.gather [hbm4b:s5+s2], $0x200, $0x38;
	[tilespmem:$0x1C400] =	vst v63  }
0x16b: {  	s9 =	smov.u32 s6;
	s8 =	sadd.s32 $0x40, s6;
	_ =	swait.ge [sflag:s11], $0x200  }
0x16c: {  	p1 =	sne.s32 s6, $0xC0;
	s6 =	rddreg [dreg:$0x3];
	[sflag:s11] =	ssyncset.done $0x0  }
0x16d: {  	[sflag:s11] =	ssyncadd.s32 $0xFFFFFE00;
	s5 =	sadd.s32 s7, s6  }
0x16e: {  	[tilespmem:s12], [sflag:$0x7] =	stream.linear.gather [hbm4b:s5+s2], $0x200, $0x38;
	[tilespmem:$0x1C400] =	vst v63  }
0x16f: {  	_ =	swait.ge [sflag:s11], $0x200  }
0x170: {  	[sflag:s11] =	ssyncset.done $0x0  }
0x171: {  	[sflag:s11] =	ssyncadd.s32 $0xFFFFFE00  }
0x172: {  	[tilespmem:s14], [sflag:$0x1] =	stream.indirect.gather [hbm4b:s4+s13], $0x80, s2, s13, $0xb8;
	[tilespmem:$0x1C400] =	vst v63  }
0x173: {  	_ = 	snop  }
0x174: {  	[tilespmem:s15], [sflag:$0x2] =	stream.indirect.gather [hbm4b:s4+s13], $0x80, s13, s13, $0xb8;
	[tilespmem:$0x1C400] =	vst v63  }
0x175: {  	_ = 	snop  }
0x176: {  	[tilespmem:s17], [sflag:$0x3] =	stream.indirect.gather [hbm4b:s4+s13], $0x80, s16, s13, $0xb8;
	[tilespmem:$0x1C400] =	vst v63  }
0x177: {  	s7 =	smov.u32 s9;
	s9 =	simm.s32 $0xC0  }
0x178: {  	[tilespmem:s19], [sflag:$0x4] =	stream.indirect.gather [hbm4b:s4+s13], $0x80, s9, s13, $0xb8;
	[tilespmem:$0x1C400] =	vst v63  }
0x179: {  	_ =	swait.ge [sflag:s20], $0x2000  }
0x17a: {  	[sflag:s20] =	ssyncset.done $0x0  }
0x17b: {  	[sflag:s20] =	ssyncadd.s32 $0xFFFFE000  }
0x17c: {  	_ =	swait.ge [sflag:s21], $0x2000  }
0x17d: {  	[sflag:s21] =	ssyncset.done $0x0  }
0x17e: {  	[sflag:s21] =	ssyncadd.s32 $0xFFFFE000  }
0x17f: {  	[spmem:s1] =	stream.indirect.scatter.add.f32 [tilespmem:s14], [sflag:$0x5], $0x80, s12, s16, $0xb8;
	[tilespmem:$0x1C400] =	vst v63  }
0x180: {  	_ =	swait.ge [sflag:s22], $0x4000  }
0x181: {  	[sflag:s22] =	ssyncset.done $0x0  }
0x182: {  	[sflag:s22] =	ssyncadd.s32 $0xFFFFC000  }
0x183: {  	[tilespmem:s14], [sflag:$0x1] =	stream.indirect.gather [hbm4b:s4+s13], $0x80, s23, s13, $0xb8;
	[tilespmem:$0x1C400] =	vst v63  }
0x184: {  	_ = 	snop  }
0x185: {  	[tilespmem:s15], [sflag:$0x2] =	stream.indirect.gather [hbm4b:s4+s13], $0x80, s24, s13, $0xb8;
	[tilespmem:$0x1C400] =	vst v63  }
0x186: {  	_ =	swait.ge [sflag:s25], $0x2000  }
0x187: {  	[sflag:s25] =	ssyncset.done $0x0  }
0x188: {  	[sflag:s25] =	ssyncadd.s32 $0xFFFFE000  }
0x189: {  	_ =	swait.ge [sflag:s26], $0x2000  }
0x18a: {  	[sflag:s26] =	ssyncset.done $0x0  }
0x18b: {  	[sflag:s26] =	ssyncadd.s32 $0xFFFFE000  }
0x18c: {  	[spmem:s1] =	stream.indirect.scatter.add.f32 [tilespmem:s17], [sflag:$0x6], $0x80, s28, s16, $0xb8;
	[tilespmem:$0x1C400] =	vst v63  }
0x18d: {  	_ =	swait.ge [sflag:s29], $0x4000  }
0x18e: {  	[sflag:s29] =	ssyncset.done $0x0  }
0x18f: {  	[sflag:s29] =	ssyncadd.s32 $0xFFFFC000  }
0x190: {  	[tilespmem:s17], [sflag:$0x3] =	stream.indirect.gather [hbm4b:s4+s13], $0x80, s30, s13, $0xb8;
	[tilespmem:$0x1C400] =	vst v63  }
0x191: {  	_ = 	snop  }
0x192: {  	[tilespmem:s19], [sflag:$0x4] =	stream.indirect.gather [hbm4b:s4+s13], $0x80, s31, s13, $0xb8;
	[tilespmem:$0x1C400] =	vst v63  }
0x193: {  	_ =	swait.ge [sflag:s20], $0x2000  }
0x194: {  	[sflag:s20] =	ssyncset.done $0x0  }
0x195: {  	[sflag:s20] =	ssyncadd.s32 $0xFFFFE000  }
0x196: {  	_ =	swait.ge [sflag:s21], $0x2000  }
0x197: {  	[sflag:s21] =	ssyncset.done $0x0  }
0x198: {  	[sflag:s21] =	ssyncadd.s32 $0xFFFFE000  }
0x199: {  	[spmem:s1] =	stream.indirect.scatter.add.f32 [tilespmem:s14], [sflag:$0x5], $0x80, s0, s16, $0xb8;
	[tilespmem:$0x1C400] =	vst v63  }
0x19a: {  	_ =	swait.ge [sflag:s22], $0x4000  }
0x19b: {  	[sflag:s22] =	ssyncset.done $0x0  }
0x19c: {  	[sflag:s22] =	ssyncadd.s32 $0xFFFFC000  }
0x19d: {  	_ =	swait.ge [sflag:s25], $0x2000  }
0x19e: {  	[sflag:s25] =	ssyncset.done $0x0  }
0x19f: {  	[sflag:s25] =	ssyncadd.s32 $0xFFFFE000  }
0x1a0: {  	_ =	swait.ge [sflag:s26], $0x2000  }
.Ltmp5:
0x1a1: {  	[sflag:s26] =	ssyncset.done $0x0;
	(pc) =	sbr.rel @p1 .LBB2_6-.Ltmp5, $4  }
0x1a2: {  	[sflag:s26] =	ssyncadd.s32 $0xFFFFE000  }
0x1a3: {  	[spmem:s1] =	stream.indirect.scatter.add.f32 [tilespmem:s17], [sflag:$0x6], $0x80, s3, s16, $0xb8;
	[tilespmem:$0x1C400] =	vst v63  }
0x1a4: {  	_ =	swait.ge [sflag:s29], $0x4000  }
0x1a5: {  	s6 =	smov.u32 s8;
	s8 =	smov.u32 s18;
	[sflag:s29] =	ssyncset.done $0x0  }
.Ltmp6:
0x1a6: {  	_ = 	snop;
	(pc) =	sbr.rel .LBB2_7-.Ltmp6, $1  }
0x1a7: {  	_ =	sdelay $0x3  }
.LBB2_9:
0x1a8: {  	_ =	sfence.sel $0x180000  }
0x1a9: {  	[bflag:$0x0] =	sbarrier.arrive $0xFFFF  }
0x1aa: {  	_ =	strace $0x9000004A  }
0x1ab: {  	s0 =	stileid.u32;
	[bflag:$0x2] =	sbarrier.arrive $0xFFFF  }
0x1ac: {  	p0 =	sne.s32 s0, $0x0;
	s0 =	rddreg [dreg:$0x2]  }
0x1ad: {  	s0 =	sadd.s32 @!p0 $0x100000, s0  }
0x1ae: {  	[sflag:s0] =	ssyncadd.tile.s32 @!p0 $0x1;
	_ =	shalt  }
.Lfunc_end2:
_tile_overlayer_lowered:
.L_overlay_start_2:
0x1af: {  	(tag) =	ssettag $0x2  }
0x1b0: {  	s0 =	rddreg [dreg:$0x0];
	s2 =	stileid.u32  }
0x1b1: {  	s1 =	rddreg [dreg:$0x1];
	p0 =	sne.s32 s2, $0x0  }
0x1b2: {  	s3 =	rddreg [dreg:$0x2];
	[bflag:$0x3] =	sbarrier.arrive $0xFFFF;
	s2 =	simm.s32 @!p0 $0x1C07  }
0x1b3: {  	[timem:s3], [sflag:s2] =	dma.local @!p0 [hbm:s0], s1  }
0x1b4: {  	s0 =	simm.s32 @!p0 $0x7  }
0x1b5: {  	_ =	swait.ge @!p0 [sflag:s0], s1  }
0x1b6: {  	s1 =	ssub.s32 @!p0 $0x0, s1;
	[sflag:s0] =	ssyncset.done @!p0 $0x0  }
0x1b7: {  	[sflag:s0] =	ssyncadd.s32 @!p0 s1  }
0x1b8: {  	[bflag:$0x3] =	sbarrier.arrive $0xFFFF  }
0x1b9: {  	_ =	shalt  }

// kernel: kernel.7.cloned.1.call-start
scs
__scs_entry_jumppad:
0x0: {  	(pc) =	sbr.rel $0x88, $3  }
0x1: {  	(tag) =	ssettag $0x0;
	lr =	simm.s32 $0x1  }
0x2: {  	[smem:$0x3F99] =	sst lr;
	_ =	strace $0xD0000000  }
0x3: {  	_ = 	snop  }
0x4: {  	_ = 	snop  }
0x5: {  	_ = 	snop  }
0x6: {  	_ = 	snop  }
0x7: {  	_ = 	snop  }
__scs_overlays_trampoline_lowered:
0x8: {  	[smem:$0x3FA8] =	sst s0  }
0x9: {  	[smem:$0x3FA9] =	sst s1  }
0xa: {  	[smem:$0x3FAA] =	sst s2  }
0xb: {  	[smem:$0x3FAB] =	sst s3  }
0xc: {  	[smem:$0x3FAC] =	sst s4  }
0xd: {  	[smem:$0x3FAD] =	sst s5  }
0xe: {  	[smem:$0x3FAE] =	sst s6  }
0xf: {  	[smem:$0x3FAF] =	sst s7  }
0x10: {  	[smem:$0x3FB0] =	sst s8  }
0x11: {  	[smem:$0x3FB1] =	sst s9;
	s0 =	simm.s32 @!p0 $0x0  }
0x12: {  	s1 =	sld [smem:$0x3F97];
	s0 =	simm.s32 @p0 $0x1  }
0x13: {  	[smem:$0x3FB2] =	sst s0;
	s0 =	simm.s32 @!p1 $0x0  }
0x14: {  	s2 =	sld [smem:$0x3F96];
	s0 =	simm.s32 @p1 $0x1  }
0x15: {  	[smem:$0x3FB3] =	sst s0;
	s0 =	simm.s32 @!p2 $0x0  }
0x16: {  	s3 =	sld [smem:$0x3FDB];
	s0 =	simm.s32 @p2 $0x1  }
0x17: {  	s4 =	simm.s32 $0x1BF5;
	[smem:$0x3FB5] =	sst s0  }
0x18: {  	s0 =	sld [smem:$0x3F98];
	_ =	swait.ge [sflag:s4], $0x0  }
0x19: {  	s7 =	sld [smem:$0x3F99]  }
0x1a: {  	s8 =	sadd.s32 $0xFFFFE003, lr  }
0x1b: {  	s9 =	sadd.s32 $0xFFFFFEF7, lr;
	s5 =	simm.s32 $0xFFFFFFFF;
	p2 =	slt.u32 s8, $0xFFFFF086  }
0x1c: {  	p1 =	slt.u32 s9, $0xF7A;
	s5 =	simm.s32 @!p2 $0x0  }
0x1d: {  	s5 =	simm.s32 @p1 $0x1;
	p0 =	seq.s32 s7, s2  }
0x1e: {  	s7 =	smul.u32 @!p0 $0xF7A, s2;
	p2 =	seq.s32 @!p0 s5, $0x0  }
0x1f: {  	s9 =	smul.u32 $0xF7A, s1;
	s8 =	simm.s32 @!p0 $0x1BF5;
	p2 =	por !p2, p0  }
0x20: {  	[sflag:s8] =	ssyncset.s32 @!p0 $0xFFFFF086;
	s6 =	sadd.s32 @!p0 s3, s7;
	s7 =	simm.s32 @!p0 $0x108  }
0x21: {  	s3 =	sadd.s32 s3, s9;
	s6 =	sadd.s32 @!p0 $0x88, s6;
	s7 =	simm.s32 @p2 $0x1082  }
0x22: {  	[simem:s7], [sflag:s8] =	dma.local @!p0 [hbm:s6], $0xF7A  }
0x23: {  	s9 =	sor.u32 $0xD0000000, s2;
	s6 =	simm.s32 $0x108;
	_ =	swait.ge @!p0 [sflag:s8], $0x0  }
0x24: {  	s3 =	sadd.s32 $0x88, s3;
	s6 =	simm.s32 @!p1 $0x1082;
	[sflag:s4] =	ssyncset.s32 $0xFFFFF086  }
0x25: {  	[simem:s6], [sflag:s4] =	dma.local [hbm:s3], $0xF7A  }
0x26: {  	[smem:$0x3F99] =	sst s1;
	(tag) =	ssettag s2;
	_ =	strace s9  }
0x27: {  	s1 =	sld [smem:$0x3FA9]  }
0x28: {  	s2 =	sld [smem:$0x3FAA]  }
0x29: {  	s4 =	sld [smem:$0x3FAC]  }
0x2a: {  	p0 =	seq.s32 s5, $0x0;
	s5 =	sld [smem:$0x3FAD]  }
0x2b: {  	s6 =	sld [smem:$0x3FAE]  }
0x2c: {  	s7 =	sld [smem:$0x3FAF]  }
0x2d: {  	s3 =	simm.s32 $0x108;
	s8 =	sld [smem:$0x3FB0]  }
0x2e: {  	s3 =	simm.s32 @!p0 $0x1082;
	s9 =	sld [smem:$0x3FB1]  }
0x2f: {  	lr =	sadd.s32 s0, s3;
	s0 =	sld [smem:$0x3FA8]  }
0x30: {  	s3 =	sld [smem:$0x3FAB]  }
0x31: {  	[smem:$0x3FB4] =	sst s10  }
0x32: {  	s10 =	sld [smem:$0x3FB2];
	_ =	sdelay $0x3  }
0x33: {  	p0 =	seq.s32 s10, $0x1;
	s10 =	sld [smem:$0x3FB4];
	_ =	sdelay $0x3  }
0x34: {  	[smem:$0x3FB4] =	sst s10  }
0x35: {  	s10 =	sld [smem:$0x3FB3];
	_ =	sdelay $0x3  }
0x36: {  	p1 =	seq.s32 s10, $0x1;
	s10 =	sld [smem:$0x3FB4];
	_ =	sdelay $0x3  }
0x37: {  	[smem:$0x3FB4] =	sst s10  }
0x38: {  	s10 =	sld [smem:$0x3FB5]  }
0x39: {  	_ = 	snop;
	(pc) =	sbr.ind lr, $3  }
0x3a: {  	_ = 	snop  }
0x3b: {  	_ = 	snop  }
0x3c: {  	p2 =	seq.s32 s10, $0x1;
	s10 =	sld [smem:$0x3FB4]  }
0x3d: {  	_ =	shalt  }
0x3e: {  	_ =	shalt  }
0x3f: {  	_ =	shalt  }
0x40: {  	_ =	shalt  }
0x41: {  	_ =	shalt  }
0x42: {  	_ =	shalt  }
0x43: {  	_ =	shalt  }
0x44: {  	_ =	shalt  }
0x45: {  	_ =	shalt  }
0x46: {  	_ =	shalt  }
0x47: {  	_ =	shalt  }
0x48: {  	_ =	shalt  }
0x49: {  	_ =	shalt  }
0x4a: {  	_ =	shalt  }
0x4b: {  	_ =	shalt  }
0x4c: {  	_ =	shalt  }
0x4d: {  	_ =	shalt  }
0x4e: {  	_ =	shalt  }
0x4f: {  	_ =	shalt  }
0x50: {  	_ =	shalt  }
0x51: {  	_ =	shalt  }
0x52: {  	_ =	shalt  }
0x53: {  	_ =	shalt  }
0x54: {  	_ =	shalt  }
0x55: {  	_ =	shalt  }
0x56: {  	_ =	shalt  }
0x57: {  	_ =	shalt  }
0x58: {  	_ =	shalt  }
0x59: {  	_ =	shalt  }
0x5a: {  	_ =	shalt  }
0x5b: {  	_ =	shalt  }
0x5c: {  	_ =	shalt  }
0x5d: {  	_ =	shalt  }
0x5e: {  	_ =	shalt  }
0x5f: {  	_ =	shalt  }
0x60: {  	_ =	shalt  }
0x61: {  	_ =	shalt  }
0x62: {  	_ =	shalt  }
0x63: {  	_ =	shalt  }
0x64: {  	_ =	shalt  }
0x65: {  	_ =	shalt  }
0x66: {  	_ =	shalt  }
0x67: {  	_ =	shalt  }
0x68: {  	_ =	shalt  }
0x69: {  	_ =	shalt  }
0x6a: {  	_ =	shalt  }
0x6b: {  	_ =	shalt  }
0x6c: {  	_ =	shalt  }
0x6d: {  	_ =	shalt  }
0x6e: {  	_ =	shalt  }
0x6f: {  	_ =	shalt  }
0x70: {  	_ =	shalt  }
0x71: {  	_ =	shalt  }
0x72: {  	_ =	shalt  }
0x73: {  	_ =	shalt  }
0x74: {  	_ =	shalt  }
0x75: {  	_ =	shalt  }
0x76: {  	_ =	shalt  }
0x77: {  	_ =	shalt  }
0x78: {  	_ =	shalt  }
0x79: {  	_ =	shalt  }
0x7a: {  	_ =	shalt  }
0x7b: {  	_ =	shalt  }
0x7c: {  	_ =	shalt  }
0x7d: {  	_ =	shalt  }
0x7e: {  	_ =	shalt  }
0x7f: {  	_ =	shalt  }
0x80: {  	_ =	shalt  }
0x81: {  	_ =	shalt  }
0x82: {  	_ =	shalt  }
0x83: {  	_ =	shalt  }
0x84: {  	_ =	shalt  }
0x85: {  	_ =	shalt  }
0x86: {  	_ =	shalt  }
0x87: {  	_ =	shalt  }
.Lfunc_end0:
.L_simem_size_0:
called_computation_lowered:
.L_overlay_start_0:
0x88: {  	s2 =	sld [smem:$0x3FD9]  }
0x89: {  	s3 =	sld [smem:$0x3FFE];
	_ =	sdelay $0x1  }
0x8a: {  	s1 =	srdreg.scid  }
0x8b: {  	s0 =	sand.u32 $0x1, s1  }
0x8c: {  	s17 =	sshll.u32 s0, $0xA;
	s2 =	sadd.s32 s3, s2  }
0x8d: {  	s2 =	sadd.s32 s2, s17  }
0x8e: {  	[smem:$0x3FC0] =	sst s2  }
0x8f: {  	_ = 	snop  }
0x90: {  	s2 =	sld [smem:$0x3FD0];
	(tm) =	ssettm $0x1  }
0x91: {  	s18 =	sld [smem:$0x3FFB];
	_ =	sdelay $0x3  }
0x92: {  	_ =	strace s18  }
0x93: {  	s3 =	sld [smem:$0x3FFC];
	_ =	sdelay $0x3  }
0x94: {  	_ =	strace s3  }
0x95: {  	s3 =	sld [smem:$0x3FFD];
	_ =	sdelay $0x3  }
0x96: {  	_ =	strace s3  }
0x97: {  	_ =	strace $0x8FFFFFFF  }
0x98: {  	s19 =	sld [smem:$0x3FDB];
	_ =	sdelay $0x1  }
0x99: {  	s4 =	simm.s32 $_scs_section_size  }
0x9a: {  	s5 =	simm.s32 $_size__tile_overlayer_lowered;
	s6 =	simm.s32 $_tile_overlayer_lowered  }
0x9b: {  	s22 =	simm.s32 $0x1BFF;
	s21 =	sshll.u32 s6, $0x1;
	s3 =	sadd.s32 s4, s19  }
0x9c: {  	s7 =	simm.s32 $0x0;
	s20 =	sshll.u32 s5, $0x1;
	s5 =	sadd.s32 s21, s3  }
0x9d: {  	[timem:s7], [sflag:s22] =	dma.local [hbm:s5], s20  }
0x9e: {  	_ =	swait.ge [sflag:s22], s20  }
0x9f: {  	s4 =	ssub.s32 $0x0, s20;
	[sflag:s22] =	ssyncset.done $0x0  }
0xa0: {  	[sflag:s22] =	ssyncadd.s32 s4;
	_ =	sdelay $0x1  }
0xa1: {  	s23 =	simm.s32 $0x1B8B  }
0xa2: {  	_ =	swait.ge [sflag:s23], $0x1  }
0xa3: {  	[sflag:s23] =	ssyncset.done $0x0  }
0xa4: {  	s25 =	simm.s32 $0x1B8E;
	s24 =	sld [smem:$0x3FFE];
	[sflag:s23] =	ssyncadd.s32 $0xFFFFFFFF  }
0xa5: {  	s26 =	simm.s32 $execute0_lowered;
	[smem:$0x3FD2] =	sst s25  }
0xa6: {  	s5 =	sshll.u32 s26, $0x1;
	_ =	strace $0x80000046;
	[dreg:$0x1] =	wrdreg $0xFFFFFFFF  }
0xa7: {  	s28 =	simm.s32 $_size_execute0_lowered;
	s3 =	sadd.s32 s3, s5;
	[dreg:$0x0] =	wrdreg $0x0  }
0xa8: {  	s5 =	sshll.u32 s28, $0x1;
	[dreg:$0x2] =	wrdreg s3  }
0xa9: {  	[dreg:$0x3] =	wrdreg s5  }
0xaa: {  	[dreg:$0x4] =	wrdreg $0xC0  }
0xab: {  	_ =	task [dreg:s7], $0x5FFFF  }
0xac: {  	[dreg:$0x1] =	wrdreg $0xFFFFFFFF  }
0xad: {  	[dreg:$0x0] =	wrdreg $0x60  }
0xae: {  	[dreg:$0x2] =	wrdreg s2  }
0xaf: {  	[dreg:$0x3] =	wrdreg s24  }
0xb0: {  	[dreg:$0x4] =	wrdreg $0x84000  }
0xb1: {  	[dreg:$0x5] =	wrdreg $0x9  }
0xb2: {  	_ =	task.clear_ibuf [dreg:s7], $0x6FFFF;
	_ =	strace $0x90000046  }
0xb3: {  	s29 =	simm.s32 $0x9;
	_ =	strace $0x80000048  }
0xb4: {  	_ =	swait.ge [sflag:s29], $0x1  }
0xb5: {  	[sflag:s29] =	ssyncadd.s32 $0xFFFFFFFF  }
0xb6: {  	_ =	strace $0x90000048  }
0xb7: {  	_ =	sfence  }
0xb8: {  	s30 =	sld [smem:$0x0];
	_ =	sdelay $0x2  }
0xb9: {  	s31 =	sshll.u32 s1, $0xD;
	s1 =	sshrl.u32 s1, $0x2  }
0xba: {  	s3 =	sand.u32 $0x4000, s31;
	s1 =	sadd.s32 s1, s30  }
0xbb: {  	s0 =	sor.u32 s3, s0;
	s1 =	sshll.u32 s1, $0x11  }
0xbc: {  	s0 =	sor.u32 s1, s0  }
0xbd: {  	s0 =	sadd.s32 $0x8F2B, s0  }
0xbe: {  	[sflag:s0] =	ssyncadd.remote.s32 $0x1  }
0xbf: {  	_ =	sfence.sel $0xFFFF  }
0xc0: {  	[dreg:$0x0] =	wrdreg $0xFFFFFFFF;
	(pc) =	sbr.abs _section_cstart, $3  }
0xc1: {  	[dreg:$0x1] =	wrdreg $0xFFFFFFFF  }
0xc2: {  	_ =	task.clear_ibuf [dreg:s7], $0x2FFFF;
	_ =	strace $0x9FFFFFFF  }
0xc3: {  	(tm) =	ssettm $0x7FFFFFFF  }
tec
execute0_lowered:
.L_overlay_start_1:
0x0: {  	(tag) =	ssettag $0x1  }
0x1: {  	s1 =	rddreg [dreg:$0x0]  }
0x2: {  	s0 =	rddreg [dreg:$0x1]  }
0x3: {  	s2 =	rddreg [dreg:$0x2]  }
0x4: {  	s3 =	simm.s32 $0x0;
	s4 =	srdreg.scid;
	s11 =	stileid.u32  }
0x5: {  	s12 =	simm.s32 $0x7;
	s13 =	simm.s32 $0x200;
	s14 =	simm.s32 $0x40  }
0x6: {  	s15 =	simm.s32 $0x400;
	s28 =	simm.s32 $0x3;
	s29 =	simm.s32 $0x4  }
0x7: {  	s30 =	simm.s32 $0x280;
	s31 =	simm.s32 $0x6;
	[smem:$0x7FF] =	sst s3  }
0x8: {  	s4 =	sand.u32 $0x1, s4;
	s5 =	sadd.s32 $0xC400, s0;
	s16 =	smul.u32 $0x2800, s11  }
0x9: {  	s7 =	sadd.s32 $0x3400, s0;
	s9 =	sshll.u32 s11, $0x8;
	s10 =	sshll.u32 s11, $0x7  }
0xa: {  	s19 =	sadd.s32 $0x3E600, s0;
	s21 =	smul.u32 $0x50000, s11;
	s23 =	sshll.u32 s11, $0x6  }
0xb: {  	_ =	strace $0x80000047;
	s6 =	sshll.u32 s4, $0x4;
	[dreg:$0x5] =	wrdreg s5  }
0xc: {  	s8 =	smul.u32 $0x28000, s4;
	[dreg:$0x6] =	wrdreg s7;
	s17 =	sadd.s32 s9, s0  }
0xd: {  	s18 =	sand.u32 $0x380, s10;
	[dreg:$0x8] =	wrdreg s19;
	s20 =	ssub.s32 $0x2, s4  }
0xe: {  	p0 =	sne.s32 s4, $0x0;
	s19 =	simm.s32 $0xC0;
	s4 =	simm.s32 $0x1C0  }
0xf: {  	s7 =	simm.s32 $0x380;
	s6 =	sor.u32 s11, s6;
	s22 =	sshrl.u32 s20, $0x1  }
0x10: {  	s9 =	sshrl.u32 s21, $0x2;
	s11 =	smul.u32 $0x4800, s11;
	s25 =	sadd.s32 $0x15400, s17  }
0x11: {  	s10 =	sadd.s32 $0x16400, s17;
	s17 =	simm.s32 $0x80;
	s21 =	simm.s32 $0x1  }
0x12: {  	s6 =	sshrl.u32 s6, $0x3;
	s5 =	sadd.s32 s16, s8;
	s24 =	sadd.s32 s9, s2  }
0x13: {  	s9 =	sor.u32 $0x1C07, s23;
	[dreg:$0x4] =	wrdreg s25;
	s16 =	simm.s32 $0x2400  }
0x14: {  	s23 =	simm.s32 $0x1C400;
	s25 =	simm.s32 $0x100;
	s6 =	smul.u32 $0x14000, s6  }
0x15: {  	s5 =	sadd.s32 s5, s0;
	[dreg:$0x7] =	wrdreg s11;
	s8 =	sshrl.u32 s24, $0x3  }
0x16: {  	s24 =	simm.s32 $0x5;
	s11 =	simm.s32 $0x0;
	[dreg:$0x9] =	wrdreg s9  }
0x17: {  	s5 =	sadd.s32 $0x40E00, s5;
	[dreg:$0xd] =	wrdreg s8;
	s6 =	sor.u32 s18, s6  }
.Ltmp0:
0x18: {  	[dreg:$0xa] =	wrdreg s5;
	s6 =	sshrl.u32 s6, $0x3;
	(pc) =	sbr.rel .LBB2_1-.Ltmp0, $4  }
0x19: {  	s18 =	simm.s32 $0x4400;
	s5 =	simm.s32 $0x300;
	s0 =	sadd.s32 s6, s0  }
0x1a: {  	s6 =	ssub.s32 s20, s22;
	s20 =	simm.s32 $0x6400;
	s0 =	sadd.s32 $0x90E00, s0  }
0x1b: {  	s22 =	simm.s32 $0x2;
	s26 =	smax.u32 s6, $0x1;
	[dreg:$0xb] =	wrdreg s0  }
0x1c: {  	v0 =	vimm.f32 $0.0e+00;
	v1 =	vimm.f32 $1.000000000e+00;
	[dreg:$0xc] =	wrdreg s26;
	s26 =	simm.s32 $0x140;
	s0 =	simm.s32 $0x180  }
.LBB2_6:
0x1d: {  	[bflag:$0x0] =	sbarrier.arrive $0xFFFF  }
0x1e: {  	s9 =	rddreg [dreg:$0x9]  }
0x1f: {  	s6 =	rddreg [dreg:$0xa]  }
0x20: {  	s8 =	rddreg [dreg:$0xd]  }
0x21: {  	[hbm:s6], [sflag:s9] =	dma.local [spmem:s8], $0x2800  }
0x22: {  	_ =	swait.ge [sflag:s12], $0x2800  }
0x23: {  	[sflag:s12] =	ssyncset.done $0x0  }
0x24: {  	s11 =	rddreg [dreg:$0xb];
	[sflag:s12] =	ssyncadd.s32 $0xFFFFD800  }
0x25: {  	[hbm4b:s11+s17] =	stream.strided.scatter [tilespmem:s23], [sflag:$0x7], $0x2800, s15, s17, $0x38;
	[tilespmem:$0x1EC00] =	vst v63  }
0x26: {  	_ =	swait.ge [sflag:s12], $0x2800  }
0x27: {  	s11 =	rddreg [dreg:$0xe]  }
0x28: {  	s6 =	rddreg [dreg:$0xc];
	s11 =	sadd.s32 $0x1, s11  }
0x29: {  	p1 =	sne.s32 s11, s6  }
.Ltmp1:
0x2a: {  	_ = 	snop;
	(pc) =	sbr.rel @!p1 .LBB2_7-.Ltmp1, $3  }
0x2b: {  	_ =	sdelay $0x1  }
0x2c: {  	[sflag:s12] =	ssyncset.done $0x0  }
0x2d: {  	[sflag:s12] =	ssyncadd.s32 $0xFFFFD800  }
.LBB2_1:
0x2e: {  	[dreg:$0xe] =	wrdreg s11  }
0x2f: {  	s6 =	rddreg [dreg:$0x8]  }
0x30: {  	[spmem:s8], [sflag:s9] =	dma.local [hbm:s6], $0x2800  }
0x31: {  	_ =	swait.ge [sflag:s12], $0x2800  }
0x32: {  	[sflag:s12] =	ssyncset.done $0x0  }
0x33: {  	s9 =	simm.s32 $0x40;
	s6 =	simm.s32 $0x0;
	[sflag:s12] =	ssyncadd.s32 $0xFFFFD800  }
.LBB2_2:
0x34: {  	p1 =	sne.s32 s9, $0x9FC0;
	[tilespmem:s6+$0x1C400] =	vst v0;
	s6 =	smov.u32 s9;
	s9 =	sadd.s32 $0x40, s9  }
.Ltmp2:
0x35: {  	(pc) =	sbr.rel @p1 .LBB2_2-.Ltmp2, $2  }
0x36: {  	_ =	sdelay $0x2  }
0x37: {  	s6 =	sshra.s32 s6, $0x2  }
.Ltmp3:
0x38: {  	(pc) =	sbr.rel @p0 .LBB2_5-.Ltmp3, $4  }
0x39: {  	_ = 	snop  }
0x3a: {  	[tilespmem:s6+$0x1C400] =	vst v0  }
0x3b: {  	[bflag:$0x0] =	sbarrier.arrive $0xFFFF  }
0x3c: {  	s9 =	simm.s32 $0x0  }
.LBB2_4:
0x3d: {  	s6 =	rddreg [dreg:$0x7];
	s11 =	sand.u32 $0x7C00, s9  }
0x3e: {  	s6 =	sadd.s32 s6, s11;
	s11 =	sand.u32 $0x200, s9  }
0x3f: {  	s6 =	sor.u32 s11, s6  }
0x40: {  	s8 =	rddreg [dreg:$0x5];
	s6 =	sshrl.u32 s6, $0x3  }
0x41: {  	s8 =	sadd.s32 s8, s6  }
0x42: {  	[tilespmem:s3], [sflag:$0x7] =	stream.linear.gather [hbm4b:s8+s3], $0x200, $0x38;
	[tilespmem:$0x1EC00] =	vst v63  }
0x43: {  	_ =	swait.ge [sflag:s12], $0x200  }
0x44: {  	s11 =	rddreg [dreg:$0x6];
	[sflag:s12] =	ssyncset.done $0x0  }
0x45: {  	s6 =	sadd.s32 s11, s6;
	[sflag:s12] =	ssyncadd.s32 $0xFFFFFE00  }
0x46: {  	[tilespmem:s13], [sflag:$0x7] =	stream.linear.gather [hbm4b:s6+s3], $0x200, $0x38;
	[tilespmem:$0x1EC00] =	vst v63  }
0x47: {  	_ =	swait.ge [sflag:s12], $0x200  }
0x48: {  	[sflag:s12] =	ssyncset.done $0x0  }
0x49: {  	[sflag:s12] =	ssyncadd.s32 $0xFFFFFE00  }
0x4a: {  	[tilespmem:s15], [sflag:$0x1] =	stream.indirect.gather [hbm4b:s1+s14], $0x80, s3, s14, $0xb8;
	[tilespmem:$0x1EC00] =	vst v63  }
0x4b: {  	_ = 	snop  }
0x4c: {  	[tilespmem:s16], [sflag:$0x2] =	stream.indirect.gather [hbm4b:s1+s14], $0x80, s14, s14, $0xb8;
	[tilespmem:$0x1EC00] =	vst v63  }
0x4d: {  	_ = 	snop  }
0x4e: {  	[tilespmem:s18], [sflag:$0x3] =	stream.indirect.gather [hbm4b:s1+s14], $0x80, s17, s14, $0xb8;
	[tilespmem:$0x1EC00] =	vst v63  }
0x4f: {  	_ = 	snop  }
0x50: {  	[tilespmem:s20], [sflag:$0x4] =	stream.indirect.gather [hbm4b:s1+s14], $0x80, s19, s14, $0xb8;
	[tilespmem:$0x1EC00] =	vst v63  }
0x51: {  	_ =	swait.ge [sflag:s21], $0x2000  }
0x52: {  	[sflag:s21] =	ssyncset.done $0x0  }
0x53: {  	[sflag:s21] =	ssyncadd.s32 $0xFFFFE000  }
0x54: {  	_ =	swait.ge [sflag:s22], $0x2000  }
0x55: {  	[sflag:s22] =	ssyncset.done $0x0  }
0x56: {  	[sflag:s22] =	ssyncadd.s32 $0xFFFFE000  }
0x57: {  	[spmem:s2] =	stream.indirect.scatter.add.f32 [tilespmem:s15], [sflag:$0x5], $0x80, s13, s17, $0xb8;
	[tilespmem:$0x1EC00] =	vst v63  }
0x58: {  	v2 =	vld [tilespmem:$0x200];
	_ =	sdelay $0x7  }
0x59: {  	[tilespmem:v2+s23+$0x0] =	vst.idx.add.f32.msk $0xffff, v1  }
0x5a: {  	v2 =	vld [tilespmem:$0x210];
	_ =	sdelay $0x7  }
0x5b: {  	[tilespmem:v2+s23+$0x0] =	vst.idx.add.f32.msk $0xffff, v1  }
0x5c: {  	v2 =	vld [tilespmem:$0x220];
	_ =	sdelay $0x7  }
0x5d: {  	[tilespmem:v2+s23+$0x0] =	vst.idx.add.f32.msk $0xffff, v1  }
0x5e: {  	v2 =	vld [tilespmem:$0x230];
	_ =	sdelay $0x7  }
0x5f: {  	[tilespmem:v2+s23+$0x0] =	vst.idx.add.f32.msk $0xffff, v1  }
0x60: {  	v2 =	vld [tilespmem:$0x240];
	_ =	sdelay $0x7  }
0x61: {  	[tilespmem:v2+s23+$0x0] =	vst.idx.add.f32.msk $0xffff, v1  }
0x62: {  	v2 =	vld [tilespmem:$0x250];
	_ =	sdelay $0x7  }
0x63: {  	[tilespmem:v2+s23+$0x0] =	vst.idx.add.f32.msk $0xffff, v1  }
0x64: {  	v2 =	vld [tilespmem:$0x260];
	_ =	sdelay $0x7  }
0x65: {  	[tilespmem:v2+s23+$0x0] =	vst.idx.add.f32.msk $0xffff, v1  }
0x66: {  	v2 =	vld [tilespmem:$0x270];
	_ =	sdelay $0x7  }
0x67: {  	[tilespmem:v2+s23+$0x0] =	vst.idx.add.f32.msk $0xffff, v1  }
0x68: {  	_ =	swait.ge [sflag:s24], $0x4000  }
0x69: {  	[sflag:s24] =	ssyncset.done $0x0  }
0x6a: {  	[sflag:s24] =	ssyncadd.s32 $0xFFFFC000  }
0x6b: {  	[tilespmem:s15], [sflag:$0x1] =	stream.indirect.gather [hbm4b:s1+s14], $0x80, s25, s14, $0xb8;
	[tilespmem:$0x1EC00] =	vst v63  }
0x6c: {  	_ = 	snop  }
0x6d: {  	[tilespmem:s16], [sflag:$0x2] =	stream.indirect.gather [hbm4b:s1+s14], $0x80, s26, s14, $0xb8;
	[tilespmem:$0x1EC00] =	vst v63  }
0x6e: {  	_ =	swait.ge [sflag:s28], $0x2000  }
0x6f: {  	[sflag:s28] =	ssyncset.done $0x0  }
0x70: {  	[sflag:s28] =	ssyncadd.s32 $0xFFFFE000  }
0x71: {  	_ =	swait.ge [sflag:s29], $0x2000  }
0x72: {  	[sflag:s29] =	ssyncset.done $0x0  }
0x73: {  	[sflag:s29] =	ssyncadd.s32 $0xFFFFE000  }
0x74: {  	[spmem:s2] =	stream.indirect.scatter.add.f32 [tilespmem:s18], [sflag:$0x6], $0x80, s30, s17, $0xb8;
	[tilespmem:$0x1EC00] =	vst v63  }
0x75: {  	v2 =	vld [tilespmem:$0x280];
	_ =	sdelay $0x7  }
0x76: {  	[tilespmem:v2+s23+$0x0] =	vst.idx.add.f32.msk $0xffff, v1  }
0x77: {  	v2 =	vld [tilespmem:$0x290];
	_ =	sdelay $0x7  }
0x78: {  	[tilespmem:v2+s23+$0x0] =	vst.idx.add.f32.msk $0xffff, v1  }
0x79: {  	v2 =	vld [tilespmem:$0x2A0];
	_ =	sdelay $0x7  }
0x7a: {  	[tilespmem:v2+s23+$0x0] =	vst.idx.add.f32.msk $0xffff, v1  }
0x7b: {  	v2 =	vld [tilespmem:$0x2B0];
	_ =	sdelay $0x7  }
0x7c: {  	[tilespmem:v2+s23+$0x0] =	vst.idx.add.f32.msk $0xffff, v1  }
0x7d: {  	v2 =	vld [tilespmem:$0x2C0];
	_ =	sdelay $0x7  }
0x7e: {  	[tilespmem:v2+s23+$0x0] =	vst.idx.add.f32.msk $0xffff, v1  }
0x7f: {  	v2 =	vld [tilespmem:$0x2D0];
	_ =	sdelay $0x7  }
0x80: {  	[tilespmem:v2+s23+$0x0] =	vst.idx.add.f32.msk $0xffff, v1  }
0x81: {  	v2 =	vld [tilespmem:$0x2E0];
	_ =	sdelay $0x7  }
0x82: {  	[tilespmem:v2+s23+$0x0] =	vst.idx.add.f32.msk $0xffff, v1  }
0x83: {  	v2 =	vld [tilespmem:$0x2F0];
	_ =	sdelay $0x7  }
0x84: {  	[tilespmem:v2+s23+$0x0] =	vst.idx.add.f32.msk $0xffff, v1  }
0x85: {  	_ =	swait.ge [sflag:s31], $0x4000  }
0x86: {  	[sflag:s31] =	ssyncset.done $0x0  }
0x87: {  	[sflag:s31] =	ssyncadd.s32 $0xFFFFC000  }
0x88: {  	[tilespmem:s18], [sflag:$0x3] =	stream.indirect.gather [hbm4b:s1+s14], $0x80, s0, s14, $0xb8;
	[tilespmem:$0x1EC00] =	vst v63  }
0x89: {  	_ = 	snop  }
0x8a: {  	[tilespmem:s20], [sflag:$0x4] =	stream.indirect.gather [hbm4b:s1+s14], $0x80, s4, s14, $0xb8;
	[tilespmem:$0x1EC00] =	vst v63  }
0x8b: {  	_ =	swait.ge [sflag:s21], $0x2000  }
0x8c: {  	[sflag:s21] =	ssyncset.done $0x0  }
0x8d: {  	[sflag:s21] =	ssyncadd.s32 $0xFFFFE000  }
0x8e: {  	_ =	swait.ge [sflag:s22], $0x2000  }
0x8f: {  	[sflag:s22] =	ssyncset.done $0x0  }
0x90: {  	[sflag:s22] =	ssyncadd.s32 $0xFFFFE000  }
0x91: {  	[spmem:s2] =	stream.indirect.scatter.add.f32 [tilespmem:s15], [sflag:$0x5], $0x80, s5, s17, $0xb8;
	[tilespmem:$0x1EC00] =	vst v63  }
0x92: {  	v2 =	vld [tilespmem:$0x300];
	_ =	sdelay $0x7  }
0x93: {  	[tilespmem:v2+s23+$0x0] =	vst.idx.add.f32.msk $0xffff, v1  }
0x94: {  	v2 =	vld [tilespmem:$0x310];
	_ =	sdelay $0x7  }
0x95: {  	[tilespmem:v2+s23+$0x0] =	vst.idx.add.f32.msk $0xffff, v1  }
0x96: {  	v2 =	vld [tilespmem:$0x320];
	_ =	sdelay $0x7  }
0x97: {  	[tilespmem:v2+s23+$0x0] =	vst.idx.add.f32.msk $0xffff, v1  }
0x98: {  	v2 =	vld [tilespmem:$0x330];
	_ =	sdelay $0x7  }
0x99: {  	[tilespmem:v2+s23+$0x0] =	vst.idx.add.f32.msk $0xffff, v1  }
0x9a: {  	v2 =	vld [tilespmem:$0x340];
	_ =	sdelay $0x7  }
0x9b: {  	[tilespmem:v2+s23+$0x0] =	vst.idx.add.f32.msk $0xffff, v1  }
0x9c: {  	v2 =	vld [tilespmem:$0x350];
	_ =	sdelay $0x7  }
0x9d: {  	[tilespmem:v2+s23+$0x0] =	vst.idx.add.f32.msk $0xffff, v1  }
0x9e: {  	v2 =	vld [tilespmem:$0x360];
	_ =	sdelay $0x7  }
0x9f: {  	[tilespmem:v2+s23+$0x0] =	vst.idx.add.f32.msk $0xffff, v1  }
0xa0: {  	v2 =	vld [tilespmem:$0x370];
	_ =	sdelay $0x7  }
0xa1: {  	[tilespmem:v2+s23+$0x0] =	vst.idx.add.f32.msk $0xffff, v1  }
0xa2: {  	_ =	swait.ge [sflag:s24], $0x4000  }
0xa3: {  	[sflag:s24] =	ssyncset.done $0x0  }
0xa4: {  	[sflag:s24] =	ssyncadd.s32 $0xFFFFC000  }
0xa5: {  	_ =	swait.ge [sflag:s28], $0x2000  }
0xa6: {  	[sflag:s28] =	ssyncset.done $0x0  }
0xa7: {  	[sflag:s28] =	ssyncadd.s32 $0xFFFFE000  }
0xa8: {  	_ =	swait.ge [sflag:s29], $0x2000  }
0xa9: {  	[sflag:s29] =	ssyncset.done $0x0  }
0xaa: {  	[sflag:s29] =	ssyncadd.s32 $0xFFFFE000  }
0xab: {  	[spmem:s2] =	stream.indirect.scatter.add.f32 [tilespmem:s18], [sflag:$0x6], $0x80, s7, s17, $0xb8;
	[tilespmem:$0x1EC00] =	vst v63  }
0xac: {  	v2 =	vld [tilespmem:$0x380];
	_ =	sdelay $0x7  }
0xad: {  	[tilespmem:v2+s23+$0x0] =	vst.idx.add.f32.msk $0xffff, v1  }
0xae: {  	v2 =	vld [tilespmem:$0x390];
	_ =	sdelay $0x7  }
0xaf: {  	[tilespmem:v2+s23+$0x0] =	vst.idx.add.f32.msk $0xffff, v1  }
0xb0: {  	v2 =	vld [tilespmem:$0x3A0];
	_ =	sdelay $0x7  }
0xb1: {  	[tilespmem:v2+s23+$0x0] =	vst.idx.add.f32.msk $0xffff, v1  }
0xb2: {  	v2 =	vld [tilespmem:$0x3B0];
	_ =	sdelay $0x7  }
0xb3: {  	[tilespmem:v2+s23+$0x0] =	vst.idx.add.f32.msk $0xffff, v1  }
0xb4: {  	v2 =	vld [tilespmem:$0x3C0];
	_ =	sdelay $0x7  }
0xb5: {  	[tilespmem:v2+s23+$0x0] =	vst.idx.add.f32.msk $0xffff, v1  }
0xb6: {  	v2 =	vld [tilespmem:$0x3D0];
	_ =	sdelay $0x7  }
0xb7: {  	[tilespmem:v2+s23+$0x0] =	vst.idx.add.f32.msk $0xffff, v1  }
0xb8: {  	v2 =	vld [tilespmem:$0x3E0];
	_ =	sdelay $0x7  }
0xb9: {  	[tilespmem:v2+s23+$0x0] =	vst.idx.add.f32.msk $0xffff, v1  }
0xba: {  	v2 =	vld [tilespmem:$0x3F0];
	_ =	sdelay $0x5  }
0xbb: {  	p1 =	seq.s32 s9, $0x4600  }
.Ltmp4:
0xbc: {  	_ = 	snop;
	(pc) =	sbr.rel @!p1 .LBB2_4-.Ltmp4, $4  }
0xbd: {  	[tilespmem:v2+s23+$0x0] =	vst.idx.add.f32.msk $0xffff, v1  }
0xbe: {  	_ =	swait.ge [sflag:s31], $0x4000  }
0xbf: {  	[sflag:s31] =	ssyncset.done $0x0  }
0xc0: {  	s9 =	sadd.s32 $0x200, s9;
	[sflag:s31] =	ssyncadd.s32 $0xFFFFC000  }
.Ltmp5:
0xc1: {  	_ = 	snop;
	(pc) =	sbr.rel .LBB2_6-.Ltmp5, $1  }
0xc2: {  	_ =	sdelay $0x3  }
.LBB2_5:
0xc3: {  	s6 =	sadd.s32 s9, s10  }
0xc4: {  	[tilespmem:s3], [sflag:$0x7] =	stream.linear.gather [hbm4b:s6+s3], $0x200, $0x38;
	[tilespmem:$0x1EC00] =	vst v63  }
0xc5: {  	_ =	swait.ge [sflag:s12], $0x200  }
0xc6: {  	s11 =	rddreg [dreg:$0x4];
	[sflag:s12] =	ssyncset.done $0x0  }
0xc7: {  	[sflag:s12] =	ssyncadd.s32 $0xFFFFFE00;
	s6 =	sadd.s32 s9, s11  }
0xc8: {  	[tilespmem:s13], [sflag:$0x7] =	stream.linear.gather [hbm4b:s6+s3], $0x200, $0x38;
	[tilespmem:$0x1EC00] =	vst v63  }
0xc9: {  	_ =	swait.ge [sflag:s12], $0x200  }
0xca: {  	[sflag:s12] =	ssyncset.done $0x0  }
0xcb: {  	[sflag:s12] =	ssyncadd.s32 $0xFFFFFE00  }
0xcc: {  	[tilespmem:s15], [sflag:$0x1] =	stream.indirect.gather [hbm4b:s1+s14], $0x80, s3, s14, $0xb8;
	[tilespmem:$0x1EC00] =	vst v63  }
0xcd: {  	_ = 	snop  }
0xce: {  	[tilespmem:s16], [sflag:$0x2] =	stream.indirect.gather [hbm4b:s1+s14], $0x80, s14, s14, $0xb8;
	[tilespmem:$0x1EC00] =	vst v63  }
0xcf: {  	_ = 	snop  }
0xd0: {  	[tilespmem:s18], [sflag:$0x3] =	stream.indirect.gather [hbm4b:s1+s14], $0x80, s17, s14, $0xb8;
	[tilespmem:$0x1EC00] =	vst v63  }
0xd1: {  	_ = 	snop  }
0xd2: {  	[tilespmem:s20], [sflag:$0x4] =	stream.indirect.gather [hbm4b:s1+s14], $0x80, s19, s14, $0xb8;
	[tilespmem:$0x1EC00] =	vst v63  }
0xd3: {  	_ =	swait.ge [sflag:s21], $0x2000  }
0xd4: {  	[sflag:s21] =	ssyncset.done $0x0  }
0xd5: {  	[sflag:s21] =	ssyncadd.s32 $0xFFFFE000  }
0xd6: {  	_ =	swait.ge [sflag:s22], $0x2000  }
0xd7: {  	[sflag:s22] =	ssyncset.done $0x0  }
0xd8: {  	[sflag:s22] =	ssyncadd.s32 $0xFFFFE000  }
0xd9: {  	[spmem:s2] =	stream.indirect.scatter.add.f32 [tilespmem:s15], [sflag:$0x5], $0x80, s13, s17, $0xb8;
	[tilespmem:$0x1EC00] =	vst v63  }
0xda: {  	v2 =	vld [tilespmem:$0x200];
	_ =	sdelay $0x7  }
0xdb: {  	[tilespmem:v2+s23+$0x0] =	vst.idx.add.f32.msk $0xffff, v1  }
0xdc: {  	v2 =	vld [tilespmem:$0x210];
	_ =	sdelay $0x7  }
0xdd: {  	[tilespmem:v2+s23+$0x0] =	vst.idx.add.f32.msk $0xffff, v1  }
0xde: {  	v2 =	vld [tilespmem:$0x220];
	_ =	sdelay $0x7  }
0xdf: {  	[tilespmem:v2+s23+$0x0] =	vst.idx.add.f32.msk $0xffff, v1  }
0xe0: {  	v2 =	vld [tilespmem:$0x230];
	_ =	sdelay $0x7  }
0xe1: {  	[tilespmem:v2+s23+$0x0] =	vst.idx.add.f32.msk $0xffff, v1  }
0xe2: {  	v2 =	vld [tilespmem:$0x240];
	_ =	sdelay $0x7  }
0xe3: {  	[tilespmem:v2+s23+$0x0] =	vst.idx.add.f32.msk $0xffff, v1  }
0xe4: {  	v2 =	vld [tilespmem:$0x250];
	_ =	sdelay $0x7  }
0xe5: {  	[tilespmem:v2+s23+$0x0] =	vst.idx.add.f32.msk $0xffff, v1  }
0xe6: {  	v2 =	vld [tilespmem:$0x260];
	_ =	sdelay $0x7  }
0xe7: {  	[tilespmem:v2+s23+$0x0] =	vst.idx.add.f32.msk $0xffff, v1  }
0xe8: {  	v2 =	vld [tilespmem:$0x270];
	_ =	sdelay $0x7  }
0xe9: {  	[tilespmem:v2+s23+$0x0] =	vst.idx.add.f32.msk $0xffff, v1  }
0xea: {  	_ =	swait.ge [sflag:s24], $0x4000  }
0xeb: {  	[sflag:s24] =	ssyncset.done $0x0  }
0xec: {  	[sflag:s24] =	ssyncadd.s32 $0xFFFFC000  }
0xed: {  	[tilespmem:s15], [sflag:$0x1] =	stream.indirect.gather [hbm4b:s1+s14], $0x80, s25, s14, $0xb8;
	[tilespmem:$0x1EC00] =	vst v63  }
0xee: {  	_ = 	snop  }
0xef: {  	[tilespmem:s16], [sflag:$0x2] =	stream.indirect.gather [hbm4b:s1+s14], $0x80, s26, s14, $0xb8;
	[tilespmem:$0x1EC00] =	vst v63  }
0xf0: {  	_ =	swait.ge [sflag:s28], $0x2000  }
0xf1: {  	[sflag:s28] =	ssyncset.done $0x0  }
0xf2: {  	[sflag:s28] =	ssyncadd.s32 $0xFFFFE000  }
0xf3: {  	_ =	swait.ge [sflag:s29], $0x2000  }
0xf4: {  	[sflag:s29] =	ssyncset.done $0x0  }
0xf5: {  	[sflag:s29] =	ssyncadd.s32 $0xFFFFE000  }
0xf6: {  	[spmem:s2] =	stream.indirect.scatter.add.f32 [tilespmem:s18], [sflag:$0x6], $0x80, s30, s17, $0xb8;
	[tilespmem:$0x1EC00] =	vst v63  }
0xf7: {  	v2 =	vld [tilespmem:$0x280];
	_ =	sdelay $0x7  }
0xf8: {  	[tilespmem:v2+s23+$0x0] =	vst.idx.add.f32.msk $0xffff, v1  }
0xf9: {  	v2 =	vld [tilespmem:$0x290];
	_ =	sdelay $0x7  }
0xfa: {  	[tilespmem:v2+s23+$0x0] =	vst.idx.add.f32.msk $0xffff, v1  }
0xfb: {  	v2 =	vld [tilespmem:$0x2A0];
	_ =	sdelay $0x7  }
0xfc: {  	[tilespmem:v2+s23+$0x0] =	vst.idx.add.f32.msk $0xffff, v1  }
0xfd: {  	v2 =	vld [tilespmem:$0x2B0];
	_ =	sdelay $0x7  }
0xfe: {  	[tilespmem:v2+s23+$0x0] =	vst.idx.add.f32.msk $0xffff, v1  }
0xff: {  	v2 =	vld [tilespmem:$0x2C0];
	_ =	sdelay $0x7  }
0x100: {  	[tilespmem:v2+s23+$0x0] =	vst.idx.add.f32.msk $0xffff, v1  }
0x101: {  	v2 =	vld [tilespmem:$0x2D0];
	_ =	sdelay $0x7  }
0x102: {  	[tilespmem:v2+s23+$0x0] =	vst.idx.add.f32.msk $0xffff, v1  }
0x103: {  	v2 =	vld [tilespmem:$0x2E0];
	_ =	sdelay $0x7  }
0x104: {  	[tilespmem:v2+s23+$0x0] =	vst.idx.add.f32.msk $0xffff, v1  }
0x105: {  	v2 =	vld [tilespmem:$0x2F0];
	_ =	sdelay $0x7  }
0x106: {  	[tilespmem:v2+s23+$0x0] =	vst.idx.add.f32.msk $0xffff, v1  }
0x107: {  	_ =	swait.ge [sflag:s31], $0x4000  }
0x108: {  	[sflag:s31] =	ssyncset.done $0x0  }
0x109: {  	[sflag:s31] =	ssyncadd.s32 $0xFFFFC000  }
0x10a: {  	[tilespmem:s18], [sflag:$0x3] =	stream.indirect.gather [hbm4b:s1+s14], $0x80, s0, s14, $0xb8;
	[tilespmem:$0x1EC00] =	vst v63  }
0x10b: {  	_ = 	snop  }
0x10c: {  	[tilespmem:s20], [sflag:$0x4] =	stream.indirect.gather [hbm4b:s1+s14], $0x80, s4, s14, $0xb8;
	[tilespmem:$0x1EC00] =	vst v63  }
0x10d: {  	_ =	swait.ge [sflag:s21], $0x2000  }
0x10e: {  	[sflag:s21] =	ssyncset.done $0x0  }
0x10f: {  	[sflag:s21] =	ssyncadd.s32 $0xFFFFE000  }
0x110: {  	_ =	swait.ge [sflag:s22], $0x2000  }
0x111: {  	[sflag:s22] =	ssyncset.done $0x0  }
0x112: {  	[sflag:s22] =	ssyncadd.s32 $0xFFFFE000  }
0x113: {  	[spmem:s2] =	stream.indirect.scatter.add.f32 [tilespmem:s15], [sflag:$0x5], $0x80, s5, s17, $0xb8;
	[tilespmem:$0x1EC00] =	vst v63  }
0x114: {  	v2 =	vld [tilespmem:$0x300];
	_ =	sdelay $0x7  }
0x115: {  	[tilespmem:v2+s23+$0x0] =	vst.idx.add.f32.msk $0xffff, v1  }
0x116: {  	v2 =	vld [tilespmem:$0x310];
	_ =	sdelay $0x7  }
0x117: {  	[tilespmem:v2+s23+$0x0] =	vst.idx.add.f32.msk $0xffff, v1  }
0x118: {  	v2 =	vld [tilespmem:$0x320];
	_ =	sdelay $0x7  }
0x119: {  	[tilespmem:v2+s23+$0x0] =	vst.idx.add.f32.msk $0xffff, v1  }
0x11a: {  	v2 =	vld [tilespmem:$0x330];
	_ =	sdelay $0x7  }
0x11b: {  	[tilespmem:v2+s23+$0x0] =	vst.idx.add.f32.msk $0xffff, v1  }
0x11c: {  	v2 =	vld [tilespmem:$0x340];
	_ =	sdelay $0x7  }
0x11d: {  	[tilespmem:v2+s23+$0x0] =	vst.idx.add.f32.msk $0xffff, v1  }
0x11e: {  	v2 =	vld [tilespmem:$0x350];
	_ =	sdelay $0x7  }
0x11f: {  	[tilespmem:v2+s23+$0x0] =	vst.idx.add.f32.msk $0xffff, v1  }
0x120: {  	v2 =	vld [tilespmem:$0x360];
	_ =	sdelay $0x7  }
0x121: {  	[tilespmem:v2+s23+$0x0] =	vst.idx.add.f32.msk $0xffff, v1  }
0x122: {  	v2 =	vld [tilespmem:$0x370];
	_ =	sdelay $0x7  }
0x123: {  	[tilespmem:v2+s23+$0x0] =	vst.idx.add.f32.msk $0xffff, v1  }
0x124: {  	_ =	swait.ge [sflag:s24], $0x4000  }
0x125: {  	[sflag:s24] =	ssyncset.done $0x0  }
0x126: {  	[sflag:s24] =	ssyncadd.s32 $0xFFFFC000  }
0x127: {  	_ =	swait.ge [sflag:s28], $0x2000  }
0x128: {  	[sflag:s28] =	ssyncset.done $0x0  }
0x129: {  	[sflag:s28] =	ssyncadd.s32 $0xFFFFE000  }
0x12a: {  	_ =	swait.ge [sflag:s29], $0x2000  }
0x12b: {  	[sflag:s29] =	ssyncset.done $0x0  }
0x12c: {  	[sflag:s29] =	ssyncadd.s32 $0xFFFFE000  }
0x12d: {  	[spmem:s2] =	stream.indirect.scatter.add.f32 [tilespmem:s18], [sflag:$0x6], $0x80, s7, s17, $0xb8;
	[tilespmem:$0x1EC00] =	vst v63  }
0x12e: {  	v2 =	vld [tilespmem:$0x380];
	_ =	sdelay $0x7  }
0x12f: {  	[tilespmem:v2+s23+$0x0] =	vst.idx.add.f32.msk $0xffff, v1  }
0x130: {  	v2 =	vld [tilespmem:$0x390];
	_ =	sdelay $0x7  }
0x131: {  	[tilespmem:v2+s23+$0x0] =	vst.idx.add.f32.msk $0xffff, v1  }
0x132: {  	v2 =	vld [tilespmem:$0x3A0];
	_ =	sdelay $0x7  }
0x133: {  	[tilespmem:v2+s23+$0x0] =	vst.idx.add.f32.msk $0xffff, v1  }
0x134: {  	v2 =	vld [tilespmem:$0x3B0];
	_ =	sdelay $0x7  }
0x135: {  	[tilespmem:v2+s23+$0x0] =	vst.idx.add.f32.msk $0xffff, v1  }
0x136: {  	v2 =	vld [tilespmem:$0x3C0];
	_ =	sdelay $0x7  }
0x137: {  	[tilespmem:v2+s23+$0x0] =	vst.idx.add.f32.msk $0xffff, v1  }
0x138: {  	v2 =	vld [tilespmem:$0x3D0];
	_ =	sdelay $0x7  }
0x139: {  	[tilespmem:v2+s23+$0x0] =	vst.idx.add.f32.msk $0xffff, v1  }
0x13a: {  	v2 =	vld [tilespmem:$0x3E0];
	_ =	sdelay $0x7  }
0x13b: {  	[tilespmem:v2+s23+$0x0] =	vst.idx.add.f32.msk $0xffff, v1  }
0x13c: {  	v2 =	vld [tilespmem:$0x3F0];
	_ =	sdelay $0x5  }
0x13d: {  	p1 =	sne.s32 s9, $0xC0  }
.Ltmp6:
0x13e: {  	_ = 	snop;
	(pc) =	sbr.rel @p1 .LBB2_5-.Ltmp6, $4  }
0x13f: {  	[tilespmem:v2+s23+$0x0] =	vst.idx.add.f32.msk $0xffff, v1  }
0x140: {  	_ =	swait.ge [sflag:s31], $0x4000  }
0x141: {  	[sflag:s31] =	ssyncset.done $0x0  }
0x142: {  	s9 =	sadd.s32 $0x40, s9;
	[sflag:s31] =	ssyncadd.s32 $0xFFFFC000  }
.Ltmp7:
0x143: {  	_ = 	snop;
	(pc) =	sbr.rel .LBB2_6-.Ltmp7, $1  }
0x144: {  	_ =	sdelay $0x3  }
.LBB2_7:
0x145: {  	_ =	sfence.sel $0x180000  }
0x146: {  	[bflag:$0x0] =	sbarrier.arrive $0xFFFF  }
0x147: {  	_ =	strace $0x90000047  }
0x148: {  	s0 =	stileid.u32;
	[bflag:$0x2] =	sbarrier.arrive $0xFFFF  }
0x149: {  	p0 =	sne.s32 s0, $0x0;
	s0 =	rddreg [dreg:$0x3]  }
0x14a: {  	s0 =	sadd.s32 @!p0 $0x100000, s0  }
0x14b: {  	[sflag:s0] =	ssyncadd.tile.s32 @!p0 $0x1;
	_ =	shalt  }
.Lfunc_end2:
_tile_overlayer_lowered:
.L_overlay_start_2:
0x14c: {  	(tag) =	ssettag $0x2  }
0x14d: {  	s0 =	rddreg [dreg:$0x0];
	s2 =	stileid.u32  }
0x14e: {  	s1 =	rddreg [dreg:$0x1];
	p0 =	sne.s32 s2, $0x0  }
0x14f: {  	s3 =	rddreg [dreg:$0x2];
	[bflag:$0x3] =	sbarrier.arrive $0xFFFF;
	s2 =	simm.s32 @!p0 $0x1C07  }
0x150: {  	[timem:s3], [sflag:s2] =	dma.local @!p0 [hbm:s0], s1  }
0x151: {  	s0 =	simm.s32 @!p0 $0x7  }
0x152: {  	_ =	swait.ge @!p0 [sflag:s0], s1  }
0x153: {  	s1 =	ssub.s32 @!p0 $0x0, s1;
	[sflag:s0] =	ssyncset.done @!p0 $0x0  }
0x154: {  	[sflag:s0] =	ssyncadd.s32 @!p0 s1  }
0x155: {  	[bflag:$0x3] =	sbarrier.arrive $0xFFFF  }
0x156: {  	_ =	shalt  }

</sc_bundles>
